<compile_context>
chip_gen: v7x
topology: tpu7x:2x2x1
jax: 0.10.2.dev20260603
libtpu: 0.0.44.dev20260713+nightly
codegen_flags: <defaults>
</compile_context>

<pallas_src>
import jax
import jax.numpy as jnp
from jax import lax
from jax.experimental import pallas as pl
from jax.experimental.pallas import tpu as pltpu
from jax.experimental.pallas import tpu_sc as plsc

_N = 10000
_E = 640000
_W = 3 * _N
_FLAT = 30720
_NC = 2
_NS = 16
_L = 16
_NW = _NC * _NS
_COLS = _E // 128
_CA = _COLS // _NW
_NB = _COLS - _CA * _NW
_NA = _NW - _NB
_STAGE = (_CA + 1) * 128
_STEPS = _STAGE // _L
_NROUND = 3
_SLAB = _FLAT // _NROUND
_RED = _SLAB // _NS


def _fast_rsqrt(d2):
    half = jnp.float32(0.5)
    three_half = jnp.float32(1.5)
    ibits = plsc.bitcast(d2, jnp.int32)
    y = plsc.bitcast(jnp.int32(0x5F3759DF) - lax.shift_right_logical(ibits, 1),
                     jnp.float32)
    hd2 = half * d2
    y = y * (three_half - hd2 * y * y)
    y = y * (three_half - hd2 * y * y)
    return y


def _sc_body(pos_hbm, edge_hbm, fparts_hbm, eparts_hbm,
             pos_v, ev, fax, fay, faz, e_v, tmp_v, acc_v, shared,
             sem_in, sem_red):
    cid = lax.axis_index("c")
    sid = lax.axis_index("s")
    wid = sid * _NC + cid
    col_base = jnp.where(wid < _NA, wid * _CA, _NA * _CA + (wid - _NA) * (_CA + 1))
    cnt = jnp.where(wid < _NA, _CA * 128, _STAGE)

    cp_pos = pltpu.async_copy(pos_hbm, pos_v, sem_in)
    cp_edge = pltpu.async_copy(
        edge_hbm.at[:, pl.ds(col_base * 128, _STAGE)], ev, sem_in)

    zeros = jnp.zeros((_L,), jnp.float32)

    def zero_body(k, _):
        for ref in (fax, fay, faz):
            for j in range(16):
                ref[pl.ds(k * 256 + j * _L, _L)] = zeros
        return 0

    lax.fori_loop(0, _SLAB // 256, zero_body, 0)

    cp_pos.wait()
    cp_edge.wait()

    one = jnp.float32(1.0)
    half = jnp.float32(0.5)
    fzero = jnp.float32(0.0)
    lane = lax.iota(jnp.int32, _L)

    _scope_main = jax.named_scope("edge_loop")
    _scope_main.__enter__()

    @plsc.parallel_loop(0, _STEPS, 1, unroll=8,
                        carry=jnp.zeros((_L,), jnp.float32))
    def eacc(k, acc):
        s = ev[0, pl.ds(k * _L, _L)]
        t = ev[1, pl.ds(k * _L, _L)]
        valid = (lane + k * _L) < cnt
        s3 = s + s + s
        t3 = t + t + t
        xi = plsc.load_gather(pos_v, [s3])
        yi = plsc.load_gather(pos_v, [s3 + 1])
        zi = plsc.load_gather(pos_v, [s3 + 2])
        xj = plsc.load_gather(pos_v, [t3])
        yj = plsc.load_gather(pos_v, [t3 + 1])
        zj = plsc.load_gather(pos_v, [t3 + 2])
        dx = xj - xi
        dy = yj - yi
        dz = zj - zi
        d2 = dx * dx + dy * dy + dz * dz
        r = _fast_rsqrt(d2)
        d = d2 * r
        mask = d2 < one
        omd = one - d
        e = jnp.where(mask & valid, half * omd * omd, fzero)
        g = jnp.where(mask & valid, one - r, fzero)
        g = jnp.where(d2 == fzero, fzero, g)
        fx = g * dx
        fy = g * dy
        fz = g * dz
        plsc.addupdate_scatter(fax, [s], fx)
        plsc.addupdate_scatter(fay, [s], fy)
        plsc.addupdate_scatter(faz, [s], fz)
        plsc.addupdate_scatter(fax, [t], -fx)
        plsc.addupdate_scatter(fay, [t], -fy)
        plsc.addupdate_scatter(faz, [t], -fz)
        return acc + e

    _scope_main.__exit__(None, None, None)

    e_v[...] = eacc
    pltpu.sync_copy(e_v, eparts_hbm.at[pl.ds(wid * _L, _L)])

    _scope_red = jax.named_scope("reduce")
    _scope_red.__enter__()

    for rnd, facc in enumerate((fax, fay, faz)):
        pltpu.sync_copy(facc, shared.at[pl.ds(sid * _SLAB, _SLAB)])
        plsc.subcore_barrier()

        off = sid * _RED
        cps = [
            pltpu.async_copy(
                shared.at[pl.ds(p * _SLAB + off, _RED)],
                tmp_v.at[pl.ds(p * _RED, _RED)], sem_red)
            for p in range(1, _NS)
        ]
        pltpu.sync_copy(shared.at[pl.ds(off, _RED)], acc_v)
        for cp in cps:
            cp.wait()

        def add_body(k, _):
            acc = acc_v[pl.ds(k * _L, _L)]
            for p in range(1, _NS):
                acc = acc + tmp_v[pl.ds(p * _RED + k * _L, _L)]
            acc_v[pl.ds(k * _L, _L)] = acc
            return 0

        lax.fori_loop(0, _RED // _L, add_body, 0)
        pltpu.sync_copy(
            acc_v,
            fparts_hbm.at[pl.ds(cid * _FLAT + rnd * _SLAB + off, _RED)])
        plsc.subcore_barrier()
    _scope_red.__exit__(None, None, None)


_sc_call = pl.kernel(
    _sc_body,
    out_type=(
        jax.ShapeDtypeStruct((_NC * _FLAT,), jnp.float32),
        jax.ShapeDtypeStruct((_NW * _L,), jnp.float32),
    ),
    mesh=plsc.VectorSubcoreMesh(
        core_axis_name="c", subcore_axis_name="s",
        num_cores=_NC, num_subcores=_NS),
    scratch_types=[
        pltpu.VMEM((_W,), jnp.float32),
        pltpu.VMEM((2, _STAGE), jnp.int32),
        pltpu.VMEM((_SLAB,), jnp.float32),
        pltpu.VMEM((_SLAB,), jnp.float32),
        pltpu.VMEM((_SLAB,), jnp.float32),
        pltpu.VMEM((_L,), jnp.float32),
        pltpu.VMEM((_NS * _RED,), jnp.float32),
        pltpu.VMEM((_RED,), jnp.float32),
        pltpu.VMEM_SHARED((_NS * _SLAB,), jnp.float32),
        pltpu.SemaphoreType.DMA,
        pltpu.SemaphoreType.DMA,
    ],
    compiler_params=pltpu.CompilerParams(needs_layout_passes=False),
)


def _tc_body(fp_ref, ep_ref, f_ref, e_ref):
    f_ref[...] = fp_ref[0] + fp_ref[1]
    e_ref[0, 0] = jnp.float32(0.5) * jnp.sum(ep_ref[...])


_tc_call = pl.pallas_call(
    _tc_body,
    out_shape=(
        jax.ShapeDtypeStruct((_FLAT // 128, 128), jnp.float32),
        jax.ShapeDtypeStruct((1, 1), jnp.float32),
    ),
    grid=(),
    in_specs=[
        pl.BlockSpec(memory_space=pltpu.VMEM),
        pl.BlockSpec(memory_space=pltpu.VMEM),
    ],
    out_specs=(
        pl.BlockSpec(memory_space=pltpu.VMEM),
        pl.BlockSpec(memory_space=pltpu.SMEM),
    ),
)


@jax.jit
def kernel(positions, edge_index):
    pos_flat = positions.reshape(_W)
    fparts, eparts = _sc_call(pos_flat, edge_index)
    f2d, e = _tc_call(fparts.reshape(_NC, _FLAT // 128, 128),
                      eparts.reshape(4, 128))
    flat = f2d.reshape(_FLAT)
    forces = jnp.stack(
        [flat[:_N], flat[_SLAB:_SLAB + _N], flat[2 * _SLAB:2 * _SLAB + _N]],
        axis=1)
    return e[0, 0], forces

# --- scband reference (transcript-rebuilt; emitter-appended) ---
"""Pipeline reference for scband-unbatched-soft-sphere-model-30176440222238 (READ-ONLY COPY).

The authoritative reference and input builder live on the scoring server;
editing this copy changes nothing except your own understanding.
"""

import jax, jax.numpy as jnp
import numpy as np

N = 10000
E = 640000
SIGMA = 1.0
EPSILON = 1.0
ALPHA = 2.0


def setup_inputs(seed: int = 0) -> dict:
    key = jax.random.key(seed)
    k1, k2, k3 = jax.random.split(key, 3)
    positions = jax.random.normal(k1, (N, 3), dtype=jnp.float32)
    # random edges; avoid self-loops so dr > 0 for every pair (matches a real
    # neighbor-list output, which never contains i==j pairs)
    src = jax.random.randint(k2, (E,), 0, N, dtype=jnp.int32)
    off = jax.random.randint(k3, (E,), 1, N, dtype=jnp.int32)
    dst = (src + off) % N
    edge_index = jnp.stack([src, dst], axis=0)
    return {"positions": positions, "edge_index": edge_index}


def reference(positions, edge_index):
    i = edge_index[0]
    j = edge_index[1]
    # pair displacements (no PBC shifts; cell-free / open boundary path)
    dr_vec = positions[j] - positions[i]
    distances = jnp.sqrt(jnp.sum(dr_vec * dr_vec, axis=-1))

    mask = distances < SIGMA
    safe_d = jnp.where(mask, distances, 0.0)

    # soft_sphere_pair energy (safe_mask semantics: fn on masked values, 0 elsewhere)
    pair_energies = jnp.where(
        mask, EPSILON / ALPHA * (1.0 - safe_d / SIGMA) ** ALPHA, 0.0
    )
    energy = 0.5 * jnp.sum(pair_energies)

    # soft_sphere_pair_force
    pair_forces = jnp.where(
        mask, -EPSILON / SIGMA * (1.0 - safe_d / SIGMA) ** (ALPHA - 1.0), 0.0
    )
    denom = jnp.where(distances > 0, distances, 1.0)
    force_vectors = (pair_forces / denom)[:, None] * dr_vec

    forces = jnp.zeros_like(positions)
    forces = forces.at[i].add(force_vectors)
    forces = forces.at[j].add(-force_vectors)
    return energy, forces

if __name__ == "__main__":
    import jax
    _d = setup_inputs()
    print(jax.jit(kernel)(*tuple(_d.values())))

</pallas_src>

<mosaic_0001>
#map = affine_map<(d0, d1) -> (0)>
#map1 = affine_map<(d0, d1) -> (0, 0)>
module attributes {stable_mosaic.version = 14 : i64} {
  func.func @_sc_body(%arg0: i32, %arg1: i32, %arg2: memref<30000xf32, #tpu.memory_space<hbm>>, %arg3: memref<2x640000xi32, #tpu.memory_space<hbm>>, %arg4: memref<61440xf32, #tpu.memory_space<hbm>>, %arg5: memref<512xf32, #tpu.memory_space<hbm>>, %arg6: memref<30000xf32, #tpu.memory_space<vmem>>, %arg7: memref<2x20096xi32, #tpu.memory_space<vmem>>, %arg8: memref<10240xf32, #tpu.memory_space<vmem>>, %arg9: memref<10240xf32, #tpu.memory_space<vmem>>, %arg10: memref<10240xf32, #tpu.memory_space<vmem>>, %arg11: memref<16xf32, #tpu.memory_space<vmem>>, %arg12: memref<10240xf32, #tpu.memory_space<vmem>>, %arg13: memref<640xf32, #tpu.memory_space<vmem>>, %arg14: memref<163840xf32, #tpu.memory_space<vmem_shared>>, %arg15: memref<!tpu.dma_semaphore, #tpu.memory_space<semaphore_mem>>, %arg16: memref<!tpu.dma_semaphore, #tpu.memory_space<semaphore_mem>>) attributes {dimension_semantics = [#tpu.dimension_semantics<core_parallel>, #tpu.dimension_semantics<subcore_parallel>], iteration_bounds = array<i64: 2, 16>, scalar_prefetch = 0 : i64, scratch_operands = 11 : i64, tpu.core_type = #tpu.core_type<sc_vector_subcore>, window_params = [{transform_indices = #map}, {transform_indices = #map1}, {transform_indices = #map}, {transform_indices = #map}]} {
    %mul3A = arith.constant 2 : i32
    %mul3A_0 = arith.muli %arg1, %mul3A : i32
    %add3A = arith.addi %mul3A_0, %arg0 : i32
    %lt3A = arith.constant 24 : i32
    %lt3A_1 = arith.cmpi slt, %add3A, %lt3A : i32
    %mul3A_2 = arith.constant 156 : i32
    %mul3A_3 = arith.muli %add3A, %mul3A_2 : i32
    %sub3A = arith.constant 24 : i32
    %sub3A_4 = arith.subi %add3A, %sub3A : i32
    %mul3A_5 = arith.constant 157 : i32
    %mul3A_6 = arith.muli %sub3A_4, %mul3A_5 : i32
    %add3A_7 = arith.constant 3744 : i32
    %add3A_8 = arith.addi %add3A_7, %mul3A_6 : i32
    %select_n3A = arith.select %lt3A_1, %mul3A_3, %add3A_8 : i32
    %lt3A_9 = arith.constant 24 : i32
    %lt3A_10 = arith.cmpi slt, %add3A, %lt3A_9 : i32
    %jit3A = arith.constant 19968 : i32
    %jit3A_11 = arith.constant 20096 : i32
    %select_n3A_12 = arith.select %lt3A_10, %jit3A, %jit3A_11 : i32
    tpu.enqueue_dma source(%arg2 : memref<30000xf32, #tpu.memory_space<hbm>>) target(%arg6 : memref<30000xf32, #tpu.memory_space<vmem>>) target_semaphore(%arg15 : memref<!tpu.dma_semaphore, #tpu.memory_space<semaphore_mem>>)
    %mul3A_13 = arith.constant 128 : i32
    %mul3A_14 = arith.muli %select_n3A, %mul3A_13 : i32
    %dma_start3A = arith.constant 0 : i32
    %dma_start3A_15 = tpu.memref_slice %arg3[%dma_start3A, %mul3A_14] : memref<2x640000xi32, #tpu.memory_space<hbm>> -> memref<2x20096xi32, #tpu.memory_space<hbm>>
    %dma_start3A_16 = arith.constant 0 : i32
    %dma_start3A_17 = tpu.memref_slice %arg3[%dma_start3A_16, %mul3A_14] : memref<2x640000xi32, #tpu.memory_space<hbm>> -> memref<2x20096xi32, #tpu.memory_space<hbm>>
    tpu.enqueue_dma source(%dma_start3A_17 : memref<2x20096xi32, #tpu.memory_space<hbm>>) target(%arg7 : memref<2x20096xi32, #tpu.memory_space<vmem>>) target_semaphore(%arg15 : memref<!tpu.dma_semaphore, #tpu.memory_space<semaphore_mem>>)
    %broadcast_in_dim3A = arith.constant 0.000000e+00 : f32
    %broadcast_in_dim3A_18 = vector.broadcast %broadcast_in_dim3A : f32 to vector<16xf32>
    %scan3A = arith.constant 0 : i32
    %scan3A_19 = arith.constant 0 : i32
    %scan3A_20 = arith.constant 40 : i32
    %scan3A_21 = arith.addi %scan3A_19, %scan3A_20 : i32
    %scan3A_22 = arith.constant 1 : i32
    %scan3A_23 = scf.for %scan3A_722 = %scan3A_19 to %scan3A_21 step %scan3A_22 iter_args(%scan3A_723 = %scan3A) -> (i32)  : i32 {
      %mul3A_724 = arith.constant 256 : i32
      %mul3A_725 = arith.muli %scan3A_722, %mul3A_724 : i32
      %add3A_726 = arith.constant 0 : i32
      %add3A_727 = arith.addi %mul3A_725, %add3A_726 : i32
      %swap3A_728 = arith.index_cast %add3A_727 : i32 to index
      %swap3A_729 = tpu.vector_load %arg8[%swap3A_728] {strides = array<i32>} : memref<10240xf32, #tpu.memory_space<vmem>>, vector<16xf32>,
      tpu.vector_store %arg8[%swap3A_728], %broadcast_in_dim3A_18 {strides = array<i32>} : memref<10240xf32, #tpu.memory_space<vmem>>, vector<16xf32>,
      %mul3A_730 = arith.constant 256 : i32
      %mul3A_731 = arith.muli %scan3A_722, %mul3A_730 : i32
      %add3A_732 = arith.constant 16 : i32
      %add3A_733 = arith.addi %mul3A_731, %add3A_732 : i32
      %swap3A_734 = arith.index_cast %add3A_733 : i32 to index
      %swap3A_735 = tpu.vector_load %arg8[%swap3A_734] {strides = array<i32>} : memref<10240xf32, #tpu.memory_space<vmem>>, vector<16xf32>,
      tpu.vector_store %arg8[%swap3A_734], %broadcast_in_dim3A_18 {strides = array<i32>} : memref<10240xf32, #tpu.memory_space<vmem>>, vector<16xf32>,
      %mul3A_736 = arith.constant 256 : i32
      %mul3A_737 = arith.muli %scan3A_722, %mul3A_736 : i32
      %add3A_738 = arith.constant 32 : i32
      %add3A_739 = arith.addi %mul3A_737, %add3A_738 : i32
      %swap3A_740 = arith.index_cast %add3A_739 : i32 to index
      %swap3A_741 = tpu.vector_load %arg8[%swap3A_740] {strides = array<i32>} : memref<10240xf32, #tpu.memory_space<vmem>>, vector<16xf32>,
      tpu.vector_store %arg8[%swap3A_740], %broadcast_in_dim3A_18 {strides = array<i32>} : memref<10240xf32, #tpu.memory_space<vmem>>, vector<16xf32>,
      %mul3A_742 = arith.constant 256 : i32
      %mul3A_743 = arith.muli %scan3A_722, %mul3A_742 : i32
      %add3A_744 = arith.constant 48 : i32
      %add3A_745 = arith.addi %mul3A_743, %add3A_744 : i32
      %swap3A_746 = arith.index_cast %add3A_745 : i32 to index
      %swap3A_747 = tpu.vector_load %arg8[%swap3A_746] {strides = array<i32>} : memref<10240xf32, #tpu.memory_space<vmem>>, vector<16xf32>,
      tpu.vector_store %arg8[%swap3A_746], %broadcast_in_dim3A_18 {strides = array<i32>} : memref<10240xf32, #tpu.memory_space<vmem>>, vector<16xf32>,
      %mul3A_748 = arith.constant 256 : i32
      %mul3A_749 = arith.muli %scan3A_722, %mul3A_748 : i32
      %add3A_750 = arith.constant 64 : i32
      %add3A_751 = arith.addi %mul3A_749, %add3A_750 : i32
      %swap3A_752 = arith.index_cast %add3A_751 : i32 to index
      %swap3A_753 = tpu.vector_load %arg8[%swap3A_752] {strides = array<i32>} : memref<10240xf32, #tpu.memory_space<vmem>>, vector<16xf32>,
      tpu.vector_store %arg8[%swap3A_752], %broadcast_in_dim3A_18 {strides = array<i32>} : memref<10240xf32, #tpu.memory_space<vmem>>, vector<16xf32>,
      %mul3A_754 = arith.constant 256 : i32
      %mul3A_755 = arith.muli %scan3A_722, %mul3A_754 : i32
      %add3A_756 = arith.constant 80 : i32
      %add3A_757 = arith.addi %mul3A_755, %add3A_756 : i32
      %swap3A_758 = arith.index_cast %add3A_757 : i32 to index
      %swap3A_759 = tpu.vector_load %arg8[%swap3A_758] {strides = array<i32>} : memref<10240xf32, #tpu.memory_space<vmem>>, vector<16xf32>,
      tpu.vector_store %arg8[%swap3A_758], %broadcast_in_dim3A_18 {strides = array<i32>} : memref<10240xf32, #tpu.memory_space<vmem>>, vector<16xf32>,
      %mul3A_760 = arith.constant 256 : i32
      %mul3A_761 = arith.muli %scan3A_722, %mul3A_760 : i32
      %add3A_762 = arith.constant 96 : i32
      %add3A_763 = arith.addi %mul3A_761, %add3A_762 : i32
      %swap3A_764 = arith.index_cast %add3A_763 : i32 to index
      %swap3A_765 = tpu.vector_load %arg8[%swap3A_764] {strides = array<i32>} : memref<10240xf32, #tpu.memory_space<vmem>>, vector<16xf32>,
      tpu.vector_store %arg8[%swap3A_764], %broadcast_in_dim3A_18 {strides = array<i32>} : memref<10240xf32, #tpu.memory_space<vmem>>, vector<16xf32>,
      %mul3A_766 = arith.constant 256 : i32
      %mul3A_767 = arith.muli %scan3A_722, %mul3A_766 : i32
      %add3A_768 = arith.constant 112 : i32
      %add3A_769 = arith.addi %mul3A_767, %add3A_768 : i32
      %swap3A_770 = arith.index_cast %add3A_769 : i32 to index
      %swap3A_771 = tpu.vector_load %arg8[%swap3A_770] {strides = array<i32>} : memref<10240xf32, #tpu.memory_space<vmem>>, vector<16xf32>,
      tpu.vector_store %arg8[%swap3A_770], %broadcast_in_dim3A_18 {strides = array<i32>} : memref<10240xf32, #tpu.memory_space<vmem>>, vector<16xf32>,
      %mul3A_772 = arith.constant 256 : i32
      %mul3A_773 = arith.muli %scan3A_722, %mul3A_772 : i32
      %add3A_774 = arith.constant 128 : i32
      %add3A_775 = arith.addi %mul3A_773, %add3A_774 : i32
      %swap3A_776 = arith.index_cast %add3A_775 : i32 to index
      %swap3A_777 = tpu.vector_load %arg8[%swap3A_776] {strides = array<i32>} : memref<10240xf32, #tpu.memory_space<vmem>>, vector<16xf32>,
      tpu.vector_store %arg8[%swap3A_776], %broadcast_in_dim3A_18 {strides = array<i32>} : memref<10240xf32, #tpu.memory_space<vmem>>, vector<16xf32>,
      %mul3A_778 = arith.constant 256 : i32
      %mul3A_779 = arith.muli %scan3A_722, %mul3A_778 : i32
      %add3A_780 = arith.constant 144 : i32
      %add3A_781 = arith.addi %mul3A_779, %add3A_780 : i32
      %swap3A_782 = arith.index_cast %add3A_781 : i32 to index
      %swap3A_783 = tpu.vector_load %arg8[%swap3A_782] {strides = array<i32>} : memref<10240xf32, #tpu.memory_space<vmem>>, vector<16xf32>,
      tpu.vector_store %arg8[%swap3A_782], %broadcast_in_dim3A_18 {strides = array<i32>} : memref<10240xf32, #tpu.memory_space<vmem>>, vector<16xf32>,
      %mul3A_784 = arith.constant 256 : i32
      %mul3A_785 = arith.muli %scan3A_722, %mul3A_784 : i32
      %add3A_786 = arith.constant 160 : i32
      %add3A_787 = arith.addi %mul3A_785, %add3A_786 : i32
      %swap3A_788 = arith.index_cast %add3A_787 : i32 to index
      %swap3A_789 = tpu.vector_load %arg8[%swap3A_788] {strides = array<i32>} : memref<10240xf32, #tpu.memory_space<vmem>>, vector<16xf32>,
      tpu.vector_store %arg8[%swap3A_788], %broadcast_in_dim3A_18 {strides = array<i32>} : memref<10240xf32, #tpu.memory_space<vmem>>, vector<16xf32>,
      %mul3A_790 = arith.constant 256 : i32
      %mul3A_791 = arith.muli %scan3A_722, %mul3A_790 : i32
      %add3A_792 = arith.constant 176 : i32
      %add3A_793 = arith.addi %mul3A_791, %add3A_792 : i32
      %swap3A_794 = arith.index_cast %add3A_793 : i32 to index
      %swap3A_795 = tpu.vector_load %arg8[%swap3A_794] {strides = array<i32>} : memref<10240xf32, #tpu.memory_space<vmem>>, vector<16xf32>,
      tpu.vector_store %arg8[%swap3A_794], %broadcast_in_dim3A_18 {strides = array<i32>} : memref<10240xf32, #tpu.memory_space<vmem>>, vector<16xf32>,
      %mul3A_796 = arith.constant 256 : i32
      %mul3A_797 = arith.muli %scan3A_722, %mul3A_796 : i32
      %add3A_798 = arith.constant 192 : i32
      %add3A_799 = arith.addi %mul3A_797, %add3A_798 : i32
      %swap3A_800 = arith.index_cast %add3A_799 : i32 to index
      %swap3A_801 = tpu.vector_load %arg8[%swap3A_800] {strides = array<i32>} : memref<10240xf32, #tpu.memory_space<vmem>>, vector<16xf32>,
      tpu.vector_store %arg8[%swap3A_800], %broadcast_in_dim3A_18 {strides = array<i32>} : memref<10240xf32, #tpu.memory_space<vmem>>, vector<16xf32>,
      %mul3A_802 = arith.constant 256 : i32
      %mul3A_803 = arith.muli %scan3A_722, %mul3A_802 : i32
      %add3A_804 = arith.constant 208 : i32
      %add3A_805 = arith.addi %mul3A_803, %add3A_804 : i32
      %swap3A_806 = arith.index_cast %add3A_805 : i32 to index
      %swap3A_807 = tpu.vector_load %arg8[%swap3A_806] {strides = array<i32>} : memref<10240xf32, #tpu.memory_space<vmem>>, vector<16xf32>,
      tpu.vector_store %arg8[%swap3A_806], %broadcast_in_dim3A_18 {strides = array<i32>} : memref<10240xf32, #tpu.memory_space<vmem>>, vector<16xf32>,
      %mul3A_808 = arith.constant 256 : i32
      %mul3A_809 = arith.muli %scan3A_722, %mul3A_808 : i32
      %add3A_810 = arith.constant 224 : i32
      %add3A_811 = arith.addi %mul3A_809, %add3A_810 : i32
      %swap3A_812 = arith.index_cast %add3A_811 : i32 to index
      %swap3A_813 = tpu.vector_load %arg8[%swap3A_812] {strides = array<i32>} : memref<10240xf32, #tpu.memory_space<vmem>>, vector<16xf32>,
      tpu.vector_store %arg8[%swap3A_812], %broadcast_in_dim3A_18 {strides = array<i32>} : memref<10240xf32, #tpu.memory_space<vmem>>, vector<16xf32>,
      %mul3A_814 = arith.constant 256 : i32
      %mul3A_815 = arith.muli %scan3A_722, %mul3A_814 : i32
      %add3A_816 = arith.constant 240 : i32
      %add3A_817 = arith.addi %mul3A_815, %add3A_816 : i32
      %swap3A_818 = arith.index_cast %add3A_817 : i32 to index
      %swap3A_819 = tpu.vector_load %arg8[%swap3A_818] {strides = array<i32>} : memref<10240xf32, #tpu.memory_space<vmem>>, vector<16xf32>,
      tpu.vector_store %arg8[%swap3A_818], %broadcast_in_dim3A_18 {strides = array<i32>} : memref<10240xf32, #tpu.memory_space<vmem>>, vector<16xf32>,
      %mul3A_820 = arith.constant 256 : i32
      %mul3A_821 = arith.muli %scan3A_722, %mul3A_820 : i32
      %add3A_822 = arith.constant 0 : i32
      %add3A_823 = arith.addi %mul3A_821, %add3A_822 : i32
      %swap3A_824 = arith.index_cast %add3A_823 : i32 to index
      %swap3A_825 = tpu.vector_load %arg9[%swap3A_824] {strides = array<i32>} : memref<10240xf32, #tpu.memory_space<vmem>>, vector<16xf32>,
      tpu.vector_store %arg9[%swap3A_824], %broadcast_in_dim3A_18 {strides = array<i32>} : memref<10240xf32, #tpu.memory_space<vmem>>, vector<16xf32>,
      %mul3A_826 = arith.constant 256 : i32
      %mul3A_827 = arith.muli %scan3A_722, %mul3A_826 : i32
      %add3A_828 = arith.constant 16 : i32
      %add3A_829 = arith.addi %mul3A_827, %add3A_828 : i32
      %swap3A_830 = arith.index_cast %add3A_829 : i32 to index
      %swap3A_831 = tpu.vector_load %arg9[%swap3A_830] {strides = array<i32>} : memref<10240xf32, #tpu.memory_space<vmem>>, vector<16xf32>,
      tpu.vector_store %arg9[%swap3A_830], %broadcast_in_dim3A_18 {strides = array<i32>} : memref<10240xf32, #tpu.memory_space<vmem>>, vector<16xf32>,
      %mul3A_832 = arith.constant 256 : i32
      %mul3A_833 = arith.muli %scan3A_722, %mul3A_832 : i32
      %add3A_834 = arith.constant 32 : i32
      %add3A_835 = arith.addi %mul3A_833, %add3A_834 : i32
      %swap3A_836 = arith.index_cast %add3A_835 : i32 to index
      %swap3A_837 = tpu.vector_load %arg9[%swap3A_836] {strides = array<i32>} : memref<10240xf32, #tpu.memory_space<vmem>>, vector<16xf32>,
      tpu.vector_store %arg9[%swap3A_836], %broadcast_in_dim3A_18 {strides = array<i32>} : memref<10240xf32, #tpu.memory_space<vmem>>, vector<16xf32>,
      %mul3A_838 = arith.constant 256 : i32
      %mul3A_839 = arith.muli %scan3A_722, %mul3A_838 : i32
      %add3A_840 = arith.constant 48 : i32
      %add3A_841 = arith.addi %mul3A_839, %add3A_840 : i32
      %swap3A_842 = arith.index_cast %add3A_841 : i32 to index
      %swap3A_843 = tpu.vector_load %arg9[%swap3A_842] {strides = array<i32>} : memref<10240xf32, #tpu.memory_space<vmem>>, vector<16xf32>,
      tpu.vector_store %arg9[%swap3A_842], %broadcast_in_dim3A_18 {strides = array<i32>} : memref<10240xf32, #tpu.memory_space<vmem>>, vector<16xf32>,
      %mul3A_844 = arith.constant 256 : i32
      %mul3A_845 = arith.muli %scan3A_722, %mul3A_844 : i32
      %add3A_846 = arith.constant 64 : i32
      %add3A_847 = arith.addi %mul3A_845, %add3A_846 : i32
      %swap3A_848 = arith.index_cast %add3A_847 : i32 to index
      %swap3A_849 = tpu.vector_load %arg9[%swap3A_848] {strides = array<i32>} : memref<10240xf32, #tpu.memory_space<vmem>>, vector<16xf32>,
      tpu.vector_store %arg9[%swap3A_848], %broadcast_in_dim3A_18 {strides = array<i32>} : memref<10240xf32, #tpu.memory_space<vmem>>, vector<16xf32>,
      %mul3A_850 = arith.constant 256 : i32
      %mul3A_851 = arith.muli %scan3A_722, %mul3A_850 : i32
      %add3A_852 = arith.constant 80 : i32
      %add3A_853 = arith.addi %mul3A_851, %add3A_852 : i32
      %swap3A_854 = arith.index_cast %add3A_853 : i32 to index
      %swap3A_855 = tpu.vector_load %arg9[%swap3A_854] {strides = array<i32>} : memref<10240xf32, #tpu.memory_space<vmem>>, vector<16xf32>,
      tpu.vector_store %arg9[%swap3A_854], %broadcast_in_dim3A_18 {strides = array<i32>} : memref<10240xf32, #tpu.memory_space<vmem>>, vector<16xf32>,
      %mul3A_856 = arith.constant 256 : i32
      %mul3A_857 = arith.muli %scan3A_722, %mul3A_856 : i32
      %add3A_858 = arith.constant 96 : i32
      %add3A_859 = arith.addi %mul3A_857, %add3A_858 : i32
      %swap3A_860 = arith.index_cast %add3A_859 : i32 to index
      %swap3A_861 = tpu.vector_load %arg9[%swap3A_860] {strides = array<i32>} : memref<10240xf32, #tpu.memory_space<vmem>>, vector<16xf32>,
      tpu.vector_store %arg9[%swap3A_860], %broadcast_in_dim3A_18 {strides = array<i32>} : memref<10240xf32, #tpu.memory_space<vmem>>, vector<16xf32>,
      %mul3A_862 = arith.constant 256 : i32
      %mul3A_863 = arith.muli %scan3A_722, %mul3A_862 : i32
      %add3A_864 = arith.constant 112 : i32
      %add3A_865 = arith.addi %mul3A_863, %add3A_864 : i32
      %swap3A_866 = arith.index_cast %add3A_865 : i32 to index
      %swap3A_867 = tpu.vector_load %arg9[%swap3A_866] {strides = array<i32>} : memref<10240xf32, #tpu.memory_space<vmem>>, vector<16xf32>,
      tpu.vector_store %arg9[%swap3A_866], %broadcast_in_dim3A_18 {strides = array<i32>} : memref<10240xf32, #tpu.memory_space<vmem>>, vector<16xf32>,
      %mul3A_868 = arith.constant 256 : i32
      %mul3A_869 = arith.muli %scan3A_722, %mul3A_868 : i32
      %add3A_870 = arith.constant 128 : i32
      %add3A_871 = arith.addi %mul3A_869, %add3A_870 : i32
      %swap3A_872 = arith.index_cast %add3A_871 : i32 to index
      %swap3A_873 = tpu.vector_load %arg9[%swap3A_872] {strides = array<i32>} : memref<10240xf32, #tpu.memory_space<vmem>>, vector<16xf32>,
      tpu.vector_store %arg9[%swap3A_872], %broadcast_in_dim3A_18 {strides = array<i32>} : memref<10240xf32, #tpu.memory_space<vmem>>, vector<16xf32>,
      %mul3A_874 = arith.constant 256 : i32
      %mul3A_875 = arith.muli %scan3A_722, %mul3A_874 : i32
      %add3A_876 = arith.constant 144 : i32
      %add3A_877 = arith.addi %mul3A_875, %add3A_876 : i32
      %swap3A_878 = arith.index_cast %add3A_877 : i32 to index
      %swap3A_879 = tpu.vector_load %arg9[%swap3A_878] {strides = array<i32>} : memref<10240xf32, #tpu.memory_space<vmem>>, vector<16xf32>,
      tpu.vector_store %arg9[%swap3A_878], %broadcast_in_dim3A_18 {strides = array<i32>} : memref<10240xf32, #tpu.memory_space<vmem>>, vector<16xf32>,
      %mul3A_880 = arith.constant 256 : i32
      %mul3A_881 = arith.muli %scan3A_722, %mul3A_880 : i32
      %add3A_882 = arith.constant 160 : i32
      %add3A_883 = arith.addi %mul3A_881, %add3A_882 : i32
      %swap3A_884 = arith.index_cast %add3A_883 : i32 to index
      %swap3A_885 = tpu.vector_load %arg9[%swap3A_884] {strides = array<i32>} : memref<10240xf32, #tpu.memory_space<vmem>>, vector<16xf32>,
      tpu.vector_store %arg9[%swap3A_884], %broadcast_in_dim3A_18 {strides = array<i32>} : memref<10240xf32, #tpu.memory_space<vmem>>, vector<16xf32>,
      %mul3A_886 = arith.constant 256 : i32
      %mul3A_887 = arith.muli %scan3A_722, %mul3A_886 : i32
      %add3A_888 = arith.constant 176 : i32
      %add3A_889 = arith.addi %mul3A_887, %add3A_888 : i32
      %swap3A_890 = arith.index_cast %add3A_889 : i32 to index
      %swap3A_891 = tpu.vector_load %arg9[%swap3A_890] {strides = array<i32>} : memref<10240xf32, #tpu.memory_space<vmem>>, vector<16xf32>,
      tpu.vector_store %arg9[%swap3A_890], %broadcast_in_dim3A_18 {strides = array<i32>} : memref<10240xf32, #tpu.memory_space<vmem>>, vector<16xf32>,
      %mul3A_892 = arith.constant 256 : i32
      %mul3A_893 = arith.muli %scan3A_722, %mul3A_892 : i32
      %add3A_894 = arith.constant 192 : i32
      %add3A_895 = arith.addi %mul3A_893, %add3A_894 : i32
      %swap3A_896 = arith.index_cast %add3A_895 : i32 to index
      %swap3A_897 = tpu.vector_load %arg9[%swap3A_896] {strides = array<i32>} : memref<10240xf32, #tpu.memory_space<vmem>>, vector<16xf32>,
      tpu.vector_store %arg9[%swap3A_896], %broadcast_in_dim3A_18 {strides = array<i32>} : memref<10240xf32, #tpu.memory_space<vmem>>, vector<16xf32>,
      %mul3A_898 = arith.constant 256 : i32
      %mul3A_899 = arith.muli %scan3A_722, %mul3A_898 : i32
      %add3A_900 = arith.constant 208 : i32
      %add3A_901 = arith.addi %mul3A_899, %add3A_900 : i32
      %swap3A_902 = arith.index_cast %add3A_901 : i32 to index
      %swap3A_903 = tpu.vector_load %arg9[%swap3A_902] {strides = array<i32>} : memref<10240xf32, #tpu.memory_space<vmem>>, vector<16xf32>,
      tpu.vector_store %arg9[%swap3A_902], %broadcast_in_dim3A_18 {strides = array<i32>} : memref<10240xf32, #tpu.memory_space<vmem>>, vector<16xf32>,
      %mul3A_904 = arith.constant 256 : i32
      %mul3A_905 = arith.muli %scan3A_722, %mul3A_904 : i32
      %add3A_906 = arith.constant 224 : i32
      %add3A_907 = arith.addi %mul3A_905, %add3A_906 : i32
      %swap3A_908 = arith.index_cast %add3A_907 : i32 to index
      %swap3A_909 = tpu.vector_load %arg9[%swap3A_908] {strides = array<i32>} : memref<10240xf32, #tpu.memory_space<vmem>>, vector<16xf32>,
      tpu.vector_store %arg9[%swap3A_908], %broadcast_in_dim3A_18 {strides = array<i32>} : memref<10240xf32, #tpu.memory_space<vmem>>, vector<16xf32>,
      %mul3A_910 = arith.constant 256 : i32
      %mul3A_911 = arith.muli %scan3A_722, %mul3A_910 : i32
      %add3A_912 = arith.constant 240 : i32
      %add3A_913 = arith.addi %mul3A_911, %add3A_912 : i32
      %swap3A_914 = arith.index_cast %add3A_913 : i32 to index
      %swap3A_915 = tpu.vector_load %arg9[%swap3A_914] {strides = array<i32>} : memref<10240xf32, #tpu.memory_space<vmem>>, vector<16xf32>,
      tpu.vector_store %arg9[%swap3A_914], %broadcast_in_dim3A_18 {strides = array<i32>} : memref<10240xf32, #tpu.memory_space<vmem>>, vector<16xf32>,
      %mul3A_916 = arith.constant 256 : i32
      %mul3A_917 = arith.muli %scan3A_722, %mul3A_916 : i32
      %add3A_918 = arith.constant 0 : i32
      %add3A_919 = arith.addi %mul3A_917, %add3A_918 : i32
      %swap3A_920 = arith.index_cast %add3A_919 : i32 to index
      %swap3A_921 = tpu.vector_load %arg10[%swap3A_920] {strides = array<i32>} : memref<10240xf32, #tpu.memory_space<vmem>>, vector<16xf32>,
      tpu.vector_store %arg10[%swap3A_920], %broadcast_in_dim3A_18 {strides = array<i32>} : memref<10240xf32, #tpu.memory_space<vmem>>, vector<16xf32>,
      %mul3A_922 = arith.constant 256 : i32
      %mul3A_923 = arith.muli %scan3A_722, %mul3A_922 : i32
      %add3A_924 = arith.constant 16 : i32
      %add3A_925 = arith.addi %mul3A_923, %add3A_924 : i32
      %swap3A_926 = arith.index_cast %add3A_925 : i32 to index
      %swap3A_927 = tpu.vector_load %arg10[%swap3A_926] {strides = array<i32>} : memref<10240xf32, #tpu.memory_space<vmem>>, vector<16xf32>,
      tpu.vector_store %arg10[%swap3A_926], %broadcast_in_dim3A_18 {strides = array<i32>} : memref<10240xf32, #tpu.memory_space<vmem>>, vector<16xf32>,
      %mul3A_928 = arith.constant 256 : i32
      %mul3A_929 = arith.muli %scan3A_722, %mul3A_928 : i32
      %add3A_930 = arith.constant 32 : i32
      %add3A_931 = arith.addi %mul3A_929, %add3A_930 : i32
      %swap3A_932 = arith.index_cast %add3A_931 : i32 to index
      %swap3A_933 = tpu.vector_load %arg10[%swap3A_932] {strides = array<i32>} : memref<10240xf32, #tpu.memory_space<vmem>>, vector<16xf32>,
      tpu.vector_store %arg10[%swap3A_932], %broadcast_in_dim3A_18 {strides = array<i32>} : memref<10240xf32, #tpu.memory_space<vmem>>, vector<16xf32>,
      %mul3A_934 = arith.constant 256 : i32
      %mul3A_935 = arith.muli %scan3A_722, %mul3A_934 : i32
      %add3A_936 = arith.constant 48 : i32
      %add3A_937 = arith.addi %mul3A_935, %add3A_936 : i32
      %swap3A_938 = arith.index_cast %add3A_937 : i32 to index
      %swap3A_939 = tpu.vector_load %arg10[%swap3A_938] {strides = array<i32>} : memref<10240xf32, #tpu.memory_space<vmem>>, vector<16xf32>,
      tpu.vector_store %arg10[%swap3A_938], %broadcast_in_dim3A_18 {strides = array<i32>} : memref<10240xf32, #tpu.memory_space<vmem>>, vector<16xf32>,
      %mul3A_940 = arith.constant 256 : i32
      %mul3A_941 = arith.muli %scan3A_722, %mul3A_940 : i32
      %add3A_942 = arith.constant 64 : i32
      %add3A_943 = arith.addi %mul3A_941, %add3A_942 : i32
      %swap3A_944 = arith.index_cast %add3A_943 : i32 to index
      %swap3A_945 = tpu.vector_load %arg10[%swap3A_944] {strides = array<i32>} : memref<10240xf32, #tpu.memory_space<vmem>>, vector<16xf32>,
      tpu.vector_store %arg10[%swap3A_944], %broadcast_in_dim3A_18 {strides = array<i32>} : memref<10240xf32, #tpu.memory_space<vmem>>, vector<16xf32>,
      %mul3A_946 = arith.constant 256 : i32
      %mul3A_947 = arith.muli %scan3A_722, %mul3A_946 : i32
      %add3A_948 = arith.constant 80 : i32
      %add3A_949 = arith.addi %mul3A_947, %add3A_948 : i32
      %swap3A_950 = arith.index_cast %add3A_949 : i32 to index
      %swap3A_951 = tpu.vector_load %arg10[%swap3A_950] {strides = array<i32>} : memref<10240xf32, #tpu.memory_space<vmem>>, vector<16xf32>,
      tpu.vector_store %arg10[%swap3A_950], %broadcast_in_dim3A_18 {strides = array<i32>} : memref<10240xf32, #tpu.memory_space<vmem>>, vector<16xf32>,
      %mul3A_952 = arith.constant 256 : i32
      %mul3A_953 = arith.muli %scan3A_722, %mul3A_952 : i32
      %add3A_954 = arith.constant 96 : i32
      %add3A_955 = arith.addi %mul3A_953, %add3A_954 : i32
      %swap3A_956 = arith.index_cast %add3A_955 : i32 to index
      %swap3A_957 = tpu.vector_load %arg10[%swap3A_956] {strides = array<i32>} : memref<10240xf32, #tpu.memory_space<vmem>>, vector<16xf32>,
      tpu.vector_store %arg10[%swap3A_956], %broadcast_in_dim3A_18 {strides = array<i32>} : memref<10240xf32, #tpu.memory_space<vmem>>, vector<16xf32>,
      %mul3A_958 = arith.constant 256 : i32
      %mul3A_959 = arith.muli %scan3A_722, %mul3A_958 : i32
      %add3A_960 = arith.constant 112 : i32
      %add3A_961 = arith.addi %mul3A_959, %add3A_960 : i32
      %swap3A_962 = arith.index_cast %add3A_961 : i32 to index
      %swap3A_963 = tpu.vector_load %arg10[%swap3A_962] {strides = array<i32>} : memref<10240xf32, #tpu.memory_space<vmem>>, vector<16xf32>,
      tpu.vector_store %arg10[%swap3A_962], %broadcast_in_dim3A_18 {strides = array<i32>} : memref<10240xf32, #tpu.memory_space<vmem>>, vector<16xf32>,
      %mul3A_964 = arith.constant 256 : i32
      %mul3A_965 = arith.muli %scan3A_722, %mul3A_964 : i32
      %add3A_966 = arith.constant 128 : i32
      %add3A_967 = arith.addi %mul3A_965, %add3A_966 : i32
      %swap3A_968 = arith.index_cast %add3A_967 : i32 to index
      %swap3A_969 = tpu.vector_load %arg10[%swap3A_968] {strides = array<i32>} : memref<10240xf32, #tpu.memory_space<vmem>>, vector<16xf32>,
      tpu.vector_store %arg10[%swap3A_968], %broadcast_in_dim3A_18 {strides = array<i32>} : memref<10240xf32, #tpu.memory_space<vmem>>, vector<16xf32>,
      %mul3A_970 = arith.constant 256 : i32
      %mul3A_971 = arith.muli %scan3A_722, %mul3A_970 : i32
      %add3A_972 = arith.constant 144 : i32
      %add3A_973 = arith.addi %mul3A_971, %add3A_972 : i32
      %swap3A_974 = arith.index_cast %add3A_973 : i32 to index
      %swap3A_975 = tpu.vector_load %arg10[%swap3A_974] {strides = array<i32>} : memref<10240xf32, #tpu.memory_space<vmem>>, vector<16xf32>,
      tpu.vector_store %arg10[%swap3A_974], %broadcast_in_dim3A_18 {strides = array<i32>} : memref<10240xf32, #tpu.memory_space<vmem>>, vector<16xf32>,
      %mul3A_976 = arith.constant 256 : i32
      %mul3A_977 = arith.muli %scan3A_722, %mul3A_976 : i32
      %add3A_978 = arith.constant 160 : i32
      %add3A_979 = arith.addi %mul3A_977, %add3A_978 : i32
      %swap3A_980 = arith.index_cast %add3A_979 : i32 to index
      %swap3A_981 = tpu.vector_load %arg10[%swap3A_980] {strides = array<i32>} : memref<10240xf32, #tpu.memory_space<vmem>>, vector<16xf32>,
      tpu.vector_store %arg10[%swap3A_980], %broadcast_in_dim3A_18 {strides = array<i32>} : memref<10240xf32, #tpu.memory_space<vmem>>, vector<16xf32>,
      %mul3A_982 = arith.constant 256 : i32
      %mul3A_983 = arith.muli %scan3A_722, %mul3A_982 : i32
      %add3A_984 = arith.constant 176 : i32
      %add3A_985 = arith.addi %mul3A_983, %add3A_984 : i32
      %swap3A_986 = arith.index_cast %add3A_985 : i32 to index
      %swap3A_987 = tpu.vector_load %arg10[%swap3A_986] {strides = array<i32>} : memref<10240xf32, #tpu.memory_space<vmem>>, vector<16xf32>,
      tpu.vector_store %arg10[%swap3A_986], %broadcast_in_dim3A_18 {strides = array<i32>} : memref<10240xf32, #tpu.memory_space<vmem>>, vector<16xf32>,
      %mul3A_988 = arith.constant 256 : i32
      %mul3A_989 = arith.muli %scan3A_722, %mul3A_988 : i32
      %add3A_990 = arith.constant 192 : i32
      %add3A_991 = arith.addi %mul3A_989, %add3A_990 : i32
      %swap3A_992 = arith.index_cast %add3A_991 : i32 to index
      %swap3A_993 = tpu.vector_load %arg10[%swap3A_992] {strides = array<i32>} : memref<10240xf32, #tpu.memory_space<vmem>>, vector<16xf32>,
      tpu.vector_store %arg10[%swap3A_992], %broadcast_in_dim3A_18 {strides = array<i32>} : memref<10240xf32, #tpu.memory_space<vmem>>, vector<16xf32>,
      %mul3A_994 = arith.constant 256 : i32
      %mul3A_995 = arith.muli %scan3A_722, %mul3A_994 : i32
      %add3A_996 = arith.constant 208 : i32
      %add3A_997 = arith.addi %mul3A_995, %add3A_996 : i32
      %swap3A_998 = arith.index_cast %add3A_997 : i32 to index
      %swap3A_999 = tpu.vector_load %arg10[%swap3A_998] {strides = array<i32>} : memref<10240xf32, #tpu.memory_space<vmem>>, vector<16xf32>,
      tpu.vector_store %arg10[%swap3A_998], %broadcast_in_dim3A_18 {strides = array<i32>} : memref<10240xf32, #tpu.memory_space<vmem>>, vector<16xf32>,
      %mul3A_1000 = arith.constant 256 : i32
      %mul3A_1001 = arith.muli %scan3A_722, %mul3A_1000 : i32
      %add3A_1002 = arith.constant 224 : i32
      %add3A_1003 = arith.addi %mul3A_1001, %add3A_1002 : i32
      %swap3A_1004 = arith.index_cast %add3A_1003 : i32 to index
      %swap3A_1005 = tpu.vector_load %arg10[%swap3A_1004] {strides = array<i32>} : memref<10240xf32, #tpu.memory_space<vmem>>, vector<16xf32>,
      tpu.vector_store %arg10[%swap3A_1004], %broadcast_in_dim3A_18 {strides = array<i32>} : memref<10240xf32, #tpu.memory_space<vmem>>, vector<16xf32>,
      %mul3A_1006 = arith.constant 256 : i32
      %mul3A_1007 = arith.muli %scan3A_722, %mul3A_1006 : i32
      %add3A_1008 = arith.constant 240 : i32
      %add3A_1009 = arith.addi %mul3A_1007, %add3A_1008 : i32
      %swap3A_1010 = arith.index_cast %add3A_1009 : i32 to index
      %swap3A_1011 = tpu.vector_load %arg10[%swap3A_1010] {strides = array<i32>} : memref<10240xf32, #tpu.memory_space<vmem>>, vector<16xf32>,
      tpu.vector_store %arg10[%swap3A_1010], %broadcast_in_dim3A_18 {strides = array<i32>} : memref<10240xf32, #tpu.memory_space<vmem>>, vector<16xf32>,
      %scan3A_1012 = arith.constant 0 : i32
      scf.yield %scan3A_1012 : i32
    }
    %scan3A_24 = arith.constant 40 : i32
    tpu.wait_dma2 semaphore(%arg15 : memref<!tpu.dma_semaphore, #tpu.memory_space<semaphore_mem>>) src(%arg2 : memref<30000xf32, #tpu.memory_space<hbm>>) dst(%arg6 : memref<30000xf32, #tpu.memory_space<vmem>>)
    %dma_wait3A = arith.constant 0 : i32
    %dma_wait3A_25 = tpu.memref_slice %arg3[%dma_wait3A, %mul3A_14] : memref<2x640000xi32, #tpu.memory_space<hbm>> -> memref<2x20096xi32, #tpu.memory_space<hbm>>
    %dma_wait3A_26 = arith.constant 0 : i32
    %dma_wait3A_27 = tpu.memref_slice %arg3[%dma_wait3A_26, %mul3A_14] : memref<2x640000xi32, #tpu.memory_space<hbm>> -> memref<2x20096xi32, #tpu.memory_space<hbm>>
    tpu.wait_dma2 semaphore(%arg15 : memref<!tpu.dma_semaphore, #tpu.memory_space<semaphore_mem>>) src(%dma_wait3A_27 : memref<2x20096xi32, #tpu.memory_space<hbm>>) dst(%arg7 : memref<2x20096xi32, #tpu.memory_space<vmem>>)
    %iota3A = tpu.iota {dimensions = array<i32: 0>} : vector<16xi32>
    %broadcast_in_dim3A_28 = arith.constant 0.000000e+00 : f32
    "tpu.trace_start"() <{level = 10 : i32, message = "edge_loop"}> : () -> ()
    %broadcast_in_dim3A_29 = vector.broadcast %broadcast_in_dim3A_28 : f32 to vector<16xf32>
    %parallel_loop3A = arith.constant 0 : i32
    %parallel_loop3A_30 = arith.constant 1256 : i32
    %parallel_loop3A_31 = arith.constant 1 : i32
    %parallel_loop3A_32 = arith.constant 1.000000e+00 : f32
    %parallel_loop3A_33 = arith.constant 5.000000e-01 : f32
    %parallel_loop3A_34 = arith.constant 0.000000e+00 : f32
    %parallel_loop3A_35 = scf.for %parallel_loop3A_722 = %parallel_loop3A to %parallel_loop3A_30 step %parallel_loop3A_31 iter_args(%parallel_loop3A_723 = %broadcast_in_dim3A_29) -> (vector<16xf32>)  : i32 {
      %parallel_loop3A_724 = arith.constant 16 : i32
      %parallel_loop3A_725 = arith.muli %parallel_loop3A_722, %parallel_loop3A_724 : i32
      %parallel_loop3A_726 = arith.constant 0 : i32
      %parallel_loop3A_727 = arith.index_cast %parallel_loop3A_726 : i32 to index
      %parallel_loop3A_728 = arith.index_cast %parallel_loop3A_725 : i32 to index
      %parallel_loop3A_729 = tpu.vector_load %arg7[%parallel_loop3A_727, %parallel_loop3A_728] {strides = array<i32>} : memref<2x20096xi32, #tpu.memory_space<vmem>>, vector<16xi32>,
      %parallel_loop3A_730 = arith.constant 16 : i32
      %parallel_loop3A_731 = arith.muli %parallel_loop3A_722, %parallel_loop3A_730 : i32
      %parallel_loop3A_732 = arith.constant 1 : i32
      %parallel_loop3A_733 = arith.index_cast %parallel_loop3A_732 : i32 to index
      %parallel_loop3A_734 = arith.index_cast %parallel_loop3A_731 : i32 to index
      %parallel_loop3A_735 = tpu.vector_load %arg7[%parallel_loop3A_733, %parallel_loop3A_734] {strides = array<i32>} : memref<2x20096xi32, #tpu.memory_space<vmem>>, vector<16xi32>,
      %parallel_loop3A_736 = arith.constant 16 : i32
      %parallel_loop3A_737 = arith.muli %parallel_loop3A_722, %parallel_loop3A_736 : i32
      %parallel_loop3A_738 = vector.broadcast %parallel_loop3A_737 : i32 to vector<16xi32>
      %parallel_loop3A_739 = arith.addi %iota3A, %parallel_loop3A_738 : vector<16xi32>
      %parallel_loop3A_740 = vector.broadcast %select_n3A_12 : i32 to vector<16xi32>
      %parallel_loop3A_741 = arith.cmpi slt, %parallel_loop3A_739, %parallel_loop3A_740 : vector<16xi32>
      %parallel_loop3A_742 = arith.addi %parallel_loop3A_729, %parallel_loop3A_729 : vector<16xi32>
      %parallel_loop3A_743 = arith.addi %parallel_loop3A_742, %parallel_loop3A_729 : vector<16xi32>
      %parallel_loop3A_744 = arith.addi %parallel_loop3A_735, %parallel_loop3A_735 : vector<16xi32>
      %parallel_loop3A_745 = arith.addi %parallel_loop3A_744, %parallel_loop3A_735 : vector<16xi32>
      %parallel_loop3A_746 = tpu.vector_load_idx %arg6[%parallel_loop3A_743] : memref<30000xf32, #tpu.memory_space<vmem>>[vector<16xi32>], vector<16xf32>,
      %parallel_loop3A_747 = arith.constant 1 : i32
      %parallel_loop3A_748 = vector.broadcast %parallel_loop3A_747 : i32 to vector<16xi32>
      %parallel_loop3A_749 = arith.addi %parallel_loop3A_743, %parallel_loop3A_748 : vector<16xi32>
      %parallel_loop3A_750 = tpu.vector_load_idx %arg6[%parallel_loop3A_749] : memref<30000xf32, #tpu.memory_space<vmem>>[vector<16xi32>], vector<16xf32>,
      %parallel_loop3A_751 = arith.constant 2 : i32
      %parallel_loop3A_752 = vector.broadcast %parallel_loop3A_751 : i32 to vector<16xi32>
      %parallel_loop3A_753 = arith.addi %parallel_loop3A_743, %parallel_loop3A_752 : vector<16xi32>
      %parallel_loop3A_754 = tpu.vector_load_idx %arg6[%parallel_loop3A_753] : memref<30000xf32, #tpu.memory_space<vmem>>[vector<16xi32>], vector<16xf32>,
      %parallel_loop3A_755 = tpu.vector_load_idx %arg6[%parallel_loop3A_745] : memref<30000xf32, #tpu.memory_space<vmem>>[vector<16xi32>], vector<16xf32>,
      %parallel_loop3A_756 = arith.constant 1 : i32
      %parallel_loop3A_757 = vector.broadcast %parallel_loop3A_756 : i32 to vector<16xi32>
      %parallel_loop3A_758 = arith.addi %parallel_loop3A_745, %parallel_loop3A_757 : vector<16xi32>
      %parallel_loop3A_759 = tpu.vector_load_idx %arg6[%parallel_loop3A_758] : memref<30000xf32, #tpu.memory_space<vmem>>[vector<16xi32>], vector<16xf32>,
      %parallel_loop3A_760 = arith.constant 2 : i32
      %parallel_loop3A_761 = vector.broadcast %parallel_loop3A_760 : i32 to vector<16xi32>
      %parallel_loop3A_762 = arith.addi %parallel_loop3A_745, %parallel_loop3A_761 : vector<16xi32>
      %parallel_loop3A_763 = tpu.vector_load_idx %arg6[%parallel_loop3A_762] : memref<30000xf32, #tpu.memory_space<vmem>>[vector<16xi32>], vector<16xf32>,
      %parallel_loop3A_764 = arith.subf %parallel_loop3A_755, %parallel_loop3A_746 : vector<16xf32>
      %parallel_loop3A_765 = arith.subf %parallel_loop3A_759, %parallel_loop3A_750 : vector<16xf32>
      %parallel_loop3A_766 = arith.subf %parallel_loop3A_763, %parallel_loop3A_754 : vector<16xf32>
      %parallel_loop3A_767 = arith.mulf %parallel_loop3A_764, %parallel_loop3A_764 : vector<16xf32>
      %parallel_loop3A_768 = arith.mulf %parallel_loop3A_765, %parallel_loop3A_765 : vector<16xf32>
      %parallel_loop3A_769 = arith.addf %parallel_loop3A_767, %parallel_loop3A_768 : vector<16xf32>
      %parallel_loop3A_770 = arith.mulf %parallel_loop3A_766, %parallel_loop3A_766 : vector<16xf32>
      %parallel_loop3A_771 = arith.addf %parallel_loop3A_769, %parallel_loop3A_770 : vector<16xf32>
      %parallel_loop3A_772 = vector.bitcast %parallel_loop3A_771 : vector<16xf32> to vector<16xi32>
      %parallel_loop3A_773 = arith.constant 1 : i32
      %parallel_loop3A_774 = vector.broadcast %parallel_loop3A_773 : i32 to vector<16xi32>
      %parallel_loop3A_775 = arith.shrui %parallel_loop3A_772, %parallel_loop3A_774 : vector<16xi32>
      %parallel_loop3A_776 = arith.constant 1597463007 : i32
      %parallel_loop3A_777 = vector.broadcast %parallel_loop3A_776 : i32 to vector<16xi32>
      %parallel_loop3A_778 = arith.subi %parallel_loop3A_777, %parallel_loop3A_775 : vector<16xi32>
      %parallel_loop3A_779 = vector.bitcast %parallel_loop3A_778 : vector<16xi32> to vector<16xf32>
      %parallel_loop3A_780 = arith.constant 5.000000e-01 : f32
      %parallel_loop3A_781 = vector.broadcast %parallel_loop3A_780 : f32 to vector<16xf32>
      %parallel_loop3A_782 = arith.mulf %parallel_loop3A_781, %parallel_loop3A_771 : vector<16xf32>
      %parallel_loop3A_783 = arith.mulf %parallel_loop3A_782, %parallel_loop3A_779 : vector<16xf32>
      %parallel_loop3A_784 = arith.mulf %parallel_loop3A_783, %parallel_loop3A_779 : vector<16xf32>
      %parallel_loop3A_785 = arith.constant 1.500000e+00 : f32
      %parallel_loop3A_786 = vector.broadcast %parallel_loop3A_785 : f32 to vector<16xf32>
      %parallel_loop3A_787 = arith.subf %parallel_loop3A_786, %parallel_loop3A_784 : vector<16xf32>
      %parallel_loop3A_788 = arith.mulf %parallel_loop3A_779, %parallel_loop3A_787 : vector<16xf32>
      %parallel_loop3A_789 = arith.mulf %parallel_loop3A_782, %parallel_loop3A_788 : vector<16xf32>
      %parallel_loop3A_790 = arith.mulf %parallel_loop3A_789, %parallel_loop3A_788 : vector<16xf32>
      %parallel_loop3A_791 = arith.constant 1.500000e+00 : f32
      %parallel_loop3A_792 = vector.broadcast %parallel_loop3A_791 : f32 to vector<16xf32>
      %parallel_loop3A_793 = arith.subf %parallel_loop3A_792, %parallel_loop3A_790 : vector<16xf32>
      %parallel_loop3A_794 = arith.mulf %parallel_loop3A_788, %parallel_loop3A_793 : vector<16xf32>
      %parallel_loop3A_795 = arith.mulf %parallel_loop3A_771, %parallel_loop3A_794 : vector<16xf32>
      %parallel_loop3A_796 = vector.broadcast %parallel_loop3A_32 : f32 to vector<16xf32>
      %parallel_loop3A_797 = arith.cmpf olt, %parallel_loop3A_771, %parallel_loop3A_796 : vector<16xf32>
      %parallel_loop3A_798 = vector.broadcast %parallel_loop3A_32 : f32 to vector<16xf32>
      %parallel_loop3A_799 = arith.subf %parallel_loop3A_798, %parallel_loop3A_795 : vector<16xf32>
      %parallel_loop3A_800 = arith.andi %parallel_loop3A_797, %parallel_loop3A_741 : vector<16xi1>
      %parallel_loop3A_801 = vector.broadcast %parallel_loop3A_33 : f32 to vector<16xf32>
      %parallel_loop3A_802 = arith.mulf %parallel_loop3A_801, %parallel_loop3A_799 : vector<16xf32>
      %parallel_loop3A_803 = arith.mulf %parallel_loop3A_802, %parallel_loop3A_799 : vector<16xf32>
      %parallel_loop3A_804 = vector.broadcast %parallel_loop3A_34 : f32 to vector<16xf32>
      %parallel_loop3A_805 = arith.select %parallel_loop3A_800, %parallel_loop3A_803, %parallel_loop3A_804 : vector<16xi1>, vector<16xf32>
      %parallel_loop3A_806 = arith.andi %parallel_loop3A_797, %parallel_loop3A_741 : vector<16xi1>
      %parallel_loop3A_807 = vector.broadcast %parallel_loop3A_32 : f32 to vector<16xf32>
      %parallel_loop3A_808 = arith.subf %parallel_loop3A_807, %parallel_loop3A_794 : vector<16xf32>
      %parallel_loop3A_809 = vector.broadcast %parallel_loop3A_34 : f32 to vector<16xf32>
      %parallel_loop3A_810 = arith.select %parallel_loop3A_806, %parallel_loop3A_808, %parallel_loop3A_809 : vector<16xi1>, vector<16xf32>
      %parallel_loop3A_811 = vector.broadcast %parallel_loop3A_34 : f32 to vector<16xf32>
      %parallel_loop3A_812 = arith.cmpf oeq, %parallel_loop3A_771, %parallel_loop3A_811 : vector<16xf32>
      %parallel_loop3A_813 = vector.broadcast %parallel_loop3A_34 : f32 to vector<16xf32>
      %parallel_loop3A_814 = arith.select %parallel_loop3A_812, %parallel_loop3A_813, %parallel_loop3A_810 : vector<16xi1>, vector<16xf32>
      %parallel_loop3A_815 = arith.mulf %parallel_loop3A_814, %parallel_loop3A_764 : vector<16xf32>
      %parallel_loop3A_816 = arith.mulf %parallel_loop3A_814, %parallel_loop3A_765 : vector<16xf32>
      %parallel_loop3A_817 = arith.mulf %parallel_loop3A_814, %parallel_loop3A_766 : vector<16xf32>
      tpu.vector_store_idx %arg8[%parallel_loop3A_729], %parallel_loop3A_815 {add = true} : memref<10240xf32, #tpu.memory_space<vmem>>[vector<16xi32>], vector<16xf32>,
      tpu.vector_store_idx %arg9[%parallel_loop3A_729], %parallel_loop3A_816 {add = true} : memref<10240xf32, #tpu.memory_space<vmem>>[vector<16xi32>], vector<16xf32>,
      tpu.vector_store_idx %arg10[%parallel_loop3A_729], %parallel_loop3A_817 {add = true} : memref<10240xf32, #tpu.memory_space<vmem>>[vector<16xi32>], vector<16xf32>,
      %parallel_loop3A_818 = arith.constant 0.000000e+00 : f32
      %parallel_loop3A_819 = vector.broadcast %parallel_loop3A_818 : f32 to vector<16xf32>
      %parallel_loop3A_820 = arith.subf %parallel_loop3A_819, %parallel_loop3A_815 : vector<16xf32>
      tpu.vector_store_idx %arg8[%parallel_loop3A_735], %parallel_loop3A_820 {add = true} : memref<10240xf32, #tpu.memory_space<vmem>>[vector<16xi32>], vector<16xf32>,
      %parallel_loop3A_821 = arith.constant 0.000000e+00 : f32
      %parallel_loop3A_822 = vector.broadcast %parallel_loop3A_821 : f32 to vector<16xf32>
      %parallel_loop3A_823 = arith.subf %parallel_loop3A_822, %parallel_loop3A_816 : vector<16xf32>
      tpu.vector_store_idx %arg9[%parallel_loop3A_735], %parallel_loop3A_823 {add = true} : memref<10240xf32, #tpu.memory_space<vmem>>[vector<16xi32>], vector<16xf32>,
      %parallel_loop3A_824 = arith.constant 0.000000e+00 : f32
      %parallel_loop3A_825 = vector.broadcast %parallel_loop3A_824 : f32 to vector<16xf32>
      %parallel_loop3A_826 = arith.subf %parallel_loop3A_825, %parallel_loop3A_817 : vector<16xf32>
      tpu.vector_store_idx %arg10[%parallel_loop3A_735], %parallel_loop3A_826 {add = true} : memref<10240xf32, #tpu.memory_space<vmem>>[vector<16xi32>], vector<16xf32>,
      %parallel_loop3A_827 = arith.addf %parallel_loop3A_723, %parallel_loop3A_805 : vector<16xf32>
      scf.yield %parallel_loop3A_827 : vector<16xf32>
    } {sc.loop_unroll_factor = 8 : i64, sc.parallel_access}
    "tpu.trace_stop"() : () -> ()
    %swap3A = arith.constant 0 : index
    %swap3A_36 = tpu.vector_load %arg11[%swap3A] {strides = array<i32>} : memref<16xf32, #tpu.memory_space<vmem>>, vector<16xf32>,
    tpu.vector_store %arg11[%swap3A], %parallel_loop3A_35 {strides = array<i32>} : memref<16xf32, #tpu.memory_space<vmem>>, vector<16xf32>,
    %mul3A_37 = arith.constant 16 : i32
    %mul3A_38 = arith.muli %add3A, %mul3A_37 : i32
    "tpu.region"() ({
      %run_scoped3A = tpu.sem_alloc : memref<!tpu.dma_semaphore, #tpu.memory_space<semaphore_mem>>
      %dma_start3A_722 = tpu.memref_slice %arg5[%mul3A_38] : memref<512xf32, #tpu.memory_space<hbm>> -> memref<16xf32, #tpu.memory_space<hbm>>
      %dma_start3A_723 = tpu.memref_slice %arg5[%mul3A_38] : memref<512xf32, #tpu.memory_space<hbm>> -> memref<16xf32, #tpu.memory_space<hbm>>
      tpu.enqueue_dma source(%arg11 : memref<16xf32, #tpu.memory_space<vmem>>) target(%dma_start3A_723 : memref<16xf32, #tpu.memory_space<hbm>>) target_semaphore(%run_scoped3A : memref<!tpu.dma_semaphore, #tpu.memory_space<semaphore_mem>>)
      %dma_wait3A_724 = tpu.memref_slice %arg5[%mul3A_38] : memref<512xf32, #tpu.memory_space<hbm>> -> memref<16xf32, #tpu.memory_space<hbm>>
      %dma_wait3A_725 = tpu.memref_slice %arg5[%mul3A_38] : memref<512xf32, #tpu.memory_space<hbm>> -> memref<16xf32, #tpu.memory_space<hbm>>
      tpu.wait_dma2 semaphore(%run_scoped3A : memref<!tpu.dma_semaphore, #tpu.memory_space<semaphore_mem>>) src(%arg11 : memref<16xf32, #tpu.memory_space<vmem>>) dst(%dma_wait3A_725 : memref<16xf32, #tpu.memory_space<hbm>>)
      tpu.yield
    }) : () -> ()
    "tpu.trace_start"() <{level = 10 : i32, message = "reduce"}> : () -> ()
    %mul3A_39 = arith.constant 10240 : i32
    %mul3A_40 = arith.muli %arg1, %mul3A_39 : i32
    "tpu.region"() ({
      %run_scoped3A = tpu.sem_alloc : memref<!tpu.dma_semaphore, #tpu.memory_space<semaphore_mem>>
      %dma_start3A_722 = tpu.memref_slice %arg14[%mul3A_40] : memref<163840xf32, #tpu.memory_space<vmem_shared>> -> memref<10240xf32, #tpu.memory_space<vmem_shared>>
      %dma_start3A_723 = tpu.memref_slice %arg14[%mul3A_40] : memref<163840xf32, #tpu.memory_space<vmem_shared>> -> memref<10240xf32, #tpu.memory_space<vmem_shared>>
      tpu.enqueue_dma source(%arg8 : memref<10240xf32, #tpu.memory_space<vmem>>) target(%dma_start3A_723 : memref<10240xf32, #tpu.memory_space<vmem_shared>>) target_semaphore(%run_scoped3A : memref<!tpu.dma_semaphore, #tpu.memory_space<semaphore_mem>>)
      %dma_wait3A_724 = tpu.memref_slice %arg14[%mul3A_40] : memref<163840xf32, #tpu.memory_space<vmem_shared>> -> memref<10240xf32, #tpu.memory_space<vmem_shared>>
      %dma_wait3A_725 = tpu.memref_slice %arg14[%mul3A_40] : memref<163840xf32, #tpu.memory_space<vmem_shared>> -> memref<10240xf32, #tpu.memory_space<vmem_shared>>
      tpu.wait_dma2 semaphore(%run_scoped3A : memref<!tpu.dma_semaphore, #tpu.memory_space<semaphore_mem>>) src(%arg8 : memref<10240xf32, #tpu.memory_space<vmem>>) dst(%dma_wait3A_725 : memref<10240xf32, #tpu.memory_space<vmem_shared>>)
      tpu.yield
    }) : () -> ()
    %barrier3A = arith.constant 0 : index
    tpu.barrier barrier_id(%barrier3A)
    %mul3A_41 = arith.constant 640 : i32
    %mul3A_42 = arith.muli %arg1, %mul3A_41 : i32
    %add3A_43 = arith.constant 10240 : i32
    %add3A_44 = arith.addi %add3A_43, %mul3A_42 : i32
    %dma_start3A_45 = arith.constant 640 : i32
    %dma_start3A_46 = tpu.memref_slice %arg12[%dma_start3A_45] : memref<10240xf32, #tpu.memory_space<vmem>> -> memref<640xf32, #tpu.memory_space<vmem>>
    %dma_start3A_47 = tpu.memref_slice %arg14[%add3A_44] : memref<163840xf32, #tpu.memory_space<vmem_shared>> -> memref<640xf32, #tpu.memory_space<vmem_shared>>
    %dma_start3A_48 = arith.constant 640 : i32
    %dma_start3A_49 = tpu.memref_slice %arg12[%dma_start3A_48] : memref<10240xf32, #tpu.memory_space<vmem>> -> memref<640xf32, #tpu.memory_space<vmem>>
    %dma_start3A_50 = tpu.memref_slice %arg14[%add3A_44] : memref<163840xf32, #tpu.memory_space<vmem_shared>> -> memref<640xf32, #tpu.memory_space<vmem_shared>>
    tpu.enqueue_dma source(%dma_start3A_50 : memref<640xf32, #tpu.memory_space<vmem_shared>>) target(%dma_start3A_49 : memref<640xf32, #tpu.memory_space<vmem>>) target_semaphore(%arg16 : memref<!tpu.dma_semaphore, #tpu.memory_space<semaphore_mem>>)
    %add3A_51 = arith.constant 20480 : i32
    %add3A_52 = arith.addi %add3A_51, %mul3A_42 : i32
    %dma_start3A_53 = arith.constant 1280 : i32
    %dma_start3A_54 = tpu.memref_slice %arg12[%dma_start3A_53] : memref<10240xf32, #tpu.memory_space<vmem>> -> memref<640xf32, #tpu.memory_space<vmem>>
    %dma_start3A_55 = tpu.memref_slice %arg14[%add3A_52] : memref<163840xf32, #tpu.memory_space<vmem_shared>> -> memref<640xf32, #tpu.memory_space<vmem_shared>>
    %dma_start3A_56 = arith.constant 1280 : i32
    %dma_start3A_57 = tpu.memref_slice %arg12[%dma_start3A_56] : memref<10240xf32, #tpu.memory_space<vmem>> -> memref<640xf32, #tpu.memory_space<vmem>>
    %dma_start3A_58 = tpu.memref_slice %arg14[%add3A_52] : memref<163840xf32, #tpu.memory_space<vmem_shared>> -> memref<640xf32, #tpu.memory_space<vmem_shared>>
    tpu.enqueue_dma source(%dma_start3A_58 : memref<640xf32, #tpu.memory_space<vmem_shared>>) target(%dma_start3A_57 : memref<640xf32, #tpu.memory_space<vmem>>) target_semaphore(%arg16 : memref<!tpu.dma_semaphore, #tpu.memory_space<semaphore_mem>>)
    %add3A_59 = arith.constant 30720 : i32
    %add3A_60 = arith.addi %add3A_59, %mul3A_42 : i32
    %dma_start3A_61 = arith.constant 1920 : i32
    %dma_start3A_62 = tpu.memref_slice %arg12[%dma_start3A_61] : memref<10240xf32, #tpu.memory_space<vmem>> -> memref<640xf32, #tpu.memory_space<vmem>>
    %dma_start3A_63 = tpu.memref_slice %arg14[%add3A_60] : memref<163840xf32, #tpu.memory_space<vmem_shared>> -> memref<640xf32, #tpu.memory_space<vmem_shared>>
    %dma_start3A_64 = arith.constant 1920 : i32
    %dma_start3A_65 = tpu.memref_slice %arg12[%dma_start3A_64] : memref<10240xf32, #tpu.memory_space<vmem>> -> memref<640xf32, #tpu.memory_space<vmem>>
    %dma_start3A_66 = tpu.memref_slice %arg14[%add3A_60] : memref<163840xf32, #tpu.memory_space<vmem_shared>> -> memref<640xf32, #tpu.memory_space<vmem_shared>>
    tpu.enqueue_dma source(%dma_start3A_66 : memref<640xf32, #tpu.memory_space<vmem_shared>>) target(%dma_start3A_65 : memref<640xf32, #tpu.memory_space<vmem>>) target_semaphore(%arg16 : memref<!tpu.dma_semaphore, #tpu.memory_space<semaphore_mem>>)
    %add3A_67 = arith.constant 40960 : i32
    %add3A_68 = arith.addi %add3A_67, %mul3A_42 : i32
    %dma_start3A_69 = arith.constant 2560 : i32
    %dma_start3A_70 = tpu.memref_slice %arg12[%dma_start3A_69] : memref<10240xf32, #tpu.memory_space<vmem>> -> memref<640xf32, #tpu.memory_space<vmem>>
    %dma_start3A_71 = tpu.memref_slice %arg14[%add3A_68] : memref<163840xf32, #tpu.memory_space<vmem_shared>> -> memref<640xf32, #tpu.memory_space<vmem_shared>>
    %dma_start3A_72 = arith.constant 2560 : i32
    %dma_start3A_73 = tpu.memref_slice %arg12[%dma_start3A_72] : memref<10240xf32, #tpu.memory_space<vmem>> -> memref<640xf32, #tpu.memory_space<vmem>>
    %dma_start3A_74 = tpu.memref_slice %arg14[%add3A_68] : memref<163840xf32, #tpu.memory_space<vmem_shared>> -> memref<640xf32, #tpu.memory_space<vmem_shared>>
    tpu.enqueue_dma source(%dma_start3A_74 : memref<640xf32, #tpu.memory_space<vmem_shared>>) target(%dma_start3A_73 : memref<640xf32, #tpu.memory_space<vmem>>) target_semaphore(%arg16 : memref<!tpu.dma_semaphore, #tpu.memory_space<semaphore_mem>>)
    %add3A_75 = arith.constant 51200 : i32
    %add3A_76 = arith.addi %add3A_75, %mul3A_42 : i32
    %dma_start3A_77 = arith.constant 3200 : i32
    %dma_start3A_78 = tpu.memref_slice %arg12[%dma_start3A_77] : memref<10240xf32, #tpu.memory_space<vmem>> -> memref<640xf32, #tpu.memory_space<vmem>>
    %dma_start3A_79 = tpu.memref_slice %arg14[%add3A_76] : memref<163840xf32, #tpu.memory_space<vmem_shared>> -> memref<640xf32, #tpu.memory_space<vmem_shared>>
    %dma_start3A_80 = arith.constant 3200 : i32
    %dma_start3A_81 = tpu.memref_slice %arg12[%dma_start3A_80] : memref<10240xf32, #tpu.memory_space<vmem>> -> memref<640xf32, #tpu.memory_space<vmem>>
    %dma_start3A_82 = tpu.memref_slice %arg14[%add3A_76] : memref<163840xf32, #tpu.memory_space<vmem_shared>> -> memref<640xf32, #tpu.memory_space<vmem_shared>>
    tpu.enqueue_dma source(%dma_start3A_82 : memref<640xf32, #tpu.memory_space<vmem_shared>>) target(%dma_start3A_81 : memref<640xf32, #tpu.memory_space<vmem>>) target_semaphore(%arg16 : memref<!tpu.dma_semaphore, #tpu.memory_space<semaphore_mem>>)
    %add3A_83 = arith.constant 61440 : i32
    %add3A_84 = arith.addi %add3A_83, %mul3A_42 : i32
    %dma_start3A_85 = arith.constant 3840 : i32
    %dma_start3A_86 = tpu.memref_slice %arg12[%dma_start3A_85] : memref<10240xf32, #tpu.memory_space<vmem>> -> memref<640xf32, #tpu.memory_space<vmem>>
    %dma_start3A_87 = tpu.memref_slice %arg14[%add3A_84] : memref<163840xf32, #tpu.memory_space<vmem_shared>> -> memref<640xf32, #tpu.memory_space<vmem_shared>>
    %dma_start3A_88 = arith.constant 3840 : i32
    %dma_start3A_89 = tpu.memref_slice %arg12[%dma_start3A_88] : memref<10240xf32, #tpu.memory_space<vmem>> -> memref<640xf32, #tpu.memory_space<vmem>>
    %dma_start3A_90 = tpu.memref_slice %arg14[%add3A_84] : memref<163840xf32, #tpu.memory_space<vmem_shared>> -> memref<640xf32, #tpu.memory_space<vmem_shared>>
    tpu.enqueue_dma source(%dma_start3A_90 : memref<640xf32, #tpu.memory_space<vmem_shared>>) target(%dma_start3A_89 : memref<640xf32, #tpu.memory_space<vmem>>) target_semaphore(%arg16 : memref<!tpu.dma_semaphore, #tpu.memory_space<semaphore_mem>>)
    %add3A_91 = arith.constant 71680 : i32
    %add3A_92 = arith.addi %add3A_91, %mul3A_42 : i32
    %dma_start3A_93 = arith.constant 4480 : i32
    %dma_start3A_94 = tpu.memref_slice %arg12[%dma_start3A_93] : memref<10240xf32, #tpu.memory_space<vmem>> -> memref<640xf32, #tpu.memory_space<vmem>>
    %dma_start3A_95 = tpu.memref_slice %arg14[%add3A_92] : memref<163840xf32, #tpu.memory_space<vmem_shared>> -> memref<640xf32, #tpu.memory_space<vmem_shared>>
    %dma_start3A_96 = arith.constant 4480 : i32
    %dma_start3A_97 = tpu.memref_slice %arg12[%dma_start3A_96] : memref<10240xf32, #tpu.memory_space<vmem>> -> memref<640xf32, #tpu.memory_space<vmem>>
    %dma_start3A_98 = tpu.memref_slice %arg14[%add3A_92] : memref<163840xf32, #tpu.memory_space<vmem_shared>> -> memref<640xf32, #tpu.memory_space<vmem_shared>>
    tpu.enqueue_dma source(%dma_start3A_98 : memref<640xf32, #tpu.memory_space<vmem_shared>>) target(%dma_start3A_97 : memref<640xf32, #tpu.memory_space<vmem>>) target_semaphore(%arg16 : memref<!tpu.dma_semaphore, #tpu.memory_space<semaphore_mem>>)
    %add3A_99 = arith.constant 81920 : i32
    %add3A_100 = arith.addi %add3A_99, %mul3A_42 : i32
    %dma_start3A_101 = arith.constant 5120 : i32
    %dma_start3A_102 = tpu.memref_slice %arg12[%dma_start3A_101] : memref<10240xf32, #tpu.memory_space<vmem>> -> memref<640xf32, #tpu.memory_space<vmem>>
    %dma_start3A_103 = tpu.memref_slice %arg14[%add3A_100] : memref<163840xf32, #tpu.memory_space<vmem_shared>> -> memref<640xf32, #tpu.memory_space<vmem_shared>>
    %dma_start3A_104 = arith.constant 5120 : i32
    %dma_start3A_105 = tpu.memref_slice %arg12[%dma_start3A_104] : memref<10240xf32, #tpu.memory_space<vmem>> -> memref<640xf32, #tpu.memory_space<vmem>>
    %dma_start3A_106 = tpu.memref_slice %arg14[%add3A_100] : memref<163840xf32, #tpu.memory_space<vmem_shared>> -> memref<640xf32, #tpu.memory_space<vmem_shared>>
    tpu.enqueue_dma source(%dma_start3A_106 : memref<640xf32, #tpu.memory_space<vmem_shared>>) target(%dma_start3A_105 : memref<640xf32, #tpu.memory_space<vmem>>) target_semaphore(%arg16 : memref<!tpu.dma_semaphore, #tpu.memory_space<semaphore_mem>>)
    %add3A_107 = arith.constant 92160 : i32
    %add3A_108 = arith.addi %add3A_107, %mul3A_42 : i32
    %dma_start3A_109 = arith.constant 5760 : i32
    %dma_start3A_110 = tpu.memref_slice %arg12[%dma_start3A_109] : memref<10240xf32, #tpu.memory_space<vmem>> -> memref<640xf32, #tpu.memory_space<vmem>>
    %dma_start3A_111 = tpu.memref_slice %arg14[%add3A_108] : memref<163840xf32, #tpu.memory_space<vmem_shared>> -> memref<640xf32, #tpu.memory_space<vmem_shared>>
    %dma_start3A_112 = arith.constant 5760 : i32
    %dma_start3A_113 = tpu.memref_slice %arg12[%dma_start3A_112] : memref<10240xf32, #tpu.memory_space<vmem>> -> memref<640xf32, #tpu.memory_space<vmem>>
    %dma_start3A_114 = tpu.memref_slice %arg14[%add3A_108] : memref<163840xf32, #tpu.memory_space<vmem_shared>> -> memref<640xf32, #tpu.memory_space<vmem_shared>>
    tpu.enqueue_dma source(%dma_start3A_114 : memref<640xf32, #tpu.memory_space<vmem_shared>>) target(%dma_start3A_113 : memref<640xf32, #tpu.memory_space<vmem>>) target_semaphore(%arg16 : memref<!tpu.dma_semaphore, #tpu.memory_space<semaphore_mem>>)
    %add3A_115 = arith.constant 102400 : i32
    %add3A_116 = arith.addi %add3A_115, %mul3A_42 : i32
    %dma_start3A_117 = arith.constant 6400 : i32
    %dma_start3A_118 = tpu.memref_slice %arg12[%dma_start3A_117] : memref<10240xf32, #tpu.memory_space<vmem>> -> memref<640xf32, #tpu.memory_space<vmem>>
    %dma_start3A_119 = tpu.memref_slice %arg14[%add3A_116] : memref<163840xf32, #tpu.memory_space<vmem_shared>> -> memref<640xf32, #tpu.memory_space<vmem_shared>>
    %dma_start3A_120 = arith.constant 6400 : i32
    %dma_start3A_121 = tpu.memref_slice %arg12[%dma_start3A_120] : memref<10240xf32, #tpu.memory_space<vmem>> -> memref<640xf32, #tpu.memory_space<vmem>>
    %dma_start3A_122 = tpu.memref_slice %arg14[%add3A_116] : memref<163840xf32, #tpu.memory_space<vmem_shared>> -> memref<640xf32, #tpu.memory_space<vmem_shared>>
    tpu.enqueue_dma source(%dma_start3A_122 : memref<640xf32, #tpu.memory_space<vmem_shared>>) target(%dma_start3A_121 : memref<640xf32, #tpu.memory_space<vmem>>) target_semaphore(%arg16 : memref<!tpu.dma_semaphore, #tpu.memory_space<semaphore_mem>>)
    %add3A_123 = arith.constant 112640 : i32
    %add3A_124 = arith.addi %add3A_123, %mul3A_42 : i32
    %dma_start3A_125 = arith.constant 7040 : i32
    %dma_start3A_126 = tpu.memref_slice %arg12[%dma_start3A_125] : memref<10240xf32, #tpu.memory_space<vmem>> -> memref<640xf32, #tpu.memory_space<vmem>>
    %dma_start3A_127 = tpu.memref_slice %arg14[%add3A_124] : memref<163840xf32, #tpu.memory_space<vmem_shared>> -> memref<640xf32, #tpu.memory_space<vmem_shared>>
    %dma_start3A_128 = arith.constant 7040 : i32
    %dma_start3A_129 = tpu.memref_slice %arg12[%dma_start3A_128] : memref<10240xf32, #tpu.memory_space<vmem>> -> memref<640xf32, #tpu.memory_space<vmem>>
    %dma_start3A_130 = tpu.memref_slice %arg14[%add3A_124] : memref<163840xf32, #tpu.memory_space<vmem_shared>> -> memref<640xf32, #tpu.memory_space<vmem_shared>>
    tpu.enqueue_dma source(%dma_start3A_130 : memref<640xf32, #tpu.memory_space<vmem_shared>>) target(%dma_start3A_129 : memref<640xf32, #tpu.memory_space<vmem>>) target_semaphore(%arg16 : memref<!tpu.dma_semaphore, #tpu.memory_space<semaphore_mem>>)
    %add3A_131 = arith.constant 122880 : i32
    %add3A_132 = arith.addi %add3A_131, %mul3A_42 : i32
    %dma_start3A_133 = arith.constant 7680 : i32
    %dma_start3A_134 = tpu.memref_slice %arg12[%dma_start3A_133] : memref<10240xf32, #tpu.memory_space<vmem>> -> memref<640xf32, #tpu.memory_space<vmem>>
    %dma_start3A_135 = tpu.memref_slice %arg14[%add3A_132] : memref<163840xf32, #tpu.memory_space<vmem_shared>> -> memref<640xf32, #tpu.memory_space<vmem_shared>>
    %dma_start3A_136 = arith.constant 7680 : i32
    %dma_start3A_137 = tpu.memref_slice %arg12[%dma_start3A_136] : memref<10240xf32, #tpu.memory_space<vmem>> -> memref<640xf32, #tpu.memory_space<vmem>>
    %dma_start3A_138 = tpu.memref_slice %arg14[%add3A_132] : memref<163840xf32, #tpu.memory_space<vmem_shared>> -> memref<640xf32, #tpu.memory_space<vmem_shared>>
    tpu.enqueue_dma source(%dma_start3A_138 : memref<640xf32, #tpu.memory_space<vmem_shared>>) target(%dma_start3A_137 : memref<640xf32, #tpu.memory_space<vmem>>) target_semaphore(%arg16 : memref<!tpu.dma_semaphore, #tpu.memory_space<semaphore_mem>>)
    %add3A_139 = arith.constant 133120 : i32
    %add3A_140 = arith.addi %add3A_139, %mul3A_42 : i32
    %dma_start3A_141 = arith.constant 8320 : i32
    %dma_start3A_142 = tpu.memref_slice %arg12[%dma_start3A_141] : memref<10240xf32, #tpu.memory_space<vmem>> -> memref<640xf32, #tpu.memory_space<vmem>>
    %dma_start3A_143 = tpu.memref_slice %arg14[%add3A_140] : memref<163840xf32, #tpu.memory_space<vmem_shared>> -> memref<640xf32, #tpu.memory_space<vmem_shared>>
    %dma_start3A_144 = arith.constant 8320 : i32
    %dma_start3A_145 = tpu.memref_slice %arg12[%dma_start3A_144] : memref<10240xf32, #tpu.memory_space<vmem>> -> memref<640xf32, #tpu.memory_space<vmem>>
    %dma_start3A_146 = tpu.memref_slice %arg14[%add3A_140] : memref<163840xf32, #tpu.memory_space<vmem_shared>> -> memref<640xf32, #tpu.memory_space<vmem_shared>>
    tpu.enqueue_dma source(%dma_start3A_146 : memref<640xf32, #tpu.memory_space<vmem_shared>>) target(%dma_start3A_145 : memref<640xf32, #tpu.memory_space<vmem>>) target_semaphore(%arg16 : memref<!tpu.dma_semaphore, #tpu.memory_space<semaphore_mem>>)
    %add3A_147 = arith.constant 143360 : i32
    %add3A_148 = arith.addi %add3A_147, %mul3A_42 : i32
    %dma_start3A_149 = arith.constant 8960 : i32
    %dma_start3A_150 = tpu.memref_slice %arg12[%dma_start3A_149] : memref<10240xf32, #tpu.memory_space<vmem>> -> memref<640xf32, #tpu.memory_space<vmem>>
    %dma_start3A_151 = tpu.memref_slice %arg14[%add3A_148] : memref<163840xf32, #tpu.memory_space<vmem_shared>> -> memref<640xf32, #tpu.memory_space<vmem_shared>>
    %dma_start3A_152 = arith.constant 8960 : i32
    %dma_start3A_153 = tpu.memref_slice %arg12[%dma_start3A_152] : memref<10240xf32, #tpu.memory_space<vmem>> -> memref<640xf32, #tpu.memory_space<vmem>>
    %dma_start3A_154 = tpu.memref_slice %arg14[%add3A_148] : memref<163840xf32, #tpu.memory_space<vmem_shared>> -> memref<640xf32, #tpu.memory_space<vmem_shared>>
    tpu.enqueue_dma source(%dma_start3A_154 : memref<640xf32, #tpu.memory_space<vmem_shared>>) target(%dma_start3A_153 : memref<640xf32, #tpu.memory_space<vmem>>) target_semaphore(%arg16 : memref<!tpu.dma_semaphore, #tpu.memory_space<semaphore_mem>>)
    %add3A_155 = arith.constant 153600 : i32
    %add3A_156 = arith.addi %add3A_155, %mul3A_42 : i32
    %dma_start3A_157 = arith.constant 9600 : i32
    %dma_start3A_158 = tpu.memref_slice %arg12[%dma_start3A_157] : memref<10240xf32, #tpu.memory_space<vmem>> -> memref<640xf32, #tpu.memory_space<vmem>>
    %dma_start3A_159 = tpu.memref_slice %arg14[%add3A_156] : memref<163840xf32, #tpu.memory_space<vmem_shared>> -> memref<640xf32, #tpu.memory_space<vmem_shared>>
    %dma_start3A_160 = arith.constant 9600 : i32
    %dma_start3A_161 = tpu.memref_slice %arg12[%dma_start3A_160] : memref<10240xf32, #tpu.memory_space<vmem>> -> memref<640xf32, #tpu.memory_space<vmem>>
    %dma_start3A_162 = tpu.memref_slice %arg14[%add3A_156] : memref<163840xf32, #tpu.memory_space<vmem_shared>> -> memref<640xf32, #tpu.memory_space<vmem_shared>>
    tpu.enqueue_dma source(%dma_start3A_162 : memref<640xf32, #tpu.memory_space<vmem_shared>>) target(%dma_start3A_161 : memref<640xf32, #tpu.memory_space<vmem>>) target_semaphore(%arg16 : memref<!tpu.dma_semaphore, #tpu.memory_space<semaphore_mem>>)
    "tpu.region"() ({
      %run_scoped3A = tpu.sem_alloc : memref<!tpu.dma_semaphore, #tpu.memory_space<semaphore_mem>>
      %dma_start3A_722 = tpu.memref_slice %arg14[%mul3A_42] : memref<163840xf32, #tpu.memory_space<vmem_shared>> -> memref<640xf32, #tpu.memory_space<vmem_shared>>
      %dma_start3A_723 = tpu.memref_slice %arg14[%mul3A_42] : memref<163840xf32, #tpu.memory_space<vmem_shared>> -> memref<640xf32, #tpu.memory_space<vmem_shared>>
      tpu.enqueue_dma source(%dma_start3A_723 : memref<640xf32, #tpu.memory_space<vmem_shared>>) target(%arg13 : memref<640xf32, #tpu.memory_space<vmem>>) target_semaphore(%run_scoped3A : memref<!tpu.dma_semaphore, #tpu.memory_space<semaphore_mem>>)
      %dma_wait3A_724 = tpu.memref_slice %arg14[%mul3A_42] : memref<163840xf32, #tpu.memory_space<vmem_shared>> -> memref<640xf32, #tpu.memory_space<vmem_shared>>
      %dma_wait3A_725 = tpu.memref_slice %arg14[%mul3A_42] : memref<163840xf32, #tpu.memory_space<vmem_shared>> -> memref<640xf32, #tpu.memory_space<vmem_shared>>
      tpu.wait_dma2 semaphore(%run_scoped3A : memref<!tpu.dma_semaphore, #tpu.memory_space<semaphore_mem>>) src(%dma_wait3A_725 : memref<640xf32, #tpu.memory_space<vmem_shared>>) dst(%arg13 : memref<640xf32, #tpu.memory_space<vmem>>)
      tpu.yield
    }) : () -> ()
    %dma_wait3A_163 = arith.constant 640 : i32
    %dma_wait3A_164 = tpu.memref_slice %arg12[%dma_wait3A_163] : memref<10240xf32, #tpu.memory_space<vmem>> -> memref<640xf32, #tpu.memory_space<vmem>>
    %dma_wait3A_165 = tpu.memref_slice %arg14[%add3A_44] : memref<163840xf32, #tpu.memory_space<vmem_shared>> -> memref<640xf32, #tpu.memory_space<vmem_shared>>
    %dma_wait3A_166 = arith.constant 640 : i32
    %dma_wait3A_167 = tpu.memref_slice %arg12[%dma_wait3A_166] : memref<10240xf32, #tpu.memory_space<vmem>> -> memref<640xf32, #tpu.memory_space<vmem>>
    %dma_wait3A_168 = tpu.memref_slice %arg14[%add3A_44] : memref<163840xf32, #tpu.memory_space<vmem_shared>> -> memref<640xf32, #tpu.memory_space<vmem_shared>>
    tpu.wait_dma2 semaphore(%arg16 : memref<!tpu.dma_semaphore, #tpu.memory_space<semaphore_mem>>) src(%dma_wait3A_168 : memref<640xf32, #tpu.memory_space<vmem_shared>>) dst(%dma_wait3A_167 : memref<640xf32, #tpu.memory_space<vmem>>)
    %dma_wait3A_169 = arith.constant 1280 : i32
    %dma_wait3A_170 = tpu.memref_slice %arg12[%dma_wait3A_169] : memref<10240xf32, #tpu.memory_space<vmem>> -> memref<640xf32, #tpu.memory_space<vmem>>
    %dma_wait3A_171 = tpu.memref_slice %arg14[%add3A_52] : memref<163840xf32, #tpu.memory_space<vmem_shared>> -> memref<640xf32, #tpu.memory_space<vmem_shared>>
    %dma_wait3A_172 = arith.constant 1280 : i32
    %dma_wait3A_173 = tpu.memref_slice %arg12[%dma_wait3A_172] : memref<10240xf32, #tpu.memory_space<vmem>> -> memref<640xf32, #tpu.memory_space<vmem>>
    %dma_wait3A_174 = tpu.memref_slice %arg14[%add3A_52] : memref<163840xf32, #tpu.memory_space<vmem_shared>> -> memref<640xf32, #tpu.memory_space<vmem_shared>>
    tpu.wait_dma2 semaphore(%arg16 : memref<!tpu.dma_semaphore, #tpu.memory_space<semaphore_mem>>) src(%dma_wait3A_174 : memref<640xf32, #tpu.memory_space<vmem_shared>>) dst(%dma_wait3A_173 : memref<640xf32, #tpu.memory_space<vmem>>)
    %dma_wait3A_175 = arith.constant 1920 : i32
    %dma_wait3A_176 = tpu.memref_slice %arg12[%dma_wait3A_175] : memref<10240xf32, #tpu.memory_space<vmem>> -> memref<640xf32, #tpu.memory_space<vmem>>
    %dma_wait3A_177 = tpu.memref_slice %arg14[%add3A_60] : memref<163840xf32, #tpu.memory_space<vmem_shared>> -> memref<640xf32, #tpu.memory_space<vmem_shared>>
    %dma_wait3A_178 = arith.constant 1920 : i32
    %dma_wait3A_179 = tpu.memref_slice %arg12[%dma_wait3A_178] : memref<10240xf32, #tpu.memory_space<vmem>> -> memref<640xf32, #tpu.memory_space<vmem>>
    %dma_wait3A_180 = tpu.memref_slice %arg14[%add3A_60] : memref<163840xf32, #tpu.memory_space<vmem_shared>> -> memref<640xf32, #tpu.memory_space<vmem_shared>>
    tpu.wait_dma2 semaphore(%arg16 : memref<!tpu.dma_semaphore, #tpu.memory_space<semaphore_mem>>) src(%dma_wait3A_180 : memref<640xf32, #tpu.memory_space<vmem_shared>>) dst(%dma_wait3A_179 : memref<640xf32, #tpu.memory_space<vmem>>)
    %dma_wait3A_181 = arith.constant 2560 : i32
    %dma_wait3A_182 = tpu.memref_slice %arg12[%dma_wait3A_181] : memref<10240xf32, #tpu.memory_space<vmem>> -> memref<640xf32, #tpu.memory_space<vmem>>
    %dma_wait3A_183 = tpu.memref_slice %arg14[%add3A_68] : memref<163840xf32, #tpu.memory_space<vmem_shared>> -> memref<640xf32, #tpu.memory_space<vmem_shared>>
    %dma_wait3A_184 = arith.constant 2560 : i32
    %dma_wait3A_185 = tpu.memref_slice %arg12[%dma_wait3A_184] : memref<10240xf32, #tpu.memory_space<vmem>> -> memref<640xf32, #tpu.memory_space<vmem>>
    %dma_wait3A_186 = tpu.memref_slice %arg14[%add3A_68] : memref<163840xf32, #tpu.memory_space<vmem_shared>> -> memref<640xf32, #tpu.memory_space<vmem_shared>>
    tpu.wait_dma2 semaphore(%arg16 : memref<!tpu.dma_semaphore, #tpu.memory_space<semaphore_mem>>) src(%dma_wait3A_186 : memref<640xf32, #tpu.memory_space<vmem_shared>>) dst(%dma_wait3A_185 : memref<640xf32, #tpu.memory_space<vmem>>)
    %dma_wait3A_187 = arith.constant 3200 : i32
    %dma_wait3A_188 = tpu.memref_slice %arg12[%dma_wait3A_187] : memref<10240xf32, #tpu.memory_space<vmem>> -> memref<640xf32, #tpu.memory_space<vmem>>
    %dma_wait3A_189 = tpu.memref_slice %arg14[%add3A_76] : memref<163840xf32, #tpu.memory_space<vmem_shared>> -> memref<640xf32, #tpu.memory_space<vmem_shared>>
    %dma_wait3A_190 = arith.constant 3200 : i32
    %dma_wait3A_191 = tpu.memref_slice %arg12[%dma_wait3A_190] : memref<10240xf32, #tpu.memory_space<vmem>> -> memref<640xf32, #tpu.memory_space<vmem>>
    %dma_wait3A_192 = tpu.memref_slice %arg14[%add3A_76] : memref<163840xf32, #tpu.memory_space<vmem_shared>> -> memref<640xf32, #tpu.memory_space<vmem_shared>>
    tpu.wait_dma2 semaphore(%arg16 : memref<!tpu.dma_semaphore, #tpu.memory_space<semaphore_mem>>) src(%dma_wait3A_192 : memref<640xf32, #tpu.memory_space<vmem_shared>>) dst(%dma_wait3A_191 : memref<640xf32, #tpu.memory_space<vmem>>)
    %dma_wait3A_193 = arith.constant 3840 : i32
    %dma_wait3A_194 = tpu.memref_slice %arg12[%dma_wait3A_193] : memref<10240xf32, #tpu.memory_space<vmem>> -> memref<640xf32, #tpu.memory_space<vmem>>
    %dma_wait3A_195 = tpu.memref_slice %arg14[%add3A_84] : memref<163840xf32, #tpu.memory_space<vmem_shared>> -> memref<640xf32, #tpu.memory_space<vmem_shared>>
    %dma_wait3A_196 = arith.constant 3840 : i32
    %dma_wait3A_197 = tpu.memref_slice %arg12[%dma_wait3A_196] : memref<10240xf32, #tpu.memory_space<vmem>> -> memref<640xf32, #tpu.memory_space<vmem>>
    %dma_wait3A_198 = tpu.memref_slice %arg14[%add3A_84] : memref<163840xf32, #tpu.memory_space<vmem_shared>> -> memref<640xf32, #tpu.memory_space<vmem_shared>>
    tpu.wait_dma2 semaphore(%arg16 : memref<!tpu.dma_semaphore, #tpu.memory_space<semaphore_mem>>) src(%dma_wait3A_198 : memref<640xf32, #tpu.memory_space<vmem_shared>>) dst(%dma_wait3A_197 : memref<640xf32, #tpu.memory_space<vmem>>)
    %dma_wait3A_199 = arith.constant 4480 : i32
    %dma_wait3A_200 = tpu.memref_slice %arg12[%dma_wait3A_199] : memref<10240xf32, #tpu.memory_space<vmem>> -> memref<640xf32, #tpu.memory_space<vmem>>
    %dma_wait3A_201 = tpu.memref_slice %arg14[%add3A_92] : memref<163840xf32, #tpu.memory_space<vmem_shared>> -> memref<640xf32, #tpu.memory_space<vmem_shared>>
    %dma_wait3A_202 = arith.constant 4480 : i32
    %dma_wait3A_203 = tpu.memref_slice %arg12[%dma_wait3A_202] : memref<10240xf32, #tpu.memory_space<vmem>> -> memref<640xf32, #tpu.memory_space<vmem>>
    %dma_wait3A_204 = tpu.memref_slice %arg14[%add3A_92] : memref<163840xf32, #tpu.memory_space<vmem_shared>> -> memref<640xf32, #tpu.memory_space<vmem_shared>>
    tpu.wait_dma2 semaphore(%arg16 : memref<!tpu.dma_semaphore, #tpu.memory_space<semaphore_mem>>) src(%dma_wait3A_204 : memref<640xf32, #tpu.memory_space<vmem_shared>>) dst(%dma_wait3A_203 : memref<640xf32, #tpu.memory_space<vmem>>)
    %dma_wait3A_205 = arith.constant 5120 : i32
    %dma_wait3A_206 = tpu.memref_slice %arg12[%dma_wait3A_205] : memref<10240xf32, #tpu.memory_space<vmem>> -> memref<640xf32, #tpu.memory_space<vmem>>
    %dma_wait3A_207 = tpu.memref_slice %arg14[%add3A_100] : memref<163840xf32, #tpu.memory_space<vmem_shared>> -> memref<640xf32, #tpu.memory_space<vmem_shared>>
    %dma_wait3A_208 = arith.constant 5120 : i32
    %dma_wait3A_209 = tpu.memref_slice %arg12[%dma_wait3A_208] : memref<10240xf32, #tpu.memory_space<vmem>> -> memref<640xf32, #tpu.memory_space<vmem>>
    %dma_wait3A_210 = tpu.memref_slice %arg14[%add3A_100] : memref<163840xf32, #tpu.memory_space<vmem_shared>> -> memref<640xf32, #tpu.memory_space<vmem_shared>>
    tpu.wait_dma2 semaphore(%arg16 : memref<!tpu.dma_semaphore, #tpu.memory_space<semaphore_mem>>) src(%dma_wait3A_210 : memref<640xf32, #tpu.memory_space<vmem_shared>>) dst(%dma_wait3A_209 : memref<640xf32, #tpu.memory_space<vmem>>)
    %dma_wait3A_211 = arith.constant 5760 : i32
    %dma_wait3A_212 = tpu.memref_slice %arg12[%dma_wait3A_211] : memref<10240xf32, #tpu.memory_space<vmem>> -> memref<640xf32, #tpu.memory_space<vmem>>
    %dma_wait3A_213 = tpu.memref_slice %arg14[%add3A_108] : memref<163840xf32, #tpu.memory_space<vmem_shared>> -> memref<640xf32, #tpu.memory_space<vmem_shared>>
    %dma_wait3A_214 = arith.constant 5760 : i32
    %dma_wait3A_215 = tpu.memref_slice %arg12[%dma_wait3A_214] : memref<10240xf32, #tpu.memory_space<vmem>> -> memref<640xf32, #tpu.memory_space<vmem>>
    %dma_wait3A_216 = tpu.memref_slice %arg14[%add3A_108] : memref<163840xf32, #tpu.memory_space<vmem_shared>> -> memref<640xf32, #tpu.memory_space<vmem_shared>>
    tpu.wait_dma2 semaphore(%arg16 : memref<!tpu.dma_semaphore, #tpu.memory_space<semaphore_mem>>) src(%dma_wait3A_216 : memref<640xf32, #tpu.memory_space<vmem_shared>>) dst(%dma_wait3A_215 : memref<640xf32, #tpu.memory_space<vmem>>)
    %dma_wait3A_217 = arith.constant 6400 : i32
    %dma_wait3A_218 = tpu.memref_slice %arg12[%dma_wait3A_217] : memref<10240xf32, #tpu.memory_space<vmem>> -> memref<640xf32, #tpu.memory_space<vmem>>
    %dma_wait3A_219 = tpu.memref_slice %arg14[%add3A_116] : memref<163840xf32, #tpu.memory_space<vmem_shared>> -> memref<640xf32, #tpu.memory_space<vmem_shared>>
    %dma_wait3A_220 = arith.constant 6400 : i32
    %dma_wait3A_221 = tpu.memref_slice %arg12[%dma_wait3A_220] : memref<10240xf32, #tpu.memory_space<vmem>> -> memref<640xf32, #tpu.memory_space<vmem>>
    %dma_wait3A_222 = tpu.memref_slice %arg14[%add3A_116] : memref<163840xf32, #tpu.memory_space<vmem_shared>> -> memref<640xf32, #tpu.memory_space<vmem_shared>>
    tpu.wait_dma2 semaphore(%arg16 : memref<!tpu.dma_semaphore, #tpu.memory_space<semaphore_mem>>) src(%dma_wait3A_222 : memref<640xf32, #tpu.memory_space<vmem_shared>>) dst(%dma_wait3A_221 : memref<640xf32, #tpu.memory_space<vmem>>)
    %dma_wait3A_223 = arith.constant 7040 : i32
    %dma_wait3A_224 = tpu.memref_slice %arg12[%dma_wait3A_223] : memref<10240xf32, #tpu.memory_space<vmem>> -> memref<640xf32, #tpu.memory_space<vmem>>
    %dma_wait3A_225 = tpu.memref_slice %arg14[%add3A_124] : memref<163840xf32, #tpu.memory_space<vmem_shared>> -> memref<640xf32, #tpu.memory_space<vmem_shared>>
    %dma_wait3A_226 = arith.constant 7040 : i32
    %dma_wait3A_227 = tpu.memref_slice %arg12[%dma_wait3A_226] : memref<10240xf32, #tpu.memory_space<vmem>> -> memref<640xf32, #tpu.memory_space<vmem>>
    %dma_wait3A_228 = tpu.memref_slice %arg14[%add3A_124] : memref<163840xf32, #tpu.memory_space<vmem_shared>> -> memref<640xf32, #tpu.memory_space<vmem_shared>>
    tpu.wait_dma2 semaphore(%arg16 : memref<!tpu.dma_semaphore, #tpu.memory_space<semaphore_mem>>) src(%dma_wait3A_228 : memref<640xf32, #tpu.memory_space<vmem_shared>>) dst(%dma_wait3A_227 : memref<640xf32, #tpu.memory_space<vmem>>)
    %dma_wait3A_229 = arith.constant 7680 : i32
    %dma_wait3A_230 = tpu.memref_slice %arg12[%dma_wait3A_229] : memref<10240xf32, #tpu.memory_space<vmem>> -> memref<640xf32, #tpu.memory_space<vmem>>
    %dma_wait3A_231 = tpu.memref_slice %arg14[%add3A_132] : memref<163840xf32, #tpu.memory_space<vmem_shared>> -> memref<640xf32, #tpu.memory_space<vmem_shared>>
    %dma_wait3A_232 = arith.constant 7680 : i32
    %dma_wait3A_233 = tpu.memref_slice %arg12[%dma_wait3A_232] : memref<10240xf32, #tpu.memory_space<vmem>> -> memref<640xf32, #tpu.memory_space<vmem>>
    %dma_wait3A_234 = tpu.memref_slice %arg14[%add3A_132] : memref<163840xf32, #tpu.memory_space<vmem_shared>> -> memref<640xf32, #tpu.memory_space<vmem_shared>>
    tpu.wait_dma2 semaphore(%arg16 : memref<!tpu.dma_semaphore, #tpu.memory_space<semaphore_mem>>) src(%dma_wait3A_234 : memref<640xf32, #tpu.memory_space<vmem_shared>>) dst(%dma_wait3A_233 : memref<640xf32, #tpu.memory_space<vmem>>)
    %dma_wait3A_235 = arith.constant 8320 : i32
    %dma_wait3A_236 = tpu.memref_slice %arg12[%dma_wait3A_235] : memref<10240xf32, #tpu.memory_space<vmem>> -> memref<640xf32, #tpu.memory_space<vmem>>
    %dma_wait3A_237 = tpu.memref_slice %arg14[%add3A_140] : memref<163840xf32, #tpu.memory_space<vmem_shared>> -> memref<640xf32, #tpu.memory_space<vmem_shared>>
    %dma_wait3A_238 = arith.constant 8320 : i32
    %dma_wait3A_239 = tpu.memref_slice %arg12[%dma_wait3A_238] : memref<10240xf32, #tpu.memory_space<vmem>> -> memref<640xf32, #tpu.memory_space<vmem>>
    %dma_wait3A_240 = tpu.memref_slice %arg14[%add3A_140] : memref<163840xf32, #tpu.memory_space<vmem_shared>> -> memref<640xf32, #tpu.memory_space<vmem_shared>>
    tpu.wait_dma2 semaphore(%arg16 : memref<!tpu.dma_semaphore, #tpu.memory_space<semaphore_mem>>) src(%dma_wait3A_240 : memref<640xf32, #tpu.memory_space<vmem_shared>>) dst(%dma_wait3A_239 : memref<640xf32, #tpu.memory_space<vmem>>)
    %dma_wait3A_241 = arith.constant 8960 : i32
    %dma_wait3A_242 = tpu.memref_slice %arg12[%dma_wait3A_241] : memref<10240xf32, #tpu.memory_space<vmem>> -> memref<640xf32, #tpu.memory_space<vmem>>
    %dma_wait3A_243 = tpu.memref_slice %arg14[%add3A_148] : memref<163840xf32, #tpu.memory_space<vmem_shared>> -> memref<640xf32, #tpu.memory_space<vmem_shared>>
    %dma_wait3A_244 = arith.constant 8960 : i32
    %dma_wait3A_245 = tpu.memref_slice %arg12[%dma_wait3A_244] : memref<10240xf32, #tpu.memory_space<vmem>> -> memref<640xf32, #tpu.memory_space<vmem>>
    %dma_wait3A_246 = tpu.memref_slice %arg14[%add3A_148] : memref<163840xf32, #tpu.memory_space<vmem_shared>> -> memref<640xf32, #tpu.memory_space<vmem_shared>>
    tpu.wait_dma2 semaphore(%arg16 : memref<!tpu.dma_semaphore, #tpu.memory_space<semaphore_mem>>) src(%dma_wait3A_246 : memref<640xf32, #tpu.memory_space<vmem_shared>>) dst(%dma_wait3A_245 : memref<640xf32, #tpu.memory_space<vmem>>)
    %dma_wait3A_247 = arith.constant 9600 : i32
    %dma_wait3A_248 = tpu.memref_slice %arg12[%dma_wait3A_247] : memref<10240xf32, #tpu.memory_space<vmem>> -> memref<640xf32, #tpu.memory_space<vmem>>
    %dma_wait3A_249 = tpu.memref_slice %arg14[%add3A_156] : memref<163840xf32, #tpu.memory_space<vmem_shared>> -> memref<640xf32, #tpu.memory_space<vmem_shared>>
    %dma_wait3A_250 = arith.constant 9600 : i32
    %dma_wait3A_251 = tpu.memref_slice %arg12[%dma_wait3A_250] : memref<10240xf32, #tpu.memory_space<vmem>> -> memref<640xf32, #tpu.memory_space<vmem>>
    %dma_wait3A_252 = tpu.memref_slice %arg14[%add3A_156] : memref<163840xf32, #tpu.memory_space<vmem_shared>> -> memref<640xf32, #tpu.memory_space<vmem_shared>>
    tpu.wait_dma2 semaphore(%arg16 : memref<!tpu.dma_semaphore, #tpu.memory_space<semaphore_mem>>) src(%dma_wait3A_252 : memref<640xf32, #tpu.memory_space<vmem_shared>>) dst(%dma_wait3A_251 : memref<640xf32, #tpu.memory_space<vmem>>)
    %scan3A_253 = arith.constant 0 : i32
    %scan3A_254 = arith.constant 0 : i32
    %scan3A_255 = arith.constant 40 : i32
    %scan3A_256 = arith.addi %scan3A_254, %scan3A_255 : i32
    %scan3A_257 = arith.constant 1 : i32
    %scan3A_258 = scf.for %scan3A_722 = %scan3A_254 to %scan3A_256 step %scan3A_257 iter_args(%scan3A_723 = %scan3A_253) -> (i32)  : i32 {
      %mul3A_724 = arith.constant 16 : i32
      %mul3A_725 = arith.muli %scan3A_722, %mul3A_724 : i32
      %get3A = arith.index_cast %mul3A_725 : i32 to index
      %get3A_726 = tpu.vector_load %arg13[%get3A] {strides = array<i32>} : memref<640xf32, #tpu.memory_space<vmem>>, vector<16xf32>,
      %mul3A_727 = arith.constant 16 : i32
      %mul3A_728 = arith.muli %scan3A_722, %mul3A_727 : i32
      %add3A_729 = arith.constant 640 : i32
      %add3A_730 = arith.addi %add3A_729, %mul3A_728 : i32
      %get3A_731 = arith.index_cast %add3A_730 : i32 to index
      %get3A_732 = tpu.vector_load %arg12[%get3A_731] {strides = array<i32>} : memref<10240xf32, #tpu.memory_space<vmem>>, vector<16xf32>,
      %add3A_733 = arith.addf %get3A_726, %get3A_732 : vector<16xf32>
      %mul3A_734 = arith.constant 16 : i32
      %mul3A_735 = arith.muli %scan3A_722, %mul3A_734 : i32
      %add3A_736 = arith.constant 1280 : i32
      %add3A_737 = arith.addi %add3A_736, %mul3A_735 : i32
      %get3A_738 = arith.index_cast %add3A_737 : i32 to index
      %get3A_739 = tpu.vector_load %arg12[%get3A_738] {strides = array<i32>} : memref<10240xf32, #tpu.memory_space<vmem>>, vector<16xf32>,
      %add3A_740 = arith.addf %add3A_733, %get3A_739 : vector<16xf32>
      %mul3A_741 = arith.constant 16 : i32
      %mul3A_742 = arith.muli %scan3A_722, %mul3A_741 : i32
      %add3A_743 = arith.constant 1920 : i32
      %add3A_744 = arith.addi %add3A_743, %mul3A_742 : i32
      %get3A_745 = arith.index_cast %add3A_744 : i32 to index
      %get3A_746 = tpu.vector_load %arg12[%get3A_745] {strides = array<i32>} : memref<10240xf32, #tpu.memory_space<vmem>>, vector<16xf32>,
      %add3A_747 = arith.addf %add3A_740, %get3A_746 : vector<16xf32>
      %mul3A_748 = arith.constant 16 : i32
      %mul3A_749 = arith.muli %scan3A_722, %mul3A_748 : i32
      %add3A_750 = arith.constant 2560 : i32
      %add3A_751 = arith.addi %add3A_750, %mul3A_749 : i32
      %get3A_752 = arith.index_cast %add3A_751 : i32 to index
      %get3A_753 = tpu.vector_load %arg12[%get3A_752] {strides = array<i32>} : memref<10240xf32, #tpu.memory_space<vmem>>, vector<16xf32>,
      %add3A_754 = arith.addf %add3A_747, %get3A_753 : vector<16xf32>
      %mul3A_755 = arith.constant 16 : i32
      %mul3A_756 = arith.muli %scan3A_722, %mul3A_755 : i32
      %add3A_757 = arith.constant 3200 : i32
      %add3A_758 = arith.addi %add3A_757, %mul3A_756 : i32
      %get3A_759 = arith.index_cast %add3A_758 : i32 to index
      %get3A_760 = tpu.vector_load %arg12[%get3A_759] {strides = array<i32>} : memref<10240xf32, #tpu.memory_space<vmem>>, vector<16xf32>,
      %add3A_761 = arith.addf %add3A_754, %get3A_760 : vector<16xf32>
      %mul3A_762 = arith.constant 16 : i32
      %mul3A_763 = arith.muli %scan3A_722, %mul3A_762 : i32
      %add3A_764 = arith.constant 3840 : i32
      %add3A_765 = arith.addi %add3A_764, %mul3A_763 : i32
      %get3A_766 = arith.index_cast %add3A_765 : i32 to index
      %get3A_767 = tpu.vector_load %arg12[%get3A_766] {strides = array<i32>} : memref<10240xf32, #tpu.memory_space<vmem>>, vector<16xf32>,
      %add3A_768 = arith.addf %add3A_761, %get3A_767 : vector<16xf32>
      %mul3A_769 = arith.constant 16 : i32
      %mul3A_770 = arith.muli %scan3A_722, %mul3A_769 : i32
      %add3A_771 = arith.constant 4480 : i32
      %add3A_772 = arith.addi %add3A_771, %mul3A_770 : i32
      %get3A_773 = arith.index_cast %add3A_772 : i32 to index
      %get3A_774 = tpu.vector_load %arg12[%get3A_773] {strides = array<i32>} : memref<10240xf32, #tpu.memory_space<vmem>>, vector<16xf32>,
      %add3A_775 = arith.addf %add3A_768, %get3A_774 : vector<16xf32>
      %mul3A_776 = arith.constant 16 : i32
      %mul3A_777 = arith.muli %scan3A_722, %mul3A_776 : i32
      %add3A_778 = arith.constant 5120 : i32
      %add3A_779 = arith.addi %add3A_778, %mul3A_777 : i32
      %get3A_780 = arith.index_cast %add3A_779 : i32 to index
      %get3A_781 = tpu.vector_load %arg12[%get3A_780] {strides = array<i32>} : memref<10240xf32, #tpu.memory_space<vmem>>, vector<16xf32>,
      %add3A_782 = arith.addf %add3A_775, %get3A_781 : vector<16xf32>
      %mul3A_783 = arith.constant 16 : i32
      %mul3A_784 = arith.muli %scan3A_722, %mul3A_783 : i32
      %add3A_785 = arith.constant 5760 : i32
      %add3A_786 = arith.addi %add3A_785, %mul3A_784 : i32
      %get3A_787 = arith.index_cast %add3A_786 : i32 to index
      %get3A_788 = tpu.vector_load %arg12[%get3A_787] {strides = array<i32>} : memref<10240xf32, #tpu.memory_space<vmem>>, vector<16xf32>,
      %add3A_789 = arith.addf %add3A_782, %get3A_788 : vector<16xf32>
      %mul3A_790 = arith.constant 16 : i32
      %mul3A_791 = arith.muli %scan3A_722, %mul3A_790 : i32
      %add3A_792 = arith.constant 6400 : i32
      %add3A_793 = arith.addi %add3A_792, %mul3A_791 : i32
      %get3A_794 = arith.index_cast %add3A_793 : i32 to index
      %get3A_795 = tpu.vector_load %arg12[%get3A_794] {strides = array<i32>} : memref<10240xf32, #tpu.memory_space<vmem>>, vector<16xf32>,
      %add3A_796 = arith.addf %add3A_789, %get3A_795 : vector<16xf32>
      %mul3A_797 = arith.constant 16 : i32
      %mul3A_798 = arith.muli %scan3A_722, %mul3A_797 : i32
      %add3A_799 = arith.constant 7040 : i32
      %add3A_800 = arith.addi %add3A_799, %mul3A_798 : i32
      %get3A_801 = arith.index_cast %add3A_800 : i32 to index
      %get3A_802 = tpu.vector_load %arg12[%get3A_801] {strides = array<i32>} : memref<10240xf32, #tpu.memory_space<vmem>>, vector<16xf32>,
      %add3A_803 = arith.addf %add3A_796, %get3A_802 : vector<16xf32>
      %mul3A_804 = arith.constant 16 : i32
      %mul3A_805 = arith.muli %scan3A_722, %mul3A_804 : i32
      %add3A_806 = arith.constant 7680 : i32
      %add3A_807 = arith.addi %add3A_806, %mul3A_805 : i32
      %get3A_808 = arith.index_cast %add3A_807 : i32 to index
      %get3A_809 = tpu.vector_load %arg12[%get3A_808] {strides = array<i32>} : memref<10240xf32, #tpu.memory_space<vmem>>, vector<16xf32>,
      %add3A_810 = arith.addf %add3A_803, %get3A_809 : vector<16xf32>
      %mul3A_811 = arith.constant 16 : i32
      %mul3A_812 = arith.muli %scan3A_722, %mul3A_811 : i32
      %add3A_813 = arith.constant 8320 : i32
      %add3A_814 = arith.addi %add3A_813, %mul3A_812 : i32
      %get3A_815 = arith.index_cast %add3A_814 : i32 to index
      %get3A_816 = tpu.vector_load %arg12[%get3A_815] {strides = array<i32>} : memref<10240xf32, #tpu.memory_space<vmem>>, vector<16xf32>,
      %add3A_817 = arith.addf %add3A_810, %get3A_816 : vector<16xf32>
      %mul3A_818 = arith.constant 16 : i32
      %mul3A_819 = arith.muli %scan3A_722, %mul3A_818 : i32
      %add3A_820 = arith.constant 8960 : i32
      %add3A_821 = arith.addi %add3A_820, %mul3A_819 : i32
      %get3A_822 = arith.index_cast %add3A_821 : i32 to index
      %get3A_823 = tpu.vector_load %arg12[%get3A_822] {strides = array<i32>} : memref<10240xf32, #tpu.memory_space<vmem>>, vector<16xf32>,
      %add3A_824 = arith.addf %add3A_817, %get3A_823 : vector<16xf32>
      %mul3A_825 = arith.constant 16 : i32
      %mul3A_826 = arith.muli %scan3A_722, %mul3A_825 : i32
      %add3A_827 = arith.constant 9600 : i32
      %add3A_828 = arith.addi %add3A_827, %mul3A_826 : i32
      %get3A_829 = arith.index_cast %add3A_828 : i32 to index
      %get3A_830 = tpu.vector_load %arg12[%get3A_829] {strides = array<i32>} : memref<10240xf32, #tpu.memory_space<vmem>>, vector<16xf32>,
      %add3A_831 = arith.addf %add3A_824, %get3A_830 : vector<16xf32>
      %mul3A_832 = arith.constant 16 : i32
      %mul3A_833 = arith.muli %scan3A_722, %mul3A_832 : i32
      %swap3A_834 = arith.index_cast %mul3A_833 : i32 to index
      %swap3A_835 = tpu.vector_load %arg13[%swap3A_834] {strides = array<i32>} : memref<640xf32, #tpu.memory_space<vmem>>, vector<16xf32>,
      tpu.vector_store %arg13[%swap3A_834], %add3A_831 {strides = array<i32>} : memref<640xf32, #tpu.memory_space<vmem>>, vector<16xf32>,
      %scan3A_836 = arith.constant 0 : i32
      scf.yield %scan3A_836 : i32
    }
    %scan3A_259 = arith.constant 40 : i32
    %mul3A_260 = arith.constant 30720 : i32
    %mul3A_261 = arith.muli %arg0, %mul3A_260 : i32
    %add3A_262 = arith.constant 0 : i32
    %add3A_263 = arith.addi %mul3A_261, %add3A_262 : i32
    %add3A_264 = arith.addi %add3A_263, %mul3A_42 : i32
    "tpu.region"() ({
      %run_scoped3A = tpu.sem_alloc : memref<!tpu.dma_semaphore, #tpu.memory_space<semaphore_mem>>
      %dma_start3A_722 = tpu.memref_slice %arg4[%add3A_264] : memref<61440xf32, #tpu.memory_space<hbm>> -> memref<640xf32, #tpu.memory_space<hbm>>
      %dma_start3A_723 = tpu.memref_slice %arg4[%add3A_264] : memref<61440xf32, #tpu.memory_space<hbm>> -> memref<640xf32, #tpu.memory_space<hbm>>
      tpu.enqueue_dma source(%arg13 : memref<640xf32, #tpu.memory_space<vmem>>) target(%dma_start3A_723 : memref<640xf32, #tpu.memory_space<hbm>>) target_semaphore(%run_scoped3A : memref<!tpu.dma_semaphore, #tpu.memory_space<semaphore_mem>>)
      %dma_wait3A_724 = tpu.memref_slice %arg4[%add3A_264] : memref<61440xf32, #tpu.memory_space<hbm>> -> memref<640xf32, #tpu.memory_space<hbm>>
      %dma_wait3A_725 = tpu.memref_slice %arg4[%add3A_264] : memref<61440xf32, #tpu.memory_space<hbm>> -> memref<640xf32, #tpu.memory_space<hbm>>
      tpu.wait_dma2 semaphore(%run_scoped3A : memref<!tpu.dma_semaphore, #tpu.memory_space<semaphore_mem>>) src(%arg13 : memref<640xf32, #tpu.memory_space<vmem>>) dst(%dma_wait3A_725 : memref<640xf32, #tpu.memory_space<hbm>>)
      tpu.yield
    }) : () -> ()
    %barrier3A_265 = arith.constant 0 : index
    tpu.barrier barrier_id(%barrier3A_265)
    %mul3A_266 = arith.constant 10240 : i32
    %mul3A_267 = arith.muli %arg1, %mul3A_266 : i32
    "tpu.region"() ({
      %run_scoped3A = tpu.sem_alloc : memref<!tpu.dma_semaphore, #tpu.memory_space<semaphore_mem>>
      %dma_start3A_722 = tpu.memref_slice %arg14[%mul3A_267] : memref<163840xf32, #tpu.memory_space<vmem_shared>> -> memref<10240xf32, #tpu.memory_space<vmem_shared>>
      %dma_start3A_723 = tpu.memref_slice %arg14[%mul3A_267] : memref<163840xf32, #tpu.memory_space<vmem_shared>> -> memref<10240xf32, #tpu.memory_space<vmem_shared>>
      tpu.enqueue_dma source(%arg9 : memref<10240xf32, #tpu.memory_space<vmem>>) target(%dma_start3A_723 : memref<10240xf32, #tpu.memory_space<vmem_shared>>) target_semaphore(%run_scoped3A : memref<!tpu.dma_semaphore, #tpu.memory_space<semaphore_mem>>)
      %dma_wait3A_724 = tpu.memref_slice %arg14[%mul3A_267] : memref<163840xf32, #tpu.memory_space<vmem_shared>> -> memref<10240xf32, #tpu.memory_space<vmem_shared>>
      %dma_wait3A_725 = tpu.memref_slice %arg14[%mul3A_267] : memref<163840xf32, #tpu.memory_space<vmem_shared>> -> memref<10240xf32, #tpu.memory_space<vmem_shared>>
      tpu.wait_dma2 semaphore(%run_scoped3A : memref<!tpu.dma_semaphore, #tpu.memory_space<semaphore_mem>>) src(%arg9 : memref<10240xf32, #tpu.memory_space<vmem>>) dst(%dma_wait3A_725 : memref<10240xf32, #tpu.memory_space<vmem_shared>>)
      tpu.yield
    }) : () -> ()
    %barrier3A_268 = arith.constant 0 : index
    tpu.barrier barrier_id(%barrier3A_268)
    %mul3A_269 = arith.constant 640 : i32
    %mul3A_270 = arith.muli %arg1, %mul3A_269 : i32
    %add3A_271 = arith.constant 10240 : i32
    %add3A_272 = arith.addi %add3A_271, %mul3A_270 : i32
    %dma_start3A_273 = arith.constant 640 : i32
    %dma_start3A_274 = tpu.memref_slice %arg12[%dma_start3A_273] : memref<10240xf32, #tpu.memory_space<vmem>> -> memref<640xf32, #tpu.memory_space<vmem>>
    %dma_start3A_275 = tpu.memref_slice %arg14[%add3A_272] : memref<163840xf32, #tpu.memory_space<vmem_shared>> -> memref<640xf32, #tpu.memory_space<vmem_shared>>
    %dma_start3A_276 = arith.constant 640 : i32
    %dma_start3A_277 = tpu.memref_slice %arg12[%dma_start3A_276] : memref<10240xf32, #tpu.memory_space<vmem>> -> memref<640xf32, #tpu.memory_space<vmem>>
    %dma_start3A_278 = tpu.memref_slice %arg14[%add3A_272] : memref<163840xf32, #tpu.memory_space<vmem_shared>> -> memref<640xf32, #tpu.memory_space<vmem_shared>>
    tpu.enqueue_dma source(%dma_start3A_278 : memref<640xf32, #tpu.memory_space<vmem_shared>>) target(%dma_start3A_277 : memref<640xf32, #tpu.memory_space<vmem>>) target_semaphore(%arg16 : memref<!tpu.dma_semaphore, #tpu.memory_space<semaphore_mem>>)
    %add3A_279 = arith.constant 20480 : i32
    %add3A_280 = arith.addi %add3A_279, %mul3A_270 : i32
    %dma_start3A_281 = arith.constant 1280 : i32
    %dma_start3A_282 = tpu.memref_slice %arg12[%dma_start3A_281] : memref<10240xf32, #tpu.memory_space<vmem>> -> memref<640xf32, #tpu.memory_space<vmem>>
    %dma_start3A_283 = tpu.memref_slice %arg14[%add3A_280] : memref<163840xf32, #tpu.memory_space<vmem_shared>> -> memref<640xf32, #tpu.memory_space<vmem_shared>>
    %dma_start3A_284 = arith.constant 1280 : i32
    %dma_start3A_285 = tpu.memref_slice %arg12[%dma_start3A_284] : memref<10240xf32, #tpu.memory_space<vmem>> -> memref<640xf32, #tpu.memory_space<vmem>>
    %dma_start3A_286 = tpu.memref_slice %arg14[%add3A_280] : memref<163840xf32, #tpu.memory_space<vmem_shared>> -> memref<640xf32, #tpu.memory_space<vmem_shared>>
    tpu.enqueue_dma source(%dma_start3A_286 : memref<640xf32, #tpu.memory_space<vmem_shared>>) target(%dma_start3A_285 : memref<640xf32, #tpu.memory_space<vmem>>) target_semaphore(%arg16 : memref<!tpu.dma_semaphore, #tpu.memory_space<semaphore_mem>>)
    %add3A_287 = arith.constant 30720 : i32
    %add3A_288 = arith.addi %add3A_287, %mul3A_270 : i32
    %dma_start3A_289 = arith.constant 1920 : i32
    %dma_start3A_290 = tpu.memref_slice %arg12[%dma_start3A_289] : memref<10240xf32, #tpu.memory_space<vmem>> -> memref<640xf32, #tpu.memory_space<vmem>>
    %dma_start3A_291 = tpu.memref_slice %arg14[%add3A_288] : memref<163840xf32, #tpu.memory_space<vmem_shared>> -> memref<640xf32, #tpu.memory_space<vmem_shared>>
    %dma_start3A_292 = arith.constant 1920 : i32
    %dma_start3A_293 = tpu.memref_slice %arg12[%dma_start3A_292] : memref<10240xf32, #tpu.memory_space<vmem>> -> memref<640xf32, #tpu.memory_space<vmem>>
    %dma_start3A_294 = tpu.memref_slice %arg14[%add3A_288] : memref<163840xf32, #tpu.memory_space<vmem_shared>> -> memref<640xf32, #tpu.memory_space<vmem_shared>>
    tpu.enqueue_dma source(%dma_start3A_294 : memref<640xf32, #tpu.memory_space<vmem_shared>>) target(%dma_start3A_293 : memref<640xf32, #tpu.memory_space<vmem>>) target_semaphore(%arg16 : memref<!tpu.dma_semaphore, #tpu.memory_space<semaphore_mem>>)
    %add3A_295 = arith.constant 40960 : i32
    %add3A_296 = arith.addi %add3A_295, %mul3A_270 : i32
    %dma_start3A_297 = arith.constant 2560 : i32
    %dma_start3A_298 = tpu.memref_slice %arg12[%dma_start3A_297] : memref<10240xf32, #tpu.memory_space<vmem>> -> memref<640xf32, #tpu.memory_space<vmem>>
    %dma_start3A_299 = tpu.memref_slice %arg14[%add3A_296] : memref<163840xf32, #tpu.memory_space<vmem_shared>> -> memref<640xf32, #tpu.memory_space<vmem_shared>>
    %dma_start3A_300 = arith.constant 2560 : i32
    %dma_start3A_301 = tpu.memref_slice %arg12[%dma_start3A_300] : memref<10240xf32, #tpu.memory_space<vmem>> -> memref<640xf32, #tpu.memory_space<vmem>>
    %dma_start3A_302 = tpu.memref_slice %arg14[%add3A_296] : memref<163840xf32, #tpu.memory_space<vmem_shared>> -> memref<640xf32, #tpu.memory_space<vmem_shared>>
    tpu.enqueue_dma source(%dma_start3A_302 : memref<640xf32, #tpu.memory_space<vmem_shared>>) target(%dma_start3A_301 : memref<640xf32, #tpu.memory_space<vmem>>) target_semaphore(%arg16 : memref<!tpu.dma_semaphore, #tpu.memory_space<semaphore_mem>>)
    %add3A_303 = arith.constant 51200 : i32
    %add3A_304 = arith.addi %add3A_303, %mul3A_270 : i32
    %dma_start3A_305 = arith.constant 3200 : i32
    %dma_start3A_306 = tpu.memref_slice %arg12[%dma_start3A_305] : memref<10240xf32, #tpu.memory_space<vmem>> -> memref<640xf32, #tpu.memory_space<vmem>>
    %dma_start3A_307 = tpu.memref_slice %arg14[%add3A_304] : memref<163840xf32, #tpu.memory_space<vmem_shared>> -> memref<640xf32, #tpu.memory_space<vmem_shared>>
    %dma_start3A_308 = arith.constant 3200 : i32
    %dma_start3A_309 = tpu.memref_slice %arg12[%dma_start3A_308] : memref<10240xf32, #tpu.memory_space<vmem>> -> memref<640xf32, #tpu.memory_space<vmem>>
    %dma_start3A_310 = tpu.memref_slice %arg14[%add3A_304] : memref<163840xf32, #tpu.memory_space<vmem_shared>> -> memref<640xf32, #tpu.memory_space<vmem_shared>>
    tpu.enqueue_dma source(%dma_start3A_310 : memref<640xf32, #tpu.memory_space<vmem_shared>>) target(%dma_start3A_309 : memref<640xf32, #tpu.memory_space<vmem>>) target_semaphore(%arg16 : memref<!tpu.dma_semaphore, #tpu.memory_space<semaphore_mem>>)
    %add3A_311 = arith.constant 61440 : i32
    %add3A_312 = arith.addi %add3A_311, %mul3A_270 : i32
    %dma_start3A_313 = arith.constant 3840 : i32
    %dma_start3A_314 = tpu.memref_slice %arg12[%dma_start3A_313] : memref<10240xf32, #tpu.memory_space<vmem>> -> memref<640xf32, #tpu.memory_space<vmem>>
    %dma_start3A_315 = tpu.memref_slice %arg14[%add3A_312] : memref<163840xf32, #tpu.memory_space<vmem_shared>> -> memref<640xf32, #tpu.memory_space<vmem_shared>>
    %dma_start3A_316 = arith.constant 3840 : i32
    %dma_start3A_317 = tpu.memref_slice %arg12[%dma_start3A_316] : memref<10240xf32, #tpu.memory_space<vmem>> -> memref<640xf32, #tpu.memory_space<vmem>>
    %dma_start3A_318 = tpu.memref_slice %arg14[%add3A_312] : memref<163840xf32, #tpu.memory_space<vmem_shared>> -> memref<640xf32, #tpu.memory_space<vmem_shared>>
    tpu.enqueue_dma source(%dma_start3A_318 : memref<640xf32, #tpu.memory_space<vmem_shared>>) target(%dma_start3A_317 : memref<640xf32, #tpu.memory_space<vmem>>) target_semaphore(%arg16 : memref<!tpu.dma_semaphore, #tpu.memory_space<semaphore_mem>>)
    %add3A_319 = arith.constant 71680 : i32
    %add3A_320 = arith.addi %add3A_319, %mul3A_270 : i32
    %dma_start3A_321 = arith.constant 4480 : i32
    %dma_start3A_322 = tpu.memref_slice %arg12[%dma_start3A_321] : memref<10240xf32, #tpu.memory_space<vmem>> -> memref<640xf32, #tpu.memory_space<vmem>>
    %dma_start3A_323 = tpu.memref_slice %arg14[%add3A_320] : memref<163840xf32, #tpu.memory_space<vmem_shared>> -> memref<640xf32, #tpu.memory_space<vmem_shared>>
    %dma_start3A_324 = arith.constant 4480 : i32
    %dma_start3A_325 = tpu.memref_slice %arg12[%dma_start3A_324] : memref<10240xf32, #tpu.memory_space<vmem>> -> memref<640xf32, #tpu.memory_space<vmem>>
    %dma_start3A_326 = tpu.memref_slice %arg14[%add3A_320] : memref<163840xf32, #tpu.memory_space<vmem_shared>> -> memref<640xf32, #tpu.memory_space<vmem_shared>>
    tpu.enqueue_dma source(%dma_start3A_326 : memref<640xf32, #tpu.memory_space<vmem_shared>>) target(%dma_start3A_325 : memref<640xf32, #tpu.memory_space<vmem>>) target_semaphore(%arg16 : memref<!tpu.dma_semaphore, #tpu.memory_space<semaphore_mem>>)
    %add3A_327 = arith.constant 81920 : i32
    %add3A_328 = arith.addi %add3A_327, %mul3A_270 : i32
    %dma_start3A_329 = arith.constant 5120 : i32
    %dma_start3A_330 = tpu.memref_slice %arg12[%dma_start3A_329] : memref<10240xf32, #tpu.memory_space<vmem>> -> memref<640xf32, #tpu.memory_space<vmem>>
    %dma_start3A_331 = tpu.memref_slice %arg14[%add3A_328] : memref<163840xf32, #tpu.memory_space<vmem_shared>> -> memref<640xf32, #tpu.memory_space<vmem_shared>>
    %dma_start3A_332 = arith.constant 5120 : i32
    %dma_start3A_333 = tpu.memref_slice %arg12[%dma_start3A_332] : memref<10240xf32, #tpu.memory_space<vmem>> -> memref<640xf32, #tpu.memory_space<vmem>>
    %dma_start3A_334 = tpu.memref_slice %arg14[%add3A_328] : memref<163840xf32, #tpu.memory_space<vmem_shared>> -> memref<640xf32, #tpu.memory_space<vmem_shared>>
    tpu.enqueue_dma source(%dma_start3A_334 : memref<640xf32, #tpu.memory_space<vmem_shared>>) target(%dma_start3A_333 : memref<640xf32, #tpu.memory_space<vmem>>) target_semaphore(%arg16 : memref<!tpu.dma_semaphore, #tpu.memory_space<semaphore_mem>>)
    %add3A_335 = arith.constant 92160 : i32
    %add3A_336 = arith.addi %add3A_335, %mul3A_270 : i32
    %dma_start3A_337 = arith.constant 5760 : i32
    %dma_start3A_338 = tpu.memref_slice %arg12[%dma_start3A_337] : memref<10240xf32, #tpu.memory_space<vmem>> -> memref<640xf32, #tpu.memory_space<vmem>>
    %dma_start3A_339 = tpu.memref_slice %arg14[%add3A_336] : memref<163840xf32, #tpu.memory_space<vmem_shared>> -> memref<640xf32, #tpu.memory_space<vmem_shared>>
    %dma_start3A_340 = arith.constant 5760 : i32
    %dma_start3A_341 = tpu.memref_slice %arg12[%dma_start3A_340] : memref<10240xf32, #tpu.memory_space<vmem>> -> memref<640xf32, #tpu.memory_space<vmem>>
    %dma_start3A_342 = tpu.memref_slice %arg14[%add3A_336] : memref<163840xf32, #tpu.memory_space<vmem_shared>> -> memref<640xf32, #tpu.memory_space<vmem_shared>>
    tpu.enqueue_dma source(%dma_start3A_342 : memref<640xf32, #tpu.memory_space<vmem_shared>>) target(%dma_start3A_341 : memref<640xf32, #tpu.memory_space<vmem>>) target_semaphore(%arg16 : memref<!tpu.dma_semaphore, #tpu.memory_space<semaphore_mem>>)
    %add3A_343 = arith.constant 102400 : i32
    %add3A_344 = arith.addi %add3A_343, %mul3A_270 : i32
    %dma_start3A_345 = arith.constant 6400 : i32
    %dma_start3A_346 = tpu.memref_slice %arg12[%dma_start3A_345] : memref<10240xf32, #tpu.memory_space<vmem>> -> memref<640xf32, #tpu.memory_space<vmem>>
    %dma_start3A_347 = tpu.memref_slice %arg14[%add3A_344] : memref<163840xf32, #tpu.memory_space<vmem_shared>> -> memref<640xf32, #tpu.memory_space<vmem_shared>>
    %dma_start3A_348 = arith.constant 6400 : i32
    %dma_start3A_349 = tpu.memref_slice %arg12[%dma_start3A_348] : memref<10240xf32, #tpu.memory_space<vmem>> -> memref<640xf32, #tpu.memory_space<vmem>>
    %dma_start3A_350 = tpu.memref_slice %arg14[%add3A_344] : memref<163840xf32, #tpu.memory_space<vmem_shared>> -> memref<640xf32, #tpu.memory_space<vmem_shared>>
    tpu.enqueue_dma source(%dma_start3A_350 : memref<640xf32, #tpu.memory_space<vmem_shared>>) target(%dma_start3A_349 : memref<640xf32, #tpu.memory_space<vmem>>) target_semaphore(%arg16 : memref<!tpu.dma_semaphore, #tpu.memory_space<semaphore_mem>>)
    %add3A_351 = arith.constant 112640 : i32
    %add3A_352 = arith.addi %add3A_351, %mul3A_270 : i32
    %dma_start3A_353 = arith.constant 7040 : i32
    %dma_start3A_354 = tpu.memref_slice %arg12[%dma_start3A_353] : memref<10240xf32, #tpu.memory_space<vmem>> -> memref<640xf32, #tpu.memory_space<vmem>>
    %dma_start3A_355 = tpu.memref_slice %arg14[%add3A_352] : memref<163840xf32, #tpu.memory_space<vmem_shared>> -> memref<640xf32, #tpu.memory_space<vmem_shared>>
    %dma_start3A_356 = arith.constant 7040 : i32
    %dma_start3A_357 = tpu.memref_slice %arg12[%dma_start3A_356] : memref<10240xf32, #tpu.memory_space<vmem>> -> memref<640xf32, #tpu.memory_space<vmem>>
    %dma_start3A_358 = tpu.memref_slice %arg14[%add3A_352] : memref<163840xf32, #tpu.memory_space<vmem_shared>> -> memref<640xf32, #tpu.memory_space<vmem_shared>>
    tpu.enqueue_dma source(%dma_start3A_358 : memref<640xf32, #tpu.memory_space<vmem_shared>>) target(%dma_start3A_357 : memref<640xf32, #tpu.memory_space<vmem>>) target_semaphore(%arg16 : memref<!tpu.dma_semaphore, #tpu.memory_space<semaphore_mem>>)
    %add3A_359 = arith.constant 122880 : i32
    %add3A_360 = arith.addi %add3A_359, %mul3A_270 : i32
    %dma_start3A_361 = arith.constant 7680 : i32
    %dma_start3A_362 = tpu.memref_slice %arg12[%dma_start3A_361] : memref<10240xf32, #tpu.memory_space<vmem>> -> memref<640xf32, #tpu.memory_space<vmem>>
    %dma_start3A_363 = tpu.memref_slice %arg14[%add3A_360] : memref<163840xf32, #tpu.memory_space<vmem_shared>> -> memref<640xf32, #tpu.memory_space<vmem_shared>>
    %dma_start3A_364 = arith.constant 7680 : i32
    %dma_start3A_365 = tpu.memref_slice %arg12[%dma_start3A_364] : memref<10240xf32, #tpu.memory_space<vmem>> -> memref<640xf32, #tpu.memory_space<vmem>>
    %dma_start3A_366 = tpu.memref_slice %arg14[%add3A_360] : memref<163840xf32, #tpu.memory_space<vmem_shared>> -> memref<640xf32, #tpu.memory_space<vmem_shared>>
    tpu.enqueue_dma source(%dma_start3A_366 : memref<640xf32, #tpu.memory_space<vmem_shared>>) target(%dma_start3A_365 : memref<640xf32, #tpu.memory_space<vmem>>) target_semaphore(%arg16 : memref<!tpu.dma_semaphore, #tpu.memory_space<semaphore_mem>>)
    %add3A_367 = arith.constant 133120 : i32
    %add3A_368 = arith.addi %add3A_367, %mul3A_270 : i32
    %dma_start3A_369 = arith.constant 8320 : i32
    %dma_start3A_370 = tpu.memref_slice %arg12[%dma_start3A_369] : memref<10240xf32, #tpu.memory_space<vmem>> -> memref<640xf32, #tpu.memory_space<vmem>>
    %dma_start3A_371 = tpu.memref_slice %arg14[%add3A_368] : memref<163840xf32, #tpu.memory_space<vmem_shared>> -> memref<640xf32, #tpu.memory_space<vmem_shared>>
    %dma_start3A_372 = arith.constant 8320 : i32
    %dma_start3A_373 = tpu.memref_slice %arg12[%dma_start3A_372] : memref<10240xf32, #tpu.memory_space<vmem>> -> memref<640xf32, #tpu.memory_space<vmem>>
    %dma_start3A_374 = tpu.memref_slice %arg14[%add3A_368] : memref<163840xf32, #tpu.memory_space<vmem_shared>> -> memref<640xf32, #tpu.memory_space<vmem_shared>>
    tpu.enqueue_dma source(%dma_start3A_374 : memref<640xf32, #tpu.memory_space<vmem_shared>>) target(%dma_start3A_373 : memref<640xf32, #tpu.memory_space<vmem>>) target_semaphore(%arg16 : memref<!tpu.dma_semaphore, #tpu.memory_space<semaphore_mem>>)
    %add3A_375 = arith.constant 143360 : i32
    %add3A_376 = arith.addi %add3A_375, %mul3A_270 : i32
    %dma_start3A_377 = arith.constant 8960 : i32
    %dma_start3A_378 = tpu.memref_slice %arg12[%dma_start3A_377] : memref<10240xf32, #tpu.memory_space<vmem>> -> memref<640xf32, #tpu.memory_space<vmem>>
    %dma_start3A_379 = tpu.memref_slice %arg14[%add3A_376] : memref<163840xf32, #tpu.memory_space<vmem_shared>> -> memref<640xf32, #tpu.memory_space<vmem_shared>>
    %dma_start3A_380 = arith.constant 8960 : i32
    %dma_start3A_381 = tpu.memref_slice %arg12[%dma_start3A_380] : memref<10240xf32, #tpu.memory_space<vmem>> -> memref<640xf32, #tpu.memory_space<vmem>>
    %dma_start3A_382 = tpu.memref_slice %arg14[%add3A_376] : memref<163840xf32, #tpu.memory_space<vmem_shared>> -> memref<640xf32, #tpu.memory_space<vmem_shared>>
    tpu.enqueue_dma source(%dma_start3A_382 : memref<640xf32, #tpu.memory_space<vmem_shared>>) target(%dma_start3A_381 : memref<640xf32, #tpu.memory_space<vmem>>) target_semaphore(%arg16 : memref<!tpu.dma_semaphore, #tpu.memory_space<semaphore_mem>>)
    %add3A_383 = arith.constant 153600 : i32
    %add3A_384 = arith.addi %add3A_383, %mul3A_270 : i32
    %dma_start3A_385 = arith.constant 9600 : i32
    %dma_start3A_386 = tpu.memref_slice %arg12[%dma_start3A_385] : memref<10240xf32, #tpu.memory_space<vmem>> -> memref<640xf32, #tpu.memory_space<vmem>>
    %dma_start3A_387 = tpu.memref_slice %arg14[%add3A_384] : memref<163840xf32, #tpu.memory_space<vmem_shared>> -> memref<640xf32, #tpu.memory_space<vmem_shared>>
    %dma_start3A_388 = arith.constant 9600 : i32
    %dma_start3A_389 = tpu.memref_slice %arg12[%dma_start3A_388] : memref<10240xf32, #tpu.memory_space<vmem>> -> memref<640xf32, #tpu.memory_space<vmem>>
    %dma_start3A_390 = tpu.memref_slice %arg14[%add3A_384] : memref<163840xf32, #tpu.memory_space<vmem_shared>> -> memref<640xf32, #tpu.memory_space<vmem_shared>>
    tpu.enqueue_dma source(%dma_start3A_390 : memref<640xf32, #tpu.memory_space<vmem_shared>>) target(%dma_start3A_389 : memref<640xf32, #tpu.memory_space<vmem>>) target_semaphore(%arg16 : memref<!tpu.dma_semaphore, #tpu.memory_space<semaphore_mem>>)
    "tpu.region"() ({
      %run_scoped3A = tpu.sem_alloc : memref<!tpu.dma_semaphore, #tpu.memory_space<semaphore_mem>>
      %dma_start3A_722 = tpu.memref_slice %arg14[%mul3A_270] : memref<163840xf32, #tpu.memory_space<vmem_shared>> -> memref<640xf32, #tpu.memory_space<vmem_shared>>
      %dma_start3A_723 = tpu.memref_slice %arg14[%mul3A_270] : memref<163840xf32, #tpu.memory_space<vmem_shared>> -> memref<640xf32, #tpu.memory_space<vmem_shared>>
      tpu.enqueue_dma source(%dma_start3A_723 : memref<640xf32, #tpu.memory_space<vmem_shared>>) target(%arg13 : memref<640xf32, #tpu.memory_space<vmem>>) target_semaphore(%run_scoped3A : memref<!tpu.dma_semaphore, #tpu.memory_space<semaphore_mem>>)
      %dma_wait3A_724 = tpu.memref_slice %arg14[%mul3A_270] : memref<163840xf32, #tpu.memory_space<vmem_shared>> -> memref<640xf32, #tpu.memory_space<vmem_shared>>
      %dma_wait3A_725 = tpu.memref_slice %arg14[%mul3A_270] : memref<163840xf32, #tpu.memory_space<vmem_shared>> -> memref<640xf32, #tpu.memory_space<vmem_shared>>
      tpu.wait_dma2 semaphore(%run_scoped3A : memref<!tpu.dma_semaphore, #tpu.memory_space<semaphore_mem>>) src(%dma_wait3A_725 : memref<640xf32, #tpu.memory_space<vmem_shared>>) dst(%arg13 : memref<640xf32, #tpu.memory_space<vmem>>)
      tpu.yield
    }) : () -> ()
    %dma_wait3A_391 = arith.constant 640 : i32
    %dma_wait3A_392 = tpu.memref_slice %arg12[%dma_wait3A_391] : memref<10240xf32, #tpu.memory_space<vmem>> -> memref<640xf32, #tpu.memory_space<vmem>>
    %dma_wait3A_393 = tpu.memref_slice %arg14[%add3A_272] : memref<163840xf32, #tpu.memory_space<vmem_shared>> -> memref<640xf32, #tpu.memory_space<vmem_shared>>
    %dma_wait3A_394 = arith.constant 640 : i32
    %dma_wait3A_395 = tpu.memref_slice %arg12[%dma_wait3A_394] : memref<10240xf32, #tpu.memory_space<vmem>> -> memref<640xf32, #tpu.memory_space<vmem>>
    %dma_wait3A_396 = tpu.memref_slice %arg14[%add3A_272] : memref<163840xf32, #tpu.memory_space<vmem_shared>> -> memref<640xf32, #tpu.memory_space<vmem_shared>>
    tpu.wait_dma2 semaphore(%arg16 : memref<!tpu.dma_semaphore, #tpu.memory_space<semaphore_mem>>) src(%dma_wait3A_396 : memref<640xf32, #tpu.memory_space<vmem_shared>>) dst(%dma_wait3A_395 : memref<640xf32, #tpu.memory_space<vmem>>)
    %dma_wait3A_397 = arith.constant 1280 : i32
    %dma_wait3A_398 = tpu.memref_slice %arg12[%dma_wait3A_397] : memref<10240xf32, #tpu.memory_space<vmem>> -> memref<640xf32, #tpu.memory_space<vmem>>
    %dma_wait3A_399 = tpu.memref_slice %arg14[%add3A_280] : memref<163840xf32, #tpu.memory_space<vmem_shared>> -> memref<640xf32, #tpu.memory_space<vmem_shared>>
    %dma_wait3A_400 = arith.constant 1280 : i32
    %dma_wait3A_401 = tpu.memref_slice %arg12[%dma_wait3A_400] : memref<10240xf32, #tpu.memory_space<vmem>> -> memref<640xf32, #tpu.memory_space<vmem>>
    %dma_wait3A_402 = tpu.memref_slice %arg14[%add3A_280] : memref<163840xf32, #tpu.memory_space<vmem_shared>> -> memref<640xf32, #tpu.memory_space<vmem_shared>>
    tpu.wait_dma2 semaphore(%arg16 : memref<!tpu.dma_semaphore, #tpu.memory_space<semaphore_mem>>) src(%dma_wait3A_402 : memref<640xf32, #tpu.memory_space<vmem_shared>>) dst(%dma_wait3A_401 : memref<640xf32, #tpu.memory_space<vmem>>)
    %dma_wait3A_403 = arith.constant 1920 : i32
    %dma_wait3A_404 = tpu.memref_slice %arg12[%dma_wait3A_403] : memref<10240xf32, #tpu.memory_space<vmem>> -> memref<640xf32, #tpu.memory_space<vmem>>
    %dma_wait3A_405 = tpu.memref_slice %arg14[%add3A_288] : memref<163840xf32, #tpu.memory_space<vmem_shared>> -> memref<640xf32, #tpu.memory_space<vmem_shared>>
    %dma_wait3A_406 = arith.constant 1920 : i32
    %dma_wait3A_407 = tpu.memref_slice %arg12[%dma_wait3A_406] : memref<10240xf32, #tpu.memory_space<vmem>> -> memref<640xf32, #tpu.memory_space<vmem>>
    %dma_wait3A_408 = tpu.memref_slice %arg14[%add3A_288] : memref<163840xf32, #tpu.memory_space<vmem_shared>> -> memref<640xf32, #tpu.memory_space<vmem_shared>>
    tpu.wait_dma2 semaphore(%arg16 : memref<!tpu.dma_semaphore, #tpu.memory_space<semaphore_mem>>) src(%dma_wait3A_408 : memref<640xf32, #tpu.memory_space<vmem_shared>>) dst(%dma_wait3A_407 : memref<640xf32, #tpu.memory_space<vmem>>)
    %dma_wait3A_409 = arith.constant 2560 : i32
    %dma_wait3A_410 = tpu.memref_slice %arg12[%dma_wait3A_409] : memref<10240xf32, #tpu.memory_space<vmem>> -> memref<640xf32, #tpu.memory_space<vmem>>
    %dma_wait3A_411 = tpu.memref_slice %arg14[%add3A_296] : memref<163840xf32, #tpu.memory_space<vmem_shared>> -> memref<640xf32, #tpu.memory_space<vmem_shared>>
    %dma_wait3A_412 = arith.constant 2560 : i32
    %dma_wait3A_413 = tpu.memref_slice %arg12[%dma_wait3A_412] : memref<10240xf32, #tpu.memory_space<vmem>> -> memref<640xf32, #tpu.memory_space<vmem>>
    %dma_wait3A_414 = tpu.memref_slice %arg14[%add3A_296] : memref<163840xf32, #tpu.memory_space<vmem_shared>> -> memref<640xf32, #tpu.memory_space<vmem_shared>>
    tpu.wait_dma2 semaphore(%arg16 : memref<!tpu.dma_semaphore, #tpu.memory_space<semaphore_mem>>) src(%dma_wait3A_414 : memref<640xf32, #tpu.memory_space<vmem_shared>>) dst(%dma_wait3A_413 : memref<640xf32, #tpu.memory_space<vmem>>)
    %dma_wait3A_415 = arith.constant 3200 : i32
    %dma_wait3A_416 = tpu.memref_slice %arg12[%dma_wait3A_415] : memref<10240xf32, #tpu.memory_space<vmem>> -> memref<640xf32, #tpu.memory_space<vmem>>
    %dma_wait3A_417 = tpu.memref_slice %arg14[%add3A_304] : memref<163840xf32, #tpu.memory_space<vmem_shared>> -> memref<640xf32, #tpu.memory_space<vmem_shared>>
    %dma_wait3A_418 = arith.constant 3200 : i32
    %dma_wait3A_419 = tpu.memref_slice %arg12[%dma_wait3A_418] : memref<10240xf32, #tpu.memory_space<vmem>> -> memref<640xf32, #tpu.memory_space<vmem>>
    %dma_wait3A_420 = tpu.memref_slice %arg14[%add3A_304] : memref<163840xf32, #tpu.memory_space<vmem_shared>> -> memref<640xf32, #tpu.memory_space<vmem_shared>>
    tpu.wait_dma2 semaphore(%arg16 : memref<!tpu.dma_semaphore, #tpu.memory_space<semaphore_mem>>) src(%dma_wait3A_420 : memref<640xf32, #tpu.memory_space<vmem_shared>>) dst(%dma_wait3A_419 : memref<640xf32, #tpu.memory_space<vmem>>)
    %dma_wait3A_421 = arith.constant 3840 : i32
    %dma_wait3A_422 = tpu.memref_slice %arg12[%dma_wait3A_421] : memref<10240xf32, #tpu.memory_space<vmem>> -> memref<640xf32, #tpu.memory_space<vmem>>
    %dma_wait3A_423 = tpu.memref_slice %arg14[%add3A_312] : memref<163840xf32, #tpu.memory_space<vmem_shared>> -> memref<640xf32, #tpu.memory_space<vmem_shared>>
    %dma_wait3A_424 = arith.constant 3840 : i32
    %dma_wait3A_425 = tpu.memref_slice %arg12[%dma_wait3A_424] : memref<10240xf32, #tpu.memory_space<vmem>> -> memref<640xf32, #tpu.memory_space<vmem>>
    %dma_wait3A_426 = tpu.memref_slice %arg14[%add3A_312] : memref<163840xf32, #tpu.memory_space<vmem_shared>> -> memref<640xf32, #tpu.memory_space<vmem_shared>>
    tpu.wait_dma2 semaphore(%arg16 : memref<!tpu.dma_semaphore, #tpu.memory_space<semaphore_mem>>) src(%dma_wait3A_426 : memref<640xf32, #tpu.memory_space<vmem_shared>>) dst(%dma_wait3A_425 : memref<640xf32, #tpu.memory_space<vmem>>)
    %dma_wait3A_427 = arith.constant 4480 : i32
    %dma_wait3A_428 = tpu.memref_slice %arg12[%dma_wait3A_427] : memref<10240xf32, #tpu.memory_space<vmem>> -> memref<640xf32, #tpu.memory_space<vmem>>
    %dma_wait3A_429 = tpu.memref_slice %arg14[%add3A_320] : memref<163840xf32, #tpu.memory_space<vmem_shared>> -> memref<640xf32, #tpu.memory_space<vmem_shared>>
    %dma_wait3A_430 = arith.constant 4480 : i32
    %dma_wait3A_431 = tpu.memref_slice %arg12[%dma_wait3A_430] : memref<10240xf32, #tpu.memory_space<vmem>> -> memref<640xf32, #tpu.memory_space<vmem>>
    %dma_wait3A_432 = tpu.memref_slice %arg14[%add3A_320] : memref<163840xf32, #tpu.memory_space<vmem_shared>> -> memref<640xf32, #tpu.memory_space<vmem_shared>>
    tpu.wait_dma2 semaphore(%arg16 : memref<!tpu.dma_semaphore, #tpu.memory_space<semaphore_mem>>) src(%dma_wait3A_432 : memref<640xf32, #tpu.memory_space<vmem_shared>>) dst(%dma_wait3A_431 : memref<640xf32, #tpu.memory_space<vmem>>)
    %dma_wait3A_433 = arith.constant 5120 : i32
    %dma_wait3A_434 = tpu.memref_slice %arg12[%dma_wait3A_433] : memref<10240xf32, #tpu.memory_space<vmem>> -> memref<640xf32, #tpu.memory_space<vmem>>
    %dma_wait3A_435 = tpu.memref_slice %arg14[%add3A_328] : memref<163840xf32, #tpu.memory_space<vmem_shared>> -> memref<640xf32, #tpu.memory_space<vmem_shared>>
    %dma_wait3A_436 = arith.constant 5120 : i32
    %dma_wait3A_437 = tpu.memref_slice %arg12[%dma_wait3A_436] : memref<10240xf32, #tpu.memory_space<vmem>> -> memref<640xf32, #tpu.memory_space<vmem>>
    %dma_wait3A_438 = tpu.memref_slice %arg14[%add3A_328] : memref<163840xf32, #tpu.memory_space<vmem_shared>> -> memref<640xf32, #tpu.memory_space<vmem_shared>>
    tpu.wait_dma2 semaphore(%arg16 : memref<!tpu.dma_semaphore, #tpu.memory_space<semaphore_mem>>) src(%dma_wait3A_438 : memref<640xf32, #tpu.memory_space<vmem_shared>>) dst(%dma_wait3A_437 : memref<640xf32, #tpu.memory_space<vmem>>)
    %dma_wait3A_439 = arith.constant 5760 : i32
    %dma_wait3A_440 = tpu.memref_slice %arg12[%dma_wait3A_439] : memref<10240xf32, #tpu.memory_space<vmem>> -> memref<640xf32, #tpu.memory_space<vmem>>
    %dma_wait3A_441 = tpu.memref_slice %arg14[%add3A_336] : memref<163840xf32, #tpu.memory_space<vmem_shared>> -> memref<640xf32, #tpu.memory_space<vmem_shared>>
    %dma_wait3A_442 = arith.constant 5760 : i32
    %dma_wait3A_443 = tpu.memref_slice %arg12[%dma_wait3A_442] : memref<10240xf32, #tpu.memory_space<vmem>> -> memref<640xf32, #tpu.memory_space<vmem>>
    %dma_wait3A_444 = tpu.memref_slice %arg14[%add3A_336] : memref<163840xf32, #tpu.memory_space<vmem_shared>> -> memref<640xf32, #tpu.memory_space<vmem_shared>>
    tpu.wait_dma2 semaphore(%arg16 : memref<!tpu.dma_semaphore, #tpu.memory_space<semaphore_mem>>) src(%dma_wait3A_444 : memref<640xf32, #tpu.memory_space<vmem_shared>>) dst(%dma_wait3A_443 : memref<640xf32, #tpu.memory_space<vmem>>)
    %dma_wait3A_445 = arith.constant 6400 : i32
    %dma_wait3A_446 = tpu.memref_slice %arg12[%dma_wait3A_445] : memref<10240xf32, #tpu.memory_space<vmem>> -> memref<640xf32, #tpu.memory_space<vmem>>
    %dma_wait3A_447 = tpu.memref_slice %arg14[%add3A_344] : memref<163840xf32, #tpu.memory_space<vmem_shared>> -> memref<640xf32, #tpu.memory_space<vmem_shared>>
    %dma_wait3A_448 = arith.constant 6400 : i32
    %dma_wait3A_449 = tpu.memref_slice %arg12[%dma_wait3A_448] : memref<10240xf32, #tpu.memory_space<vmem>> -> memref<640xf32, #tpu.memory_space<vmem>>
    %dma_wait3A_450 = tpu.memref_slice %arg14[%add3A_344] : memref<163840xf32, #tpu.memory_space<vmem_shared>> -> memref<640xf32, #tpu.memory_space<vmem_shared>>
    tpu.wait_dma2 semaphore(%arg16 : memref<!tpu.dma_semaphore, #tpu.memory_space<semaphore_mem>>) src(%dma_wait3A_450 : memref<640xf32, #tpu.memory_space<vmem_shared>>) dst(%dma_wait3A_449 : memref<640xf32, #tpu.memory_space<vmem>>)
    %dma_wait3A_451 = arith.constant 7040 : i32
    %dma_wait3A_452 = tpu.memref_slice %arg12[%dma_wait3A_451] : memref<10240xf32, #tpu.memory_space<vmem>> -> memref<640xf32, #tpu.memory_space<vmem>>
    %dma_wait3A_453 = tpu.memref_slice %arg14[%add3A_352] : memref<163840xf32, #tpu.memory_space<vmem_shared>> -> memref<640xf32, #tpu.memory_space<vmem_shared>>
    %dma_wait3A_454 = arith.constant 7040 : i32
    %dma_wait3A_455 = tpu.memref_slice %arg12[%dma_wait3A_454] : memref<10240xf32, #tpu.memory_space<vmem>> -> memref<640xf32, #tpu.memory_space<vmem>>
    %dma_wait3A_456 = tpu.memref_slice %arg14[%add3A_352] : memref<163840xf32, #tpu.memory_space<vmem_shared>> -> memref<640xf32, #tpu.memory_space<vmem_shared>>
    tpu.wait_dma2 semaphore(%arg16 : memref<!tpu.dma_semaphore, #tpu.memory_space<semaphore_mem>>) src(%dma_wait3A_456 : memref<640xf32, #tpu.memory_space<vmem_shared>>) dst(%dma_wait3A_455 : memref<640xf32, #tpu.memory_space<vmem>>)
    %dma_wait3A_457 = arith.constant 7680 : i32
    %dma_wait3A_458 = tpu.memref_slice %arg12[%dma_wait3A_457] : memref<10240xf32, #tpu.memory_space<vmem>> -> memref<640xf32, #tpu.memory_space<vmem>>
    %dma_wait3A_459 = tpu.memref_slice %arg14[%add3A_360] : memref<163840xf32, #tpu.memory_space<vmem_shared>> -> memref<640xf32, #tpu.memory_space<vmem_shared>>
    %dma_wait3A_460 = arith.constant 7680 : i32
    %dma_wait3A_461 = tpu.memref_slice %arg12[%dma_wait3A_460] : memref<10240xf32, #tpu.memory_space<vmem>> -> memref<640xf32, #tpu.memory_space<vmem>>
    %dma_wait3A_462 = tpu.memref_slice %arg14[%add3A_360] : memref<163840xf32, #tpu.memory_space<vmem_shared>> -> memref<640xf32, #tpu.memory_space<vmem_shared>>
    tpu.wait_dma2 semaphore(%arg16 : memref<!tpu.dma_semaphore, #tpu.memory_space<semaphore_mem>>) src(%dma_wait3A_462 : memref<640xf32, #tpu.memory_space<vmem_shared>>) dst(%dma_wait3A_461 : memref<640xf32, #tpu.memory_space<vmem>>)
    %dma_wait3A_463 = arith.constant 8320 : i32
    %dma_wait3A_464 = tpu.memref_slice %arg12[%dma_wait3A_463] : memref<10240xf32, #tpu.memory_space<vmem>> -> memref<640xf32, #tpu.memory_space<vmem>>
    %dma_wait3A_465 = tpu.memref_slice %arg14[%add3A_368] : memref<163840xf32, #tpu.memory_space<vmem_shared>> -> memref<640xf32, #tpu.memory_space<vmem_shared>>
    %dma_wait3A_466 = arith.constant 8320 : i32
    %dma_wait3A_467 = tpu.memref_slice %arg12[%dma_wait3A_466] : memref<10240xf32, #tpu.memory_space<vmem>> -> memref<640xf32, #tpu.memory_space<vmem>>
    %dma_wait3A_468 = tpu.memref_slice %arg14[%add3A_368] : memref<163840xf32, #tpu.memory_space<vmem_shared>> -> memref<640xf32, #tpu.memory_space<vmem_shared>>
    tpu.wait_dma2 semaphore(%arg16 : memref<!tpu.dma_semaphore, #tpu.memory_space<semaphore_mem>>) src(%dma_wait3A_468 : memref<640xf32, #tpu.memory_space<vmem_shared>>) dst(%dma_wait3A_467 : memref<640xf32, #tpu.memory_space<vmem>>)
    %dma_wait3A_469 = arith.constant 8960 : i32
    %dma_wait3A_470 = tpu.memref_slice %arg12[%dma_wait3A_469] : memref<10240xf32, #tpu.memory_space<vmem>> -> memref<640xf32, #tpu.memory_space<vmem>>
    %dma_wait3A_471 = tpu.memref_slice %arg14[%add3A_376] : memref<163840xf32, #tpu.memory_space<vmem_shared>> -> memref<640xf32, #tpu.memory_space<vmem_shared>>
    %dma_wait3A_472 = arith.constant 8960 : i32
    %dma_wait3A_473 = tpu.memref_slice %arg12[%dma_wait3A_472] : memref<10240xf32, #tpu.memory_space<vmem>> -> memref<640xf32, #tpu.memory_space<vmem>>
    %dma_wait3A_474 = tpu.memref_slice %arg14[%add3A_376] : memref<163840xf32, #tpu.memory_space<vmem_shared>> -> memref<640xf32, #tpu.memory_space<vmem_shared>>
    tpu.wait_dma2 semaphore(%arg16 : memref<!tpu.dma_semaphore, #tpu.memory_space<semaphore_mem>>) src(%dma_wait3A_474 : memref<640xf32, #tpu.memory_space<vmem_shared>>) dst(%dma_wait3A_473 : memref<640xf32, #tpu.memory_space<vmem>>)
    %dma_wait3A_475 = arith.constant 9600 : i32
    %dma_wait3A_476 = tpu.memref_slice %arg12[%dma_wait3A_475] : memref<10240xf32, #tpu.memory_space<vmem>> -> memref<640xf32, #tpu.memory_space<vmem>>
    %dma_wait3A_477 = tpu.memref_slice %arg14[%add3A_384] : memref<163840xf32, #tpu.memory_space<vmem_shared>> -> memref<640xf32, #tpu.memory_space<vmem_shared>>
    %dma_wait3A_478 = arith.constant 9600 : i32
    %dma_wait3A_479 = tpu.memref_slice %arg12[%dma_wait3A_478] : memref<10240xf32, #tpu.memory_space<vmem>> -> memref<640xf32, #tpu.memory_space<vmem>>
    %dma_wait3A_480 = tpu.memref_slice %arg14[%add3A_384] : memref<163840xf32, #tpu.memory_space<vmem_shared>> -> memref<640xf32, #tpu.memory_space<vmem_shared>>
    tpu.wait_dma2 semaphore(%arg16 : memref<!tpu.dma_semaphore, #tpu.memory_space<semaphore_mem>>) src(%dma_wait3A_480 : memref<640xf32, #tpu.memory_space<vmem_shared>>) dst(%dma_wait3A_479 : memref<640xf32, #tpu.memory_space<vmem>>)
    %scan3A_481 = arith.constant 0 : i32
    %scan3A_482 = arith.constant 0 : i32
    %scan3A_483 = arith.constant 40 : i32
    %scan3A_484 = arith.addi %scan3A_482, %scan3A_483 : i32
    %scan3A_485 = arith.constant 1 : i32
    %scan3A_486 = scf.for %scan3A_722 = %scan3A_482 to %scan3A_484 step %scan3A_485 iter_args(%scan3A_723 = %scan3A_481) -> (i32)  : i32 {
      %mul3A_724 = arith.constant 16 : i32
      %mul3A_725 = arith.muli %scan3A_722, %mul3A_724 : i32
      %get3A = arith.index_cast %mul3A_725 : i32 to index
      %get3A_726 = tpu.vector_load %arg13[%get3A] {strides = array<i32>} : memref<640xf32, #tpu.memory_space<vmem>>, vector<16xf32>,
      %mul3A_727 = arith.constant 16 : i32
      %mul3A_728 = arith.muli %scan3A_722, %mul3A_727 : i32
      %add3A_729 = arith.constant 640 : i32
      %add3A_730 = arith.addi %add3A_729, %mul3A_728 : i32
      %get3A_731 = arith.index_cast %add3A_730 : i32 to index
      %get3A_732 = tpu.vector_load %arg12[%get3A_731] {strides = array<i32>} : memref<10240xf32, #tpu.memory_space<vmem>>, vector<16xf32>,
      %add3A_733 = arith.addf %get3A_726, %get3A_732 : vector<16xf32>
      %mul3A_734 = arith.constant 16 : i32
      %mul3A_735 = arith.muli %scan3A_722, %mul3A_734 : i32
      %add3A_736 = arith.constant 1280 : i32
      %add3A_737 = arith.addi %add3A_736, %mul3A_735 : i32
      %get3A_738 = arith.index_cast %add3A_737 : i32 to index
      %get3A_739 = tpu.vector_load %arg12[%get3A_738] {strides = array<i32>} : memref<10240xf32, #tpu.memory_space<vmem>>, vector<16xf32>,
      %add3A_740 = arith.addf %add3A_733, %get3A_739 : vector<16xf32>
      %mul3A_741 = arith.constant 16 : i32
      %mul3A_742 = arith.muli %scan3A_722, %mul3A_741 : i32
      %add3A_743 = arith.constant 1920 : i32
      %add3A_744 = arith.addi %add3A_743, %mul3A_742 : i32
      %get3A_745 = arith.index_cast %add3A_744 : i32 to index
      %get3A_746 = tpu.vector_load %arg12[%get3A_745] {strides = array<i32>} : memref<10240xf32, #tpu.memory_space<vmem>>, vector<16xf32>,
      %add3A_747 = arith.addf %add3A_740, %get3A_746 : vector<16xf32>
      %mul3A_748 = arith.constant 16 : i32
      %mul3A_749 = arith.muli %scan3A_722, %mul3A_748 : i32
      %add3A_750 = arith.constant 2560 : i32
      %add3A_751 = arith.addi %add3A_750, %mul3A_749 : i32
      %get3A_752 = arith.index_cast %add3A_751 : i32 to index
      %get3A_753 = tpu.vector_load %arg12[%get3A_752] {strides = array<i32>} : memref<10240xf32, #tpu.memory_space<vmem>>, vector<16xf32>,
      %add3A_754 = arith.addf %add3A_747, %get3A_753 : vector<16xf32>
      %mul3A_755 = arith.constant 16 : i32
      %mul3A_756 = arith.muli %scan3A_722, %mul3A_755 : i32
      %add3A_757 = arith.constant 3200 : i32
      %add3A_758 = arith.addi %add3A_757, %mul3A_756 : i32
      %get3A_759 = arith.index_cast %add3A_758 : i32 to index
      %get3A_760 = tpu.vector_load %arg12[%get3A_759] {strides = array<i32>} : memref<10240xf32, #tpu.memory_space<vmem>>, vector<16xf32>,
      %add3A_761 = arith.addf %add3A_754, %get3A_760 : vector<16xf32>
      %mul3A_762 = arith.constant 16 : i32
      %mul3A_763 = arith.muli %scan3A_722, %mul3A_762 : i32
      %add3A_764 = arith.constant 3840 : i32
      %add3A_765 = arith.addi %add3A_764, %mul3A_763 : i32
      %get3A_766 = arith.index_cast %add3A_765 : i32 to index
      %get3A_767 = tpu.vector_load %arg12[%get3A_766] {strides = array<i32>} : memref<10240xf32, #tpu.memory_space<vmem>>, vector<16xf32>,
      %add3A_768 = arith.addf %add3A_761, %get3A_767 : vector<16xf32>
      %mul3A_769 = arith.constant 16 : i32
      %mul3A_770 = arith.muli %scan3A_722, %mul3A_769 : i32
      %add3A_771 = arith.constant 4480 : i32
      %add3A_772 = arith.addi %add3A_771, %mul3A_770 : i32
      %get3A_773 = arith.index_cast %add3A_772 : i32 to index
      %get3A_774 = tpu.vector_load %arg12[%get3A_773] {strides = array<i32>} : memref<10240xf32, #tpu.memory_space<vmem>>, vector<16xf32>,
      %add3A_775 = arith.addf %add3A_768, %get3A_774 : vector<16xf32>
      %mul3A_776 = arith.constant 16 : i32
      %mul3A_777 = arith.muli %scan3A_722, %mul3A_776 : i32
      %add3A_778 = arith.constant 5120 : i32
      %add3A_779 = arith.addi %add3A_778, %mul3A_777 : i32
      %get3A_780 = arith.index_cast %add3A_779 : i32 to index
      %get3A_781 = tpu.vector_load %arg12[%get3A_780] {strides = array<i32>} : memref<10240xf32, #tpu.memory_space<vmem>>, vector<16xf32>,
      %add3A_782 = arith.addf %add3A_775, %get3A_781 : vector<16xf32>
      %mul3A_783 = arith.constant 16 : i32
      %mul3A_784 = arith.muli %scan3A_722, %mul3A_783 : i32
      %add3A_785 = arith.constant 5760 : i32
      %add3A_786 = arith.addi %add3A_785, %mul3A_784 : i32
      %get3A_787 = arith.index_cast %add3A_786 : i32 to index
      %get3A_788 = tpu.vector_load %arg12[%get3A_787] {strides = array<i32>} : memref<10240xf32, #tpu.memory_space<vmem>>, vector<16xf32>,
      %add3A_789 = arith.addf %add3A_782, %get3A_788 : vector<16xf32>
      %mul3A_790 = arith.constant 16 : i32
      %mul3A_791 = arith.muli %scan3A_722, %mul3A_790 : i32
      %add3A_792 = arith.constant 6400 : i32
      %add3A_793 = arith.addi %add3A_792, %mul3A_791 : i32
      %get3A_794 = arith.index_cast %add3A_793 : i32 to index
      %get3A_795 = tpu.vector_load %arg12[%get3A_794] {strides = array<i32>} : memref<10240xf32, #tpu.memory_space<vmem>>, vector<16xf32>,
      %add3A_796 = arith.addf %add3A_789, %get3A_795 : vector<16xf32>
      %mul3A_797 = arith.constant 16 : i32
      %mul3A_798 = arith.muli %scan3A_722, %mul3A_797 : i32
      %add3A_799 = arith.constant 7040 : i32
      %add3A_800 = arith.addi %add3A_799, %mul3A_798 : i32
      %get3A_801 = arith.index_cast %add3A_800 : i32 to index
      %get3A_802 = tpu.vector_load %arg12[%get3A_801] {strides = array<i32>} : memref<10240xf32, #tpu.memory_space<vmem>>, vector<16xf32>,
      %add3A_803 = arith.addf %add3A_796, %get3A_802 : vector<16xf32>
      %mul3A_804 = arith.constant 16 : i32
      %mul3A_805 = arith.muli %scan3A_722, %mul3A_804 : i32
      %add3A_806 = arith.constant 7680 : i32
      %add3A_807 = arith.addi %add3A_806, %mul3A_805 : i32
      %get3A_808 = arith.index_cast %add3A_807 : i32 to index
      %get3A_809 = tpu.vector_load %arg12[%get3A_808] {strides = array<i32>} : memref<10240xf32, #tpu.memory_space<vmem>>, vector<16xf32>,
      %add3A_810 = arith.addf %add3A_803, %get3A_809 : vector<16xf32>
      %mul3A_811 = arith.constant 16 : i32
      %mul3A_812 = arith.muli %scan3A_722, %mul3A_811 : i32
      %add3A_813 = arith.constant 8320 : i32
      %add3A_814 = arith.addi %add3A_813, %mul3A_812 : i32
      %get3A_815 = arith.index_cast %add3A_814 : i32 to index
      %get3A_816 = tpu.vector_load %arg12[%get3A_815] {strides = array<i32>} : memref<10240xf32, #tpu.memory_space<vmem>>, vector<16xf32>,
      %add3A_817 = arith.addf %add3A_810, %get3A_816 : vector<16xf32>
      %mul3A_818 = arith.constant 16 : i32
      %mul3A_819 = arith.muli %scan3A_722, %mul3A_818 : i32
      %add3A_820 = arith.constant 8960 : i32
      %add3A_821 = arith.addi %add3A_820, %mul3A_819 : i32
      %get3A_822 = arith.index_cast %add3A_821 : i32 to index
      %get3A_823 = tpu.vector_load %arg12[%get3A_822] {strides = array<i32>} : memref<10240xf32, #tpu.memory_space<vmem>>, vector<16xf32>,
      %add3A_824 = arith.addf %add3A_817, %get3A_823 : vector<16xf32>
      %mul3A_825 = arith.constant 16 : i32
      %mul3A_826 = arith.muli %scan3A_722, %mul3A_825 : i32
      %add3A_827 = arith.constant 9600 : i32
      %add3A_828 = arith.addi %add3A_827, %mul3A_826 : i32
      %get3A_829 = arith.index_cast %add3A_828 : i32 to index
      %get3A_830 = tpu.vector_load %arg12[%get3A_829] {strides = array<i32>} : memref<10240xf32, #tpu.memory_space<vmem>>, vector<16xf32>,
      %add3A_831 = arith.addf %add3A_824, %get3A_830 : vector<16xf32>
      %mul3A_832 = arith.constant 16 : i32
      %mul3A_833 = arith.muli %scan3A_722, %mul3A_832 : i32
      %swap3A_834 = arith.index_cast %mul3A_833 : i32 to index
      %swap3A_835 = tpu.vector_load %arg13[%swap3A_834] {strides = array<i32>} : memref<640xf32, #tpu.memory_space<vmem>>, vector<16xf32>,
      tpu.vector_store %arg13[%swap3A_834], %add3A_831 {strides = array<i32>} : memref<640xf32, #tpu.memory_space<vmem>>, vector<16xf32>,
      %scan3A_836 = arith.constant 0 : i32
      scf.yield %scan3A_836 : i32
    }
    %scan3A_487 = arith.constant 40 : i32
    %mul3A_488 = arith.constant 30720 : i32
    %mul3A_489 = arith.muli %arg0, %mul3A_488 : i32
    %add3A_490 = arith.constant 10240 : i32
    %add3A_491 = arith.addi %mul3A_489, %add3A_490 : i32
    %add3A_492 = arith.addi %add3A_491, %mul3A_270 : i32
    "tpu.region"() ({
      %run_scoped3A = tpu.sem_alloc : memref<!tpu.dma_semaphore, #tpu.memory_space<semaphore_mem>>
      %dma_start3A_722 = tpu.memref_slice %arg4[%add3A_492] : memref<61440xf32, #tpu.memory_space<hbm>> -> memref<640xf32, #tpu.memory_space<hbm>>
      %dma_start3A_723 = tpu.memref_slice %arg4[%add3A_492] : memref<61440xf32, #tpu.memory_space<hbm>> -> memref<640xf32, #tpu.memory_space<hbm>>
      tpu.enqueue_dma source(%arg13 : memref<640xf32, #tpu.memory_space<vmem>>) target(%dma_start3A_723 : memref<640xf32, #tpu.memory_space<hbm>>) target_semaphore(%run_scoped3A : memref<!tpu.dma_semaphore, #tpu.memory_space<semaphore_mem>>)
      %dma_wait3A_724 = tpu.memref_slice %arg4[%add3A_492] : memref<61440xf32, #tpu.memory_space<hbm>> -> memref<640xf32, #tpu.memory_space<hbm>>
      %dma_wait3A_725 = tpu.memref_slice %arg4[%add3A_492] : memref<61440xf32, #tpu.memory_space<hbm>> -> memref<640xf32, #tpu.memory_space<hbm>>
      tpu.wait_dma2 semaphore(%run_scoped3A : memref<!tpu.dma_semaphore, #tpu.memory_space<semaphore_mem>>) src(%arg13 : memref<640xf32, #tpu.memory_space<vmem>>) dst(%dma_wait3A_725 : memref<640xf32, #tpu.memory_space<hbm>>)
      tpu.yield
    }) : () -> ()
    %barrier3A_493 = arith.constant 0 : index
    tpu.barrier barrier_id(%barrier3A_493)
    %mul3A_494 = arith.constant 10240 : i32
    %mul3A_495 = arith.muli %arg1, %mul3A_494 : i32
    "tpu.region"() ({
      %run_scoped3A = tpu.sem_alloc : memref<!tpu.dma_semaphore, #tpu.memory_space<semaphore_mem>>
      %dma_start3A_722 = tpu.memref_slice %arg14[%mul3A_495] : memref<163840xf32, #tpu.memory_space<vmem_shared>> -> memref<10240xf32, #tpu.memory_space<vmem_shared>>
      %dma_start3A_723 = tpu.memref_slice %arg14[%mul3A_495] : memref<163840xf32, #tpu.memory_space<vmem_shared>> -> memref<10240xf32, #tpu.memory_space<vmem_shared>>
      tpu.enqueue_dma source(%arg10 : memref<10240xf32, #tpu.memory_space<vmem>>) target(%dma_start3A_723 : memref<10240xf32, #tpu.memory_space<vmem_shared>>) target_semaphore(%run_scoped3A : memref<!tpu.dma_semaphore, #tpu.memory_space<semaphore_mem>>)
      %dma_wait3A_724 = tpu.memref_slice %arg14[%mul3A_495] : memref<163840xf32, #tpu.memory_space<vmem_shared>> -> memref<10240xf32, #tpu.memory_space<vmem_shared>>
      %dma_wait3A_725 = tpu.memref_slice %arg14[%mul3A_495] : memref<163840xf32, #tpu.memory_space<vmem_shared>> -> memref<10240xf32, #tpu.memory_space<vmem_shared>>
      tpu.wait_dma2 semaphore(%run_scoped3A : memref<!tpu.dma_semaphore, #tpu.memory_space<semaphore_mem>>) src(%arg10 : memref<10240xf32, #tpu.memory_space<vmem>>) dst(%dma_wait3A_725 : memref<10240xf32, #tpu.memory_space<vmem_shared>>)
      tpu.yield
    }) : () -> ()
    %barrier3A_496 = arith.constant 0 : index
    tpu.barrier barrier_id(%barrier3A_496)
    %mul3A_497 = arith.constant 640 : i32
    %mul3A_498 = arith.muli %arg1, %mul3A_497 : i32
    %add3A_499 = arith.constant 10240 : i32
    %add3A_500 = arith.addi %add3A_499, %mul3A_498 : i32
    %dma_start3A_501 = arith.constant 640 : i32
    %dma_start3A_502 = tpu.memref_slice %arg12[%dma_start3A_501] : memref<10240xf32, #tpu.memory_space<vmem>> -> memref<640xf32, #tpu.memory_space<vmem>>
    %dma_start3A_503 = tpu.memref_slice %arg14[%add3A_500] : memref<163840xf32, #tpu.memory_space<vmem_shared>> -> memref<640xf32, #tpu.memory_space<vmem_shared>>
    %dma_start3A_504 = arith.constant 640 : i32
    %dma_start3A_505 = tpu.memref_slice %arg12[%dma_start3A_504] : memref<10240xf32, #tpu.memory_space<vmem>> -> memref<640xf32, #tpu.memory_space<vmem>>
    %dma_start3A_506 = tpu.memref_slice %arg14[%add3A_500] : memref<163840xf32, #tpu.memory_space<vmem_shared>> -> memref<640xf32, #tpu.memory_space<vmem_shared>>
    tpu.enqueue_dma source(%dma_start3A_506 : memref<640xf32, #tpu.memory_space<vmem_shared>>) target(%dma_start3A_505 : memref<640xf32, #tpu.memory_space<vmem>>) target_semaphore(%arg16 : memref<!tpu.dma_semaphore, #tpu.memory_space<semaphore_mem>>)
    %add3A_507 = arith.constant 20480 : i32
    %add3A_508 = arith.addi %add3A_507, %mul3A_498 : i32
    %dma_start3A_509 = arith.constant 1280 : i32
    %dma_start3A_510 = tpu.memref_slice %arg12[%dma_start3A_509] : memref<10240xf32, #tpu.memory_space<vmem>> -> memref<640xf32, #tpu.memory_space<vmem>>
    %dma_start3A_511 = tpu.memref_slice %arg14[%add3A_508] : memref<163840xf32, #tpu.memory_space<vmem_shared>> -> memref<640xf32, #tpu.memory_space<vmem_shared>>
    %dma_start3A_512 = arith.constant 1280 : i32
    %dma_start3A_513 = tpu.memref_slice %arg12[%dma_start3A_512] : memref<10240xf32, #tpu.memory_space<vmem>> -> memref<640xf32, #tpu.memory_space<vmem>>
    %dma_start3A_514 = tpu.memref_slice %arg14[%add3A_508] : memref<163840xf32, #tpu.memory_space<vmem_shared>> -> memref<640xf32, #tpu.memory_space<vmem_shared>>
    tpu.enqueue_dma source(%dma_start3A_514 : memref<640xf32, #tpu.memory_space<vmem_shared>>) target(%dma_start3A_513 : memref<640xf32, #tpu.memory_space<vmem>>) target_semaphore(%arg16 : memref<!tpu.dma_semaphore, #tpu.memory_space<semaphore_mem>>)
    %add3A_515 = arith.constant 30720 : i32
    %add3A_516 = arith.addi %add3A_515, %mul3A_498 : i32
    %dma_start3A_517 = arith.constant 1920 : i32
    %dma_start3A_518 = tpu.memref_slice %arg12[%dma_start3A_517] : memref<10240xf32, #tpu.memory_space<vmem>> -> memref<640xf32, #tpu.memory_space<vmem>>
    %dma_start3A_519 = tpu.memref_slice %arg14[%add3A_516] : memref<163840xf32, #tpu.memory_space<vmem_shared>> -> memref<640xf32, #tpu.memory_space<vmem_shared>>
    %dma_start3A_520 = arith.constant 1920 : i32
    %dma_start3A_521 = tpu.memref_slice %arg12[%dma_start3A_520] : memref<10240xf32, #tpu.memory_space<vmem>> -> memref<640xf32, #tpu.memory_space<vmem>>
    %dma_start3A_522 = tpu.memref_slice %arg14[%add3A_516] : memref<163840xf32, #tpu.memory_space<vmem_shared>> -> memref<640xf32, #tpu.memory_space<vmem_shared>>
    tpu.enqueue_dma source(%dma_start3A_522 : memref<640xf32, #tpu.memory_space<vmem_shared>>) target(%dma_start3A_521 : memref<640xf32, #tpu.memory_space<vmem>>) target_semaphore(%arg16 : memref<!tpu.dma_semaphore, #tpu.memory_space<semaphore_mem>>)
    %add3A_523 = arith.constant 40960 : i32
    %add3A_524 = arith.addi %add3A_523, %mul3A_498 : i32
    %dma_start3A_525 = arith.constant 2560 : i32
    %dma_start3A_526 = tpu.memref_slice %arg12[%dma_start3A_525] : memref<10240xf32, #tpu.memory_space<vmem>> -> memref<640xf32, #tpu.memory_space<vmem>>
    %dma_start3A_527 = tpu.memref_slice %arg14[%add3A_524] : memref<163840xf32, #tpu.memory_space<vmem_shared>> -> memref<640xf32, #tpu.memory_space<vmem_shared>>
    %dma_start3A_528 = arith.constant 2560 : i32
    %dma_start3A_529 = tpu.memref_slice %arg12[%dma_start3A_528] : memref<10240xf32, #tpu.memory_space<vmem>> -> memref<640xf32, #tpu.memory_space<vmem>>
    %dma_start3A_530 = tpu.memref_slice %arg14[%add3A_524] : memref<163840xf32, #tpu.memory_space<vmem_shared>> -> memref<640xf32, #tpu.memory_space<vmem_shared>>
    tpu.enqueue_dma source(%dma_start3A_530 : memref<640xf32, #tpu.memory_space<vmem_shared>>) target(%dma_start3A_529 : memref<640xf32, #tpu.memory_space<vmem>>) target_semaphore(%arg16 : memref<!tpu.dma_semaphore, #tpu.memory_space<semaphore_mem>>)
    %add3A_531 = arith.constant 51200 : i32
    %add3A_532 = arith.addi %add3A_531, %mul3A_498 : i32
    %dma_start3A_533 = arith.constant 3200 : i32
    %dma_start3A_534 = tpu.memref_slice %arg12[%dma_start3A_533] : memref<10240xf32, #tpu.memory_space<vmem>> -> memref<640xf32, #tpu.memory_space<vmem>>
    %dma_start3A_535 = tpu.memref_slice %arg14[%add3A_532] : memref<163840xf32, #tpu.memory_space<vmem_shared>> -> memref<640xf32, #tpu.memory_space<vmem_shared>>
    %dma_start3A_536 = arith.constant 3200 : i32
    %dma_start3A_537 = tpu.memref_slice %arg12[%dma_start3A_536] : memref<10240xf32, #tpu.memory_space<vmem>> -> memref<640xf32, #tpu.memory_space<vmem>>
    %dma_start3A_538 = tpu.memref_slice %arg14[%add3A_532] : memref<163840xf32, #tpu.memory_space<vmem_shared>> -> memref<640xf32, #tpu.memory_space<vmem_shared>>
    tpu.enqueue_dma source(%dma_start3A_538 : memref<640xf32, #tpu.memory_space<vmem_shared>>) target(%dma_start3A_537 : memref<640xf32, #tpu.memory_space<vmem>>) target_semaphore(%arg16 : memref<!tpu.dma_semaphore, #tpu.memory_space<semaphore_mem>>)
    %add3A_539 = arith.constant 61440 : i32
    %add3A_540 = arith.addi %add3A_539, %mul3A_498 : i32
    %dma_start3A_541 = arith.constant 3840 : i32
    %dma_start3A_542 = tpu.memref_slice %arg12[%dma_start3A_541] : memref<10240xf32, #tpu.memory_space<vmem>> -> memref<640xf32, #tpu.memory_space<vmem>>
    %dma_start3A_543 = tpu.memref_slice %arg14[%add3A_540] : memref<163840xf32, #tpu.memory_space<vmem_shared>> -> memref<640xf32, #tpu.memory_space<vmem_shared>>
    %dma_start3A_544 = arith.constant 3840 : i32
    %dma_start3A_545 = tpu.memref_slice %arg12[%dma_start3A_544] : memref<10240xf32, #tpu.memory_space<vmem>> -> memref<640xf32, #tpu.memory_space<vmem>>
    %dma_start3A_546 = tpu.memref_slice %arg14[%add3A_540] : memref<163840xf32, #tpu.memory_space<vmem_shared>> -> memref<640xf32, #tpu.memory_space<vmem_shared>>
    tpu.enqueue_dma source(%dma_start3A_546 : memref<640xf32, #tpu.memory_space<vmem_shared>>) target(%dma_start3A_545 : memref<640xf32, #tpu.memory_space<vmem>>) target_semaphore(%arg16 : memref<!tpu.dma_semaphore, #tpu.memory_space<semaphore_mem>>)
    %add3A_547 = arith.constant 71680 : i32
    %add3A_548 = arith.addi %add3A_547, %mul3A_498 : i32
    %dma_start3A_549 = arith.constant 4480 : i32
    %dma_start3A_550 = tpu.memref_slice %arg12[%dma_start3A_549] : memref<10240xf32, #tpu.memory_space<vmem>> -> memref<640xf32, #tpu.memory_space<vmem>>
    %dma_start3A_551 = tpu.memref_slice %arg14[%add3A_548] : memref<163840xf32, #tpu.memory_space<vmem_shared>> -> memref<640xf32, #tpu.memory_space<vmem_shared>>
    %dma_start3A_552 = arith.constant 4480 : i32
    %dma_start3A_553 = tpu.memref_slice %arg12[%dma_start3A_552] : memref<10240xf32, #tpu.memory_space<vmem>> -> memref<640xf32, #tpu.memory_space<vmem>>
    %dma_start3A_554 = tpu.memref_slice %arg14[%add3A_548] : memref<163840xf32, #tpu.memory_space<vmem_shared>> -> memref<640xf32, #tpu.memory_space<vmem_shared>>
    tpu.enqueue_dma source(%dma_start3A_554 : memref<640xf32, #tpu.memory_space<vmem_shared>>) target(%dma_start3A_553 : memref<640xf32, #tpu.memory_space<vmem>>) target_semaphore(%arg16 : memref<!tpu.dma_semaphore, #tpu.memory_space<semaphore_mem>>)
    %add3A_555 = arith.constant 81920 : i32
    %add3A_556 = arith.addi %add3A_555, %mul3A_498 : i32
    %dma_start3A_557 = arith.constant 5120 : i32
    %dma_start3A_558 = tpu.memref_slice %arg12[%dma_start3A_557] : memref<10240xf32, #tpu.memory_space<vmem>> -> memref<640xf32, #tpu.memory_space<vmem>>
    %dma_start3A_559 = tpu.memref_slice %arg14[%add3A_556] : memref<163840xf32, #tpu.memory_space<vmem_shared>> -> memref<640xf32, #tpu.memory_space<vmem_shared>>
    %dma_start3A_560 = arith.constant 5120 : i32
    %dma_start3A_561 = tpu.memref_slice %arg12[%dma_start3A_560] : memref<10240xf32, #tpu.memory_space<vmem>> -> memref<640xf32, #tpu.memory_space<vmem>>
    %dma_start3A_562 = tpu.memref_slice %arg14[%add3A_556] : memref<163840xf32, #tpu.memory_space<vmem_shared>> -> memref<640xf32, #tpu.memory_space<vmem_shared>>
    tpu.enqueue_dma source(%dma_start3A_562 : memref<640xf32, #tpu.memory_space<vmem_shared>>) target(%dma_start3A_561 : memref<640xf32, #tpu.memory_space<vmem>>) target_semaphore(%arg16 : memref<!tpu.dma_semaphore, #tpu.memory_space<semaphore_mem>>)
    %add3A_563 = arith.constant 92160 : i32
    %add3A_564 = arith.addi %add3A_563, %mul3A_498 : i32
    %dma_start3A_565 = arith.constant 5760 : i32
    %dma_start3A_566 = tpu.memref_slice %arg12[%dma_start3A_565] : memref<10240xf32, #tpu.memory_space<vmem>> -> memref<640xf32, #tpu.memory_space<vmem>>
    %dma_start3A_567 = tpu.memref_slice %arg14[%add3A_564] : memref<163840xf32, #tpu.memory_space<vmem_shared>> -> memref<640xf32, #tpu.memory_space<vmem_shared>>
    %dma_start3A_568 = arith.constant 5760 : i32
    %dma_start3A_569 = tpu.memref_slice %arg12[%dma_start3A_568] : memref<10240xf32, #tpu.memory_space<vmem>> -> memref<640xf32, #tpu.memory_space<vmem>>
    %dma_start3A_570 = tpu.memref_slice %arg14[%add3A_564] : memref<163840xf32, #tpu.memory_space<vmem_shared>> -> memref<640xf32, #tpu.memory_space<vmem_shared>>
    tpu.enqueue_dma source(%dma_start3A_570 : memref<640xf32, #tpu.memory_space<vmem_shared>>) target(%dma_start3A_569 : memref<640xf32, #tpu.memory_space<vmem>>) target_semaphore(%arg16 : memref<!tpu.dma_semaphore, #tpu.memory_space<semaphore_mem>>)
    %add3A_571 = arith.constant 102400 : i32
    %add3A_572 = arith.addi %add3A_571, %mul3A_498 : i32
    %dma_start3A_573 = arith.constant 6400 : i32
    %dma_start3A_574 = tpu.memref_slice %arg12[%dma_start3A_573] : memref<10240xf32, #tpu.memory_space<vmem>> -> memref<640xf32, #tpu.memory_space<vmem>>
    %dma_start3A_575 = tpu.memref_slice %arg14[%add3A_572] : memref<163840xf32, #tpu.memory_space<vmem_shared>> -> memref<640xf32, #tpu.memory_space<vmem_shared>>
    %dma_start3A_576 = arith.constant 6400 : i32
    %dma_start3A_577 = tpu.memref_slice %arg12[%dma_start3A_576] : memref<10240xf32, #tpu.memory_space<vmem>> -> memref<640xf32, #tpu.memory_space<vmem>>
    %dma_start3A_578 = tpu.memref_slice %arg14[%add3A_572] : memref<163840xf32, #tpu.memory_space<vmem_shared>> -> memref<640xf32, #tpu.memory_space<vmem_shared>>
    tpu.enqueue_dma source(%dma_start3A_578 : memref<640xf32, #tpu.memory_space<vmem_shared>>) target(%dma_start3A_577 : memref<640xf32, #tpu.memory_space<vmem>>) target_semaphore(%arg16 : memref<!tpu.dma_semaphore, #tpu.memory_space<semaphore_mem>>)
    %add3A_579 = arith.constant 112640 : i32
    %add3A_580 = arith.addi %add3A_579, %mul3A_498 : i32
    %dma_start3A_581 = arith.constant 7040 : i32
    %dma_start3A_582 = tpu.memref_slice %arg12[%dma_start3A_581] : memref<10240xf32, #tpu.memory_space<vmem>> -> memref<640xf32, #tpu.memory_space<vmem>>
    %dma_start3A_583 = tpu.memref_slice %arg14[%add3A_580] : memref<163840xf32, #tpu.memory_space<vmem_shared>> -> memref<640xf32, #tpu.memory_space<vmem_shared>>
    %dma_start3A_584 = arith.constant 7040 : i32
    %dma_start3A_585 = tpu.memref_slice %arg12[%dma_start3A_584] : memref<10240xf32, #tpu.memory_space<vmem>> -> memref<640xf32, #tpu.memory_space<vmem>>
    %dma_start3A_586 = tpu.memref_slice %arg14[%add3A_580] : memref<163840xf32, #tpu.memory_space<vmem_shared>> -> memref<640xf32, #tpu.memory_space<vmem_shared>>
    tpu.enqueue_dma source(%dma_start3A_586 : memref<640xf32, #tpu.memory_space<vmem_shared>>) target(%dma_start3A_585 : memref<640xf32, #tpu.memory_space<vmem>>) target_semaphore(%arg16 : memref<!tpu.dma_semaphore, #tpu.memory_space<semaphore_mem>>)
    %add3A_587 = arith.constant 122880 : i32
    %add3A_588 = arith.addi %add3A_587, %mul3A_498 : i32
    %dma_start3A_589 = arith.constant 7680 : i32
    %dma_start3A_590 = tpu.memref_slice %arg12[%dma_start3A_589] : memref<10240xf32, #tpu.memory_space<vmem>> -> memref<640xf32, #tpu.memory_space<vmem>>
    %dma_start3A_591 = tpu.memref_slice %arg14[%add3A_588] : memref<163840xf32, #tpu.memory_space<vmem_shared>> -> memref<640xf32, #tpu.memory_space<vmem_shared>>
    %dma_start3A_592 = arith.constant 7680 : i32
    %dma_start3A_593 = tpu.memref_slice %arg12[%dma_start3A_592] : memref<10240xf32, #tpu.memory_space<vmem>> -> memref<640xf32, #tpu.memory_space<vmem>>
    %dma_start3A_594 = tpu.memref_slice %arg14[%add3A_588] : memref<163840xf32, #tpu.memory_space<vmem_shared>> -> memref<640xf32, #tpu.memory_space<vmem_shared>>
    tpu.enqueue_dma source(%dma_start3A_594 : memref<640xf32, #tpu.memory_space<vmem_shared>>) target(%dma_start3A_593 : memref<640xf32, #tpu.memory_space<vmem>>) target_semaphore(%arg16 : memref<!tpu.dma_semaphore, #tpu.memory_space<semaphore_mem>>)
    %add3A_595 = arith.constant 133120 : i32
    %add3A_596 = arith.addi %add3A_595, %mul3A_498 : i32
    %dma_start3A_597 = arith.constant 8320 : i32
    %dma_start3A_598 = tpu.memref_slice %arg12[%dma_start3A_597] : memref<10240xf32, #tpu.memory_space<vmem>> -> memref<640xf32, #tpu.memory_space<vmem>>
    %dma_start3A_599 = tpu.memref_slice %arg14[%add3A_596] : memref<163840xf32, #tpu.memory_space<vmem_shared>> -> memref<640xf32, #tpu.memory_space<vmem_shared>>
    %dma_start3A_600 = arith.constant 8320 : i32
    %dma_start3A_601 = tpu.memref_slice %arg12[%dma_start3A_600] : memref<10240xf32, #tpu.memory_space<vmem>> -> memref<640xf32, #tpu.memory_space<vmem>>
    %dma_start3A_602 = tpu.memref_slice %arg14[%add3A_596] : memref<163840xf32, #tpu.memory_space<vmem_shared>> -> memref<640xf32, #tpu.memory_space<vmem_shared>>
    tpu.enqueue_dma source(%dma_start3A_602 : memref<640xf32, #tpu.memory_space<vmem_shared>>) target(%dma_start3A_601 : memref<640xf32, #tpu.memory_space<vmem>>) target_semaphore(%arg16 : memref<!tpu.dma_semaphore, #tpu.memory_space<semaphore_mem>>)
    %add3A_603 = arith.constant 143360 : i32
    %add3A_604 = arith.addi %add3A_603, %mul3A_498 : i32
    %dma_start3A_605 = arith.constant 8960 : i32
    %dma_start3A_606 = tpu.memref_slice %arg12[%dma_start3A_605] : memref<10240xf32, #tpu.memory_space<vmem>> -> memref<640xf32, #tpu.memory_space<vmem>>
    %dma_start3A_607 = tpu.memref_slice %arg14[%add3A_604] : memref<163840xf32, #tpu.memory_space<vmem_shared>> -> memref<640xf32, #tpu.memory_space<vmem_shared>>
    %dma_start3A_608 = arith.constant 8960 : i32
    %dma_start3A_609 = tpu.memref_slice %arg12[%dma_start3A_608] : memref<10240xf32, #tpu.memory_space<vmem>> -> memref<640xf32, #tpu.memory_space<vmem>>
    %dma_start3A_610 = tpu.memref_slice %arg14[%add3A_604] : memref<163840xf32, #tpu.memory_space<vmem_shared>> -> memref<640xf32, #tpu.memory_space<vmem_shared>>
    tpu.enqueue_dma source(%dma_start3A_610 : memref<640xf32, #tpu.memory_space<vmem_shared>>) target(%dma_start3A_609 : memref<640xf32, #tpu.memory_space<vmem>>) target_semaphore(%arg16 : memref<!tpu.dma_semaphore, #tpu.memory_space<semaphore_mem>>)
    %add3A_611 = arith.constant 153600 : i32
    %add3A_612 = arith.addi %add3A_611, %mul3A_498 : i32
    %dma_start3A_613 = arith.constant 9600 : i32
    %dma_start3A_614 = tpu.memref_slice %arg12[%dma_start3A_613] : memref<10240xf32, #tpu.memory_space<vmem>> -> memref<640xf32, #tpu.memory_space<vmem>>
    %dma_start3A_615 = tpu.memref_slice %arg14[%add3A_612] : memref<163840xf32, #tpu.memory_space<vmem_shared>> -> memref<640xf32, #tpu.memory_space<vmem_shared>>
    %dma_start3A_616 = arith.constant 9600 : i32
    %dma_start3A_617 = tpu.memref_slice %arg12[%dma_start3A_616] : memref<10240xf32, #tpu.memory_space<vmem>> -> memref<640xf32, #tpu.memory_space<vmem>>
    %dma_start3A_618 = tpu.memref_slice %arg14[%add3A_612] : memref<163840xf32, #tpu.memory_space<vmem_shared>> -> memref<640xf32, #tpu.memory_space<vmem_shared>>
    tpu.enqueue_dma source(%dma_start3A_618 : memref<640xf32, #tpu.memory_space<vmem_shared>>) target(%dma_start3A_617 : memref<640xf32, #tpu.memory_space<vmem>>) target_semaphore(%arg16 : memref<!tpu.dma_semaphore, #tpu.memory_space<semaphore_mem>>)
    "tpu.region"() ({
      %run_scoped3A = tpu.sem_alloc : memref<!tpu.dma_semaphore, #tpu.memory_space<semaphore_mem>>
      %dma_start3A_722 = tpu.memref_slice %arg14[%mul3A_498] : memref<163840xf32, #tpu.memory_space<vmem_shared>> -> memref<640xf32, #tpu.memory_space<vmem_shared>>
      %dma_start3A_723 = tpu.memref_slice %arg14[%mul3A_498] : memref<163840xf32, #tpu.memory_space<vmem_shared>> -> memref<640xf32, #tpu.memory_space<vmem_shared>>
      tpu.enqueue_dma source(%dma_start3A_723 : memref<640xf32, #tpu.memory_space<vmem_shared>>) target(%arg13 : memref<640xf32, #tpu.memory_space<vmem>>) target_semaphore(%run_scoped3A : memref<!tpu.dma_semaphore, #tpu.memory_space<semaphore_mem>>)
      %dma_wait3A_724 = tpu.memref_slice %arg14[%mul3A_498] : memref<163840xf32, #tpu.memory_space<vmem_shared>> -> memref<640xf32, #tpu.memory_space<vmem_shared>>
      %dma_wait3A_725 = tpu.memref_slice %arg14[%mul3A_498] : memref<163840xf32, #tpu.memory_space<vmem_shared>> -> memref<640xf32, #tpu.memory_space<vmem_shared>>
      tpu.wait_dma2 semaphore(%run_scoped3A : memref<!tpu.dma_semaphore, #tpu.memory_space<semaphore_mem>>) src(%dma_wait3A_725 : memref<640xf32, #tpu.memory_space<vmem_shared>>) dst(%arg13 : memref<640xf32, #tpu.memory_space<vmem>>)
      tpu.yield
    }) : () -> ()
    %dma_wait3A_619 = arith.constant 640 : i32
    %dma_wait3A_620 = tpu.memref_slice %arg12[%dma_wait3A_619] : memref<10240xf32, #tpu.memory_space<vmem>> -> memref<640xf32, #tpu.memory_space<vmem>>
    %dma_wait3A_621 = tpu.memref_slice %arg14[%add3A_500] : memref<163840xf32, #tpu.memory_space<vmem_shared>> -> memref<640xf32, #tpu.memory_space<vmem_shared>>
    %dma_wait3A_622 = arith.constant 640 : i32
    %dma_wait3A_623 = tpu.memref_slice %arg12[%dma_wait3A_622] : memref<10240xf32, #tpu.memory_space<vmem>> -> memref<640xf32, #tpu.memory_space<vmem>>
    %dma_wait3A_624 = tpu.memref_slice %arg14[%add3A_500] : memref<163840xf32, #tpu.memory_space<vmem_shared>> -> memref<640xf32, #tpu.memory_space<vmem_shared>>
    tpu.wait_dma2 semaphore(%arg16 : memref<!tpu.dma_semaphore, #tpu.memory_space<semaphore_mem>>) src(%dma_wait3A_624 : memref<640xf32, #tpu.memory_space<vmem_shared>>) dst(%dma_wait3A_623 : memref<640xf32, #tpu.memory_space<vmem>>)
    %dma_wait3A_625 = arith.constant 1280 : i32
    %dma_wait3A_626 = tpu.memref_slice %arg12[%dma_wait3A_625] : memref<10240xf32, #tpu.memory_space<vmem>> -> memref<640xf32, #tpu.memory_space<vmem>>
    %dma_wait3A_627 = tpu.memref_slice %arg14[%add3A_508] : memref<163840xf32, #tpu.memory_space<vmem_shared>> -> memref<640xf32, #tpu.memory_space<vmem_shared>>
    %dma_wait3A_628 = arith.constant 1280 : i32
    %dma_wait3A_629 = tpu.memref_slice %arg12[%dma_wait3A_628] : memref<10240xf32, #tpu.memory_space<vmem>> -> memref<640xf32, #tpu.memory_space<vmem>>
    %dma_wait3A_630 = tpu.memref_slice %arg14[%add3A_508] : memref<163840xf32, #tpu.memory_space<vmem_shared>> -> memref<640xf32, #tpu.memory_space<vmem_shared>>
    tpu.wait_dma2 semaphore(%arg16 : memref<!tpu.dma_semaphore, #tpu.memory_space<semaphore_mem>>) src(%dma_wait3A_630 : memref<640xf32, #tpu.memory_space<vmem_shared>>) dst(%dma_wait3A_629 : memref<640xf32, #tpu.memory_space<vmem>>)
    %dma_wait3A_631 = arith.constant 1920 : i32
    %dma_wait3A_632 = tpu.memref_slice %arg12[%dma_wait3A_631] : memref<10240xf32, #tpu.memory_space<vmem>> -> memref<640xf32, #tpu.memory_space<vmem>>
    %dma_wait3A_633 = tpu.memref_slice %arg14[%add3A_516] : memref<163840xf32, #tpu.memory_space<vmem_shared>> -> memref<640xf32, #tpu.memory_space<vmem_shared>>
    %dma_wait3A_634 = arith.constant 1920 : i32
    %dma_wait3A_635 = tpu.memref_slice %arg12[%dma_wait3A_634] : memref<10240xf32, #tpu.memory_space<vmem>> -> memref<640xf32, #tpu.memory_space<vmem>>
    %dma_wait3A_636 = tpu.memref_slice %arg14[%add3A_516] : memref<163840xf32, #tpu.memory_space<vmem_shared>> -> memref<640xf32, #tpu.memory_space<vmem_shared>>
    tpu.wait_dma2 semaphore(%arg16 : memref<!tpu.dma_semaphore, #tpu.memory_space<semaphore_mem>>) src(%dma_wait3A_636 : memref<640xf32, #tpu.memory_space<vmem_shared>>) dst(%dma_wait3A_635 : memref<640xf32, #tpu.memory_space<vmem>>)
    %dma_wait3A_637 = arith.constant 2560 : i32
    %dma_wait3A_638 = tpu.memref_slice %arg12[%dma_wait3A_637] : memref<10240xf32, #tpu.memory_space<vmem>> -> memref<640xf32, #tpu.memory_space<vmem>>
    %dma_wait3A_639 = tpu.memref_slice %arg14[%add3A_524] : memref<163840xf32, #tpu.memory_space<vmem_shared>> -> memref<640xf32, #tpu.memory_space<vmem_shared>>
    %dma_wait3A_640 = arith.constant 2560 : i32
    %dma_wait3A_641 = tpu.memref_slice %arg12[%dma_wait3A_640] : memref<10240xf32, #tpu.memory_space<vmem>> -> memref<640xf32, #tpu.memory_space<vmem>>
    %dma_wait3A_642 = tpu.memref_slice %arg14[%add3A_524] : memref<163840xf32, #tpu.memory_space<vmem_shared>> -> memref<640xf32, #tpu.memory_space<vmem_shared>>
    tpu.wait_dma2 semaphore(%arg16 : memref<!tpu.dma_semaphore, #tpu.memory_space<semaphore_mem>>) src(%dma_wait3A_642 : memref<640xf32, #tpu.memory_space<vmem_shared>>) dst(%dma_wait3A_641 : memref<640xf32, #tpu.memory_space<vmem>>)
    %dma_wait3A_643 = arith.constant 3200 : i32
    %dma_wait3A_644 = tpu.memref_slice %arg12[%dma_wait3A_643] : memref<10240xf32, #tpu.memory_space<vmem>> -> memref<640xf32, #tpu.memory_space<vmem>>
    %dma_wait3A_645 = tpu.memref_slice %arg14[%add3A_532] : memref<163840xf32, #tpu.memory_space<vmem_shared>> -> memref<640xf32, #tpu.memory_space<vmem_shared>>
    %dma_wait3A_646 = arith.constant 3200 : i32
    %dma_wait3A_647 = tpu.memref_slice %arg12[%dma_wait3A_646] : memref<10240xf32, #tpu.memory_space<vmem>> -> memref<640xf32, #tpu.memory_space<vmem>>
    %dma_wait3A_648 = tpu.memref_slice %arg14[%add3A_532] : memref<163840xf32, #tpu.memory_space<vmem_shared>> -> memref<640xf32, #tpu.memory_space<vmem_shared>>
    tpu.wait_dma2 semaphore(%arg16 : memref<!tpu.dma_semaphore, #tpu.memory_space<semaphore_mem>>) src(%dma_wait3A_648 : memref<640xf32, #tpu.memory_space<vmem_shared>>) dst(%dma_wait3A_647 : memref<640xf32, #tpu.memory_space<vmem>>)
    %dma_wait3A_649 = arith.constant 3840 : i32
    %dma_wait3A_650 = tpu.memref_slice %arg12[%dma_wait3A_649] : memref<10240xf32, #tpu.memory_space<vmem>> -> memref<640xf32, #tpu.memory_space<vmem>>
    %dma_wait3A_651 = tpu.memref_slice %arg14[%add3A_540] : memref<163840xf32, #tpu.memory_space<vmem_shared>> -> memref<640xf32, #tpu.memory_space<vmem_shared>>
    %dma_wait3A_652 = arith.constant 3840 : i32
    %dma_wait3A_653 = tpu.memref_slice %arg12[%dma_wait3A_652] : memref<10240xf32, #tpu.memory_space<vmem>> -> memref<640xf32, #tpu.memory_space<vmem>>
    %dma_wait3A_654 = tpu.memref_slice %arg14[%add3A_540] : memref<163840xf32, #tpu.memory_space<vmem_shared>> -> memref<640xf32, #tpu.memory_space<vmem_shared>>
    tpu.wait_dma2 semaphore(%arg16 : memref<!tpu.dma_semaphore, #tpu.memory_space<semaphore_mem>>) src(%dma_wait3A_654 : memref<640xf32, #tpu.memory_space<vmem_shared>>) dst(%dma_wait3A_653 : memref<640xf32, #tpu.memory_space<vmem>>)
    %dma_wait3A_655 = arith.constant 4480 : i32
    %dma_wait3A_656 = tpu.memref_slice %arg12[%dma_wait3A_655] : memref<10240xf32, #tpu.memory_space<vmem>> -> memref<640xf32, #tpu.memory_space<vmem>>
    %dma_wait3A_657 = tpu.memref_slice %arg14[%add3A_548] : memref<163840xf32, #tpu.memory_space<vmem_shared>> -> memref<640xf32, #tpu.memory_space<vmem_shared>>
    %dma_wait3A_658 = arith.constant 4480 : i32
    %dma_wait3A_659 = tpu.memref_slice %arg12[%dma_wait3A_658] : memref<10240xf32, #tpu.memory_space<vmem>> -> memref<640xf32, #tpu.memory_space<vmem>>
    %dma_wait3A_660 = tpu.memref_slice %arg14[%add3A_548] : memref<163840xf32, #tpu.memory_space<vmem_shared>> -> memref<640xf32, #tpu.memory_space<vmem_shared>>
    tpu.wait_dma2 semaphore(%arg16 : memref<!tpu.dma_semaphore, #tpu.memory_space<semaphore_mem>>) src(%dma_wait3A_660 : memref<640xf32, #tpu.memory_space<vmem_shared>>) dst(%dma_wait3A_659 : memref<640xf32, #tpu.memory_space<vmem>>)
    %dma_wait3A_661 = arith.constant 5120 : i32
    %dma_wait3A_662 = tpu.memref_slice %arg12[%dma_wait3A_661] : memref<10240xf32, #tpu.memory_space<vmem>> -> memref<640xf32, #tpu.memory_space<vmem>>
    %dma_wait3A_663 = tpu.memref_slice %arg14[%add3A_556] : memref<163840xf32, #tpu.memory_space<vmem_shared>> -> memref<640xf32, #tpu.memory_space<vmem_shared>>
    %dma_wait3A_664 = arith.constant 5120 : i32
    %dma_wait3A_665 = tpu.memref_slice %arg12[%dma_wait3A_664] : memref<10240xf32, #tpu.memory_space<vmem>> -> memref<640xf32, #tpu.memory_space<vmem>>
    %dma_wait3A_666 = tpu.memref_slice %arg14[%add3A_556] : memref<163840xf32, #tpu.memory_space<vmem_shared>> -> memref<640xf32, #tpu.memory_space<vmem_shared>>
    tpu.wait_dma2 semaphore(%arg16 : memref<!tpu.dma_semaphore, #tpu.memory_space<semaphore_mem>>) src(%dma_wait3A_666 : memref<640xf32, #tpu.memory_space<vmem_shared>>) dst(%dma_wait3A_665 : memref<640xf32, #tpu.memory_space<vmem>>)
    %dma_wait3A_667 = arith.constant 5760 : i32
    %dma_wait3A_668 = tpu.memref_slice %arg12[%dma_wait3A_667] : memref<10240xf32, #tpu.memory_space<vmem>> -> memref<640xf32, #tpu.memory_space<vmem>>
    %dma_wait3A_669 = tpu.memref_slice %arg14[%add3A_564] : memref<163840xf32, #tpu.memory_space<vmem_shared>> -> memref<640xf32, #tpu.memory_space<vmem_shared>>
    %dma_wait3A_670 = arith.constant 5760 : i32
    %dma_wait3A_671 = tpu.memref_slice %arg12[%dma_wait3A_670] : memref<10240xf32, #tpu.memory_space<vmem>> -> memref<640xf32, #tpu.memory_space<vmem>>
    %dma_wait3A_672 = tpu.memref_slice %arg14[%add3A_564] : memref<163840xf32, #tpu.memory_space<vmem_shared>> -> memref<640xf32, #tpu.memory_space<vmem_shared>>
    tpu.wait_dma2 semaphore(%arg16 : memref<!tpu.dma_semaphore, #tpu.memory_space<semaphore_mem>>) src(%dma_wait3A_672 : memref<640xf32, #tpu.memory_space<vmem_shared>>) dst(%dma_wait3A_671 : memref<640xf32, #tpu.memory_space<vmem>>)
    %dma_wait3A_673 = arith.constant 6400 : i32
    %dma_wait3A_674 = tpu.memref_slice %arg12[%dma_wait3A_673] : memref<10240xf32, #tpu.memory_space<vmem>> -> memref<640xf32, #tpu.memory_space<vmem>>
    %dma_wait3A_675 = tpu.memref_slice %arg14[%add3A_572] : memref<163840xf32, #tpu.memory_space<vmem_shared>> -> memref<640xf32, #tpu.memory_space<vmem_shared>>
    %dma_wait3A_676 = arith.constant 6400 : i32
    %dma_wait3A_677 = tpu.memref_slice %arg12[%dma_wait3A_676] : memref<10240xf32, #tpu.memory_space<vmem>> -> memref<640xf32, #tpu.memory_space<vmem>>
    %dma_wait3A_678 = tpu.memref_slice %arg14[%add3A_572] : memref<163840xf32, #tpu.memory_space<vmem_shared>> -> memref<640xf32, #tpu.memory_space<vmem_shared>>
    tpu.wait_dma2 semaphore(%arg16 : memref<!tpu.dma_semaphore, #tpu.memory_space<semaphore_mem>>) src(%dma_wait3A_678 : memref<640xf32, #tpu.memory_space<vmem_shared>>) dst(%dma_wait3A_677 : memref<640xf32, #tpu.memory_space<vmem>>)
    %dma_wait3A_679 = arith.constant 7040 : i32
    %dma_wait3A_680 = tpu.memref_slice %arg12[%dma_wait3A_679] : memref<10240xf32, #tpu.memory_space<vmem>> -> memref<640xf32, #tpu.memory_space<vmem>>
    %dma_wait3A_681 = tpu.memref_slice %arg14[%add3A_580] : memref<163840xf32, #tpu.memory_space<vmem_shared>> -> memref<640xf32, #tpu.memory_space<vmem_shared>>
    %dma_wait3A_682 = arith.constant 7040 : i32
    %dma_wait3A_683 = tpu.memref_slice %arg12[%dma_wait3A_682] : memref<10240xf32, #tpu.memory_space<vmem>> -> memref<640xf32, #tpu.memory_space<vmem>>
    %dma_wait3A_684 = tpu.memref_slice %arg14[%add3A_580] : memref<163840xf32, #tpu.memory_space<vmem_shared>> -> memref<640xf32, #tpu.memory_space<vmem_shared>>
    tpu.wait_dma2 semaphore(%arg16 : memref<!tpu.dma_semaphore, #tpu.memory_space<semaphore_mem>>) src(%dma_wait3A_684 : memref<640xf32, #tpu.memory_space<vmem_shared>>) dst(%dma_wait3A_683 : memref<640xf32, #tpu.memory_space<vmem>>)
    %dma_wait3A_685 = arith.constant 7680 : i32
    %dma_wait3A_686 = tpu.memref_slice %arg12[%dma_wait3A_685] : memref<10240xf32, #tpu.memory_space<vmem>> -> memref<640xf32, #tpu.memory_space<vmem>>
    %dma_wait3A_687 = tpu.memref_slice %arg14[%add3A_588] : memref<163840xf32, #tpu.memory_space<vmem_shared>> -> memref<640xf32, #tpu.memory_space<vmem_shared>>
    %dma_wait3A_688 = arith.constant 7680 : i32
    %dma_wait3A_689 = tpu.memref_slice %arg12[%dma_wait3A_688] : memref<10240xf32, #tpu.memory_space<vmem>> -> memref<640xf32, #tpu.memory_space<vmem>>
    %dma_wait3A_690 = tpu.memref_slice %arg14[%add3A_588] : memref<163840xf32, #tpu.memory_space<vmem_shared>> -> memref<640xf32, #tpu.memory_space<vmem_shared>>
    tpu.wait_dma2 semaphore(%arg16 : memref<!tpu.dma_semaphore, #tpu.memory_space<semaphore_mem>>) src(%dma_wait3A_690 : memref<640xf32, #tpu.memory_space<vmem_shared>>) dst(%dma_wait3A_689 : memref<640xf32, #tpu.memory_space<vmem>>)
    %dma_wait3A_691 = arith.constant 8320 : i32
    %dma_wait3A_692 = tpu.memref_slice %arg12[%dma_wait3A_691] : memref<10240xf32, #tpu.memory_space<vmem>> -> memref<640xf32, #tpu.memory_space<vmem>>
    %dma_wait3A_693 = tpu.memref_slice %arg14[%add3A_596] : memref<163840xf32, #tpu.memory_space<vmem_shared>> -> memref<640xf32, #tpu.memory_space<vmem_shared>>
    %dma_wait3A_694 = arith.constant 8320 : i32
    %dma_wait3A_695 = tpu.memref_slice %arg12[%dma_wait3A_694] : memref<10240xf32, #tpu.memory_space<vmem>> -> memref<640xf32, #tpu.memory_space<vmem>>
    %dma_wait3A_696 = tpu.memref_slice %arg14[%add3A_596] : memref<163840xf32, #tpu.memory_space<vmem_shared>> -> memref<640xf32, #tpu.memory_space<vmem_shared>>
    tpu.wait_dma2 semaphore(%arg16 : memref<!tpu.dma_semaphore, #tpu.memory_space<semaphore_mem>>) src(%dma_wait3A_696 : memref<640xf32, #tpu.memory_space<vmem_shared>>) dst(%dma_wait3A_695 : memref<640xf32, #tpu.memory_space<vmem>>)
    %dma_wait3A_697 = arith.constant 8960 : i32
    %dma_wait3A_698 = tpu.memref_slice %arg12[%dma_wait3A_697] : memref<10240xf32, #tpu.memory_space<vmem>> -> memref<640xf32, #tpu.memory_space<vmem>>
    %dma_wait3A_699 = tpu.memref_slice %arg14[%add3A_604] : memref<163840xf32, #tpu.memory_space<vmem_shared>> -> memref<640xf32, #tpu.memory_space<vmem_shared>>
    %dma_wait3A_700 = arith.constant 8960 : i32
    %dma_wait3A_701 = tpu.memref_slice %arg12[%dma_wait3A_700] : memref<10240xf32, #tpu.memory_space<vmem>> -> memref<640xf32, #tpu.memory_space<vmem>>
    %dma_wait3A_702 = tpu.memref_slice %arg14[%add3A_604] : memref<163840xf32, #tpu.memory_space<vmem_shared>> -> memref<640xf32, #tpu.memory_space<vmem_shared>>
    tpu.wait_dma2 semaphore(%arg16 : memref<!tpu.dma_semaphore, #tpu.memory_space<semaphore_mem>>) src(%dma_wait3A_702 : memref<640xf32, #tpu.memory_space<vmem_shared>>) dst(%dma_wait3A_701 : memref<640xf32, #tpu.memory_space<vmem>>)
    %dma_wait3A_703 = arith.constant 9600 : i32
    %dma_wait3A_704 = tpu.memref_slice %arg12[%dma_wait3A_703] : memref<10240xf32, #tpu.memory_space<vmem>> -> memref<640xf32, #tpu.memory_space<vmem>>
    %dma_wait3A_705 = tpu.memref_slice %arg14[%add3A_612] : memref<163840xf32, #tpu.memory_space<vmem_shared>> -> memref<640xf32, #tpu.memory_space<vmem_shared>>
    %dma_wait3A_706 = arith.constant 9600 : i32
    %dma_wait3A_707 = tpu.memref_slice %arg12[%dma_wait3A_706] : memref<10240xf32, #tpu.memory_space<vmem>> -> memref<640xf32, #tpu.memory_space<vmem>>
    %dma_wait3A_708 = tpu.memref_slice %arg14[%add3A_612] : memref<163840xf32, #tpu.memory_space<vmem_shared>> -> memref<640xf32, #tpu.memory_space<vmem_shared>>
    tpu.wait_dma2 semaphore(%arg16 : memref<!tpu.dma_semaphore, #tpu.memory_space<semaphore_mem>>) src(%dma_wait3A_708 : memref<640xf32, #tpu.memory_space<vmem_shared>>) dst(%dma_wait3A_707 : memref<640xf32, #tpu.memory_space<vmem>>)
    %scan3A_709 = arith.constant 0 : i32
    %scan3A_710 = arith.constant 0 : i32
    %scan3A_711 = arith.constant 40 : i32
    %scan3A_712 = arith.addi %scan3A_710, %scan3A_711 : i32
    %scan3A_713 = arith.constant 1 : i32
    %scan3A_714 = scf.for %scan3A_722 = %scan3A_710 to %scan3A_712 step %scan3A_713 iter_args(%scan3A_723 = %scan3A_709) -> (i32)  : i32 {
      %mul3A_724 = arith.constant 16 : i32
      %mul3A_725 = arith.muli %scan3A_722, %mul3A_724 : i32
      %get3A = arith.index_cast %mul3A_725 : i32 to index
      %get3A_726 = tpu.vector_load %arg13[%get3A] {strides = array<i32>} : memref<640xf32, #tpu.memory_space<vmem>>, vector<16xf32>,
      %mul3A_727 = arith.constant 16 : i32
      %mul3A_728 = arith.muli %scan3A_722, %mul3A_727 : i32
      %add3A_729 = arith.constant 640 : i32
      %add3A_730 = arith.addi %add3A_729, %mul3A_728 : i32
      %get3A_731 = arith.index_cast %add3A_730 : i32 to index
      %get3A_732 = tpu.vector_load %arg12[%get3A_731] {strides = array<i32>} : memref<10240xf32, #tpu.memory_space<vmem>>, vector<16xf32>,
      %add3A_733 = arith.addf %get3A_726, %get3A_732 : vector<16xf32>
      %mul3A_734 = arith.constant 16 : i32
      %mul3A_735 = arith.muli %scan3A_722, %mul3A_734 : i32
      %add3A_736 = arith.constant 1280 : i32
      %add3A_737 = arith.addi %add3A_736, %mul3A_735 : i32
      %get3A_738 = arith.index_cast %add3A_737 : i32 to index
      %get3A_739 = tpu.vector_load %arg12[%get3A_738] {strides = array<i32>} : memref<10240xf32, #tpu.memory_space<vmem>>, vector<16xf32>,
      %add3A_740 = arith.addf %add3A_733, %get3A_739 : vector<16xf32>
      %mul3A_741 = arith.constant 16 : i32
      %mul3A_742 = arith.muli %scan3A_722, %mul3A_741 : i32
      %add3A_743 = arith.constant 1920 : i32
      %add3A_744 = arith.addi %add3A_743, %mul3A_742 : i32
      %get3A_745 = arith.index_cast %add3A_744 : i32 to index
      %get3A_746 = tpu.vector_load %arg12[%get3A_745] {strides = array<i32>} : memref<10240xf32, #tpu.memory_space<vmem>>, vector<16xf32>,
      %add3A_747 = arith.addf %add3A_740, %get3A_746 : vector<16xf32>
      %mul3A_748 = arith.constant 16 : i32
      %mul3A_749 = arith.muli %scan3A_722, %mul3A_748 : i32
      %add3A_750 = arith.constant 2560 : i32
      %add3A_751 = arith.addi %add3A_750, %mul3A_749 : i32
      %get3A_752 = arith.index_cast %add3A_751 : i32 to index
      %get3A_753 = tpu.vector_load %arg12[%get3A_752] {strides = array<i32>} : memref<10240xf32, #tpu.memory_space<vmem>>, vector<16xf32>,
      %add3A_754 = arith.addf %add3A_747, %get3A_753 : vector<16xf32>
      %mul3A_755 = arith.constant 16 : i32
      %mul3A_756 = arith.muli %scan3A_722, %mul3A_755 : i32
      %add3A_757 = arith.constant 3200 : i32
      %add3A_758 = arith.addi %add3A_757, %mul3A_756 : i32
      %get3A_759 = arith.index_cast %add3A_758 : i32 to index
      %get3A_760 = tpu.vector_load %arg12[%get3A_759] {strides = array<i32>} : memref<10240xf32, #tpu.memory_space<vmem>>, vector<16xf32>,
      %add3A_761 = arith.addf %add3A_754, %get3A_760 : vector<16xf32>
      %mul3A_762 = arith.constant 16 : i32
      %mul3A_763 = arith.muli %scan3A_722, %mul3A_762 : i32
      %add3A_764 = arith.constant 3840 : i32
      %add3A_765 = arith.addi %add3A_764, %mul3A_763 : i32
      %get3A_766 = arith.index_cast %add3A_765 : i32 to index
      %get3A_767 = tpu.vector_load %arg12[%get3A_766] {strides = array<i32>} : memref<10240xf32, #tpu.memory_space<vmem>>, vector<16xf32>,
      %add3A_768 = arith.addf %add3A_761, %get3A_767 : vector<16xf32>
      %mul3A_769 = arith.constant 16 : i32
      %mul3A_770 = arith.muli %scan3A_722, %mul3A_769 : i32
      %add3A_771 = arith.constant 4480 : i32
      %add3A_772 = arith.addi %add3A_771, %mul3A_770 : i32
      %get3A_773 = arith.index_cast %add3A_772 : i32 to index
      %get3A_774 = tpu.vector_load %arg12[%get3A_773] {strides = array<i32>} : memref<10240xf32, #tpu.memory_space<vmem>>, vector<16xf32>,
      %add3A_775 = arith.addf %add3A_768, %get3A_774 : vector<16xf32>
      %mul3A_776 = arith.constant 16 : i32
      %mul3A_777 = arith.muli %scan3A_722, %mul3A_776 : i32
      %add3A_778 = arith.constant 5120 : i32
      %add3A_779 = arith.addi %add3A_778, %mul3A_777 : i32
      %get3A_780 = arith.index_cast %add3A_779 : i32 to index
      %get3A_781 = tpu.vector_load %arg12[%get3A_780] {strides = array<i32>} : memref<10240xf32, #tpu.memory_space<vmem>>, vector<16xf32>,
      %add3A_782 = arith.addf %add3A_775, %get3A_781 : vector<16xf32>
      %mul3A_783 = arith.constant 16 : i32
      %mul3A_784 = arith.muli %scan3A_722, %mul3A_783 : i32
      %add3A_785 = arith.constant 5760 : i32
      %add3A_786 = arith.addi %add3A_785, %mul3A_784 : i32
      %get3A_787 = arith.index_cast %add3A_786 : i32 to index
      %get3A_788 = tpu.vector_load %arg12[%get3A_787] {strides = array<i32>} : memref<10240xf32, #tpu.memory_space<vmem>>, vector<16xf32>,
      %add3A_789 = arith.addf %add3A_782, %get3A_788 : vector<16xf32>
      %mul3A_790 = arith.constant 16 : i32
      %mul3A_791 = arith.muli %scan3A_722, %mul3A_790 : i32
      %add3A_792 = arith.constant 6400 : i32
      %add3A_793 = arith.addi %add3A_792, %mul3A_791 : i32
      %get3A_794 = arith.index_cast %add3A_793 : i32 to index
      %get3A_795 = tpu.vector_load %arg12[%get3A_794] {strides = array<i32>} : memref<10240xf32, #tpu.memory_space<vmem>>, vector<16xf32>,
      %add3A_796 = arith.addf %add3A_789, %get3A_795 : vector<16xf32>
      %mul3A_797 = arith.constant 16 : i32
      %mul3A_798 = arith.muli %scan3A_722, %mul3A_797 : i32
      %add3A_799 = arith.constant 7040 : i32
      %add3A_800 = arith.addi %add3A_799, %mul3A_798 : i32
      %get3A_801 = arith.index_cast %add3A_800 : i32 to index
      %get3A_802 = tpu.vector_load %arg12[%get3A_801] {strides = array<i32>} : memref<10240xf32, #tpu.memory_space<vmem>>, vector<16xf32>,
      %add3A_803 = arith.addf %add3A_796, %get3A_802 : vector<16xf32>
      %mul3A_804 = arith.constant 16 : i32
      %mul3A_805 = arith.muli %scan3A_722, %mul3A_804 : i32
      %add3A_806 = arith.constant 7680 : i32
      %add3A_807 = arith.addi %add3A_806, %mul3A_805 : i32
      %get3A_808 = arith.index_cast %add3A_807 : i32 to index
      %get3A_809 = tpu.vector_load %arg12[%get3A_808] {strides = array<i32>} : memref<10240xf32, #tpu.memory_space<vmem>>, vector<16xf32>,
      %add3A_810 = arith.addf %add3A_803, %get3A_809 : vector<16xf32>
      %mul3A_811 = arith.constant 16 : i32
      %mul3A_812 = arith.muli %scan3A_722, %mul3A_811 : i32
      %add3A_813 = arith.constant 8320 : i32
      %add3A_814 = arith.addi %add3A_813, %mul3A_812 : i32
      %get3A_815 = arith.index_cast %add3A_814 : i32 to index
      %get3A_816 = tpu.vector_load %arg12[%get3A_815] {strides = array<i32>} : memref<10240xf32, #tpu.memory_space<vmem>>, vector<16xf32>,
      %add3A_817 = arith.addf %add3A_810, %get3A_816 : vector<16xf32>
      %mul3A_818 = arith.constant 16 : i32
      %mul3A_819 = arith.muli %scan3A_722, %mul3A_818 : i32
      %add3A_820 = arith.constant 8960 : i32
      %add3A_821 = arith.addi %add3A_820, %mul3A_819 : i32
      %get3A_822 = arith.index_cast %add3A_821 : i32 to index
      %get3A_823 = tpu.vector_load %arg12[%get3A_822] {strides = array<i32>} : memref<10240xf32, #tpu.memory_space<vmem>>, vector<16xf32>,
      %add3A_824 = arith.addf %add3A_817, %get3A_823 : vector<16xf32>
      %mul3A_825 = arith.constant 16 : i32
      %mul3A_826 = arith.muli %scan3A_722, %mul3A_825 : i32
      %add3A_827 = arith.constant 9600 : i32
      %add3A_828 = arith.addi %add3A_827, %mul3A_826 : i32
      %get3A_829 = arith.index_cast %add3A_828 : i32 to index
      %get3A_830 = tpu.vector_load %arg12[%get3A_829] {strides = array<i32>} : memref<10240xf32, #tpu.memory_space<vmem>>, vector<16xf32>,
      %add3A_831 = arith.addf %add3A_824, %get3A_830 : vector<16xf32>
      %mul3A_832 = arith.constant 16 : i32
      %mul3A_833 = arith.muli %scan3A_722, %mul3A_832 : i32
      %swap3A_834 = arith.index_cast %mul3A_833 : i32 to index
      %swap3A_835 = tpu.vector_load %arg13[%swap3A_834] {strides = array<i32>} : memref<640xf32, #tpu.memory_space<vmem>>, vector<16xf32>,
      tpu.vector_store %arg13[%swap3A_834], %add3A_831 {strides = array<i32>} : memref<640xf32, #tpu.memory_space<vmem>>, vector<16xf32>,
      %scan3A_836 = arith.constant 0 : i32
      scf.yield %scan3A_836 : i32
    }
    %scan3A_715 = arith.constant 40 : i32
    %mul3A_716 = arith.constant 30720 : i32
    %mul3A_717 = arith.muli %arg0, %mul3A_716 : i32
    %add3A_718 = arith.constant 20480 : i32
    %add3A_719 = arith.addi %mul3A_717, %add3A_718 : i32
    %add3A_720 = arith.addi %add3A_719, %mul3A_498 : i32
    "tpu.region"() ({
      %run_scoped3A = tpu.sem_alloc : memref<!tpu.dma_semaphore, #tpu.memory_space<semaphore_mem>>
      %dma_start3A_722 = tpu.memref_slice %arg4[%add3A_720] : memref<61440xf32, #tpu.memory_space<hbm>> -> memref<640xf32, #tpu.memory_space<hbm>>
      %dma_start3A_723 = tpu.memref_slice %arg4[%add3A_720] : memref<61440xf32, #tpu.memory_space<hbm>> -> memref<640xf32, #tpu.memory_space<hbm>>
      tpu.enqueue_dma source(%arg13 : memref<640xf32, #tpu.memory_space<vmem>>) target(%dma_start3A_723 : memref<640xf32, #tpu.memory_space<hbm>>) target_semaphore(%run_scoped3A : memref<!tpu.dma_semaphore, #tpu.memory_space<semaphore_mem>>)
      %dma_wait3A_724 = tpu.memref_slice %arg4[%add3A_720] : memref<61440xf32, #tpu.memory_space<hbm>> -> memref<640xf32, #tpu.memory_space<hbm>>
      %dma_wait3A_725 = tpu.memref_slice %arg4[%add3A_720] : memref<61440xf32, #tpu.memory_space<hbm>> -> memref<640xf32, #tpu.memory_space<hbm>>
      tpu.wait_dma2 semaphore(%run_scoped3A : memref<!tpu.dma_semaphore, #tpu.memory_space<semaphore_mem>>) src(%arg13 : memref<640xf32, #tpu.memory_space<vmem>>) dst(%dma_wait3A_725 : memref<640xf32, #tpu.memory_space<hbm>>)
      tpu.yield
    }) : () -> ()
    %barrier3A_721 = arith.constant 0 : index
    tpu.barrier barrier_id(%barrier3A_721)
    "tpu.trace_stop"() : () -> ()
    return
  }
}

module attributes {stable_mosaic.version = 14 : i64} {
  func.func @_tc_body(%arg0: memref<2x240x128xf32, #tpu.memory_space<vmem>>, %arg1: memref<4x128xf32, #tpu.memory_space<vmem>>, %arg2: memref<240x128xf32, #tpu.memory_space<vmem>>, %arg3: memref<1x1xf32, #tpu.memory_space<smem>>) attributes {dimension_semantics = [], scalar_prefetch = 0 : i64, scratch_operands = 0 : i64, tpu.core_type = #tpu.core_type<tc>} {
    %get3A = arith.constant 0 : index
    %get3A_0 = arith.constant 0 : index
    %get3A_1 = arith.constant 0 : index
    %get3A_2 = vector.load %arg0[%get3A, %get3A_0, %get3A_1] : memref<2x240x128xf32, #tpu.memory_space<vmem>>, vector<1x240x128xf32>
    %get3A_3 = vector.shape_cast %get3A_2 : vector<1x240x128xf32> to vector<240x128xf32>
    %get3A_4 = arith.constant 1 : index
    %get3A_5 = arith.constant 0 : index
    %get3A_6 = arith.constant 0 : index
    %get3A_7 = vector.load %arg0[%get3A_4, %get3A_5, %get3A_6] : memref<2x240x128xf32, #tpu.memory_space<vmem>>, vector<1x240x128xf32>
    %get3A_8 = vector.shape_cast %get3A_7 : vector<1x240x128xf32> to vector<240x128xf32>
    %add3A = arith.addf %get3A_3, %get3A_8 : vector<240x128xf32>
    %swap3A = arith.constant 0 : index
    %swap3A_9 = arith.constant 0 : index
    %swap3A_10 = vector.load %arg2[%swap3A, %swap3A_9] : memref<240x128xf32, #tpu.memory_space<vmem>>, vector<240x128xf32>
    tpu.vector_store %arg2[%swap3A, %swap3A_9], %add3A {strides = array<i32>} : memref<240x128xf32, #tpu.memory_space<vmem>>, vector<240x128xf32>,
    %get3A_11 = arith.constant 0 : index
    %get3A_12 = arith.constant 0 : index
    %get3A_13 = vector.load %arg1[%get3A_11, %get3A_12] : memref<4x128xf32, #tpu.memory_space<vmem>>, vector<4x128xf32>
    %reduce_sum3A = vector.shape_cast %get3A_13 : vector<4x128xf32> to vector<1x4x128xf32>
    %reduce_sum3A_14 = arith.constant dense<0.000000e+00> : vector<1xf32>
    %reduce_sum3A_15 = vector.multi_reduction <add>, %reduce_sum3A, %reduce_sum3A_14 [1, 2] : vector<1x4x128xf32> to vector<1xf32>
    %reduce_sum3A_16 = vector.shape_cast %reduce_sum3A_15 : vector<1xf32> to vector<1x1x1xf32>
    %reduce_sum3A_17 = vector.extract %reduce_sum3A_16[0, 0, 0] : f32 from vector<1x1x1xf32>
    %mul3A = arith.constant 5.000000e-01 : f32
    %mul3A_18 = arith.mulf %mul3A, %reduce_sum3A_17 : f32
    %swap3A_19 = arith.constant 0 : index
    %swap3A_20 = arith.constant 0 : index
    %swap3A_21 = memref.load %arg3[%swap3A_19, %swap3A_20] : memref<1x1xf32, #tpu.memory_space<smem>>
    memref.store %mul3A_18, %arg3[%swap3A_19, %swap3A_20] : memref<1x1xf32, #tpu.memory_space<smem>>
    return
  }
}

</mosaic_0001>

<sc_bundles>
// kernel: kernel.4.cloned.1.call-start
scs
__scs_entry_jumppad:
0x0: {  	(pc) =	sbr.rel $0x88, $3  }
0x1: {  	(tag) =	ssettag $0x0;
	lr =	simm.s32 $0x1  }
0x2: {  	[smem:$0x3F9F] =	sst lr;
	_ =	strace $0xD0000000  }
0x3: {  	_ = 	snop  }
0x4: {  	_ = 	snop  }
0x5: {  	_ = 	snop  }
0x6: {  	_ = 	snop  }
0x7: {  	_ = 	snop  }
__scs_overlays_trampoline_lowered:
0x8: {  	[smem:$0x3FAE] =	sst s0  }
0x9: {  	[smem:$0x3FAF] =	sst s1  }
0xa: {  	[smem:$0x3FB0] =	sst s2  }
0xb: {  	[smem:$0x3FB1] =	sst s3  }
0xc: {  	[smem:$0x3FB2] =	sst s4  }
0xd: {  	[smem:$0x3FB3] =	sst s5  }
0xe: {  	[smem:$0x3FB4] =	sst s6  }
0xf: {  	[smem:$0x3FB5] =	sst s7  }
0x10: {  	[smem:$0x3FB6] =	sst s8  }
0x11: {  	[smem:$0x3FB7] =	sst s9;
	s0 =	simm.s32 @!p0 $0x0  }
0x12: {  	s1 =	sld [smem:$0x3F9D];
	s0 =	simm.s32 @p0 $0x1  }
0x13: {  	[smem:$0x3FB8] =	sst s0;
	s0 =	simm.s32 @!p1 $0x0  }
0x14: {  	s2 =	sld [smem:$0x3F9C];
	s0 =	simm.s32 @p1 $0x1  }
0x15: {  	[smem:$0x3FB9] =	sst s0;
	s0 =	simm.s32 @!p2 $0x0  }
0x16: {  	s3 =	sld [smem:$0x3FDB];
	s0 =	simm.s32 @p2 $0x1  }
0x17: {  	s4 =	simm.s32 $0x1BF5;
	[smem:$0x3FBB] =	sst s0  }
0x18: {  	s0 =	sld [smem:$0x3F9E];
	_ =	swait.ge [sflag:s4], $0x0  }
0x19: {  	s7 =	sld [smem:$0x3F9F]  }
0x1a: {  	s8 =	sadd.s32 $0xFFFFE003, lr  }
0x1b: {  	s9 =	sadd.s32 $0xFFFFFEF7, lr;
	s5 =	simm.s32 $0xFFFFFFFF;
	p2 =	slt.u32 s8, $0xFFFFF086  }
0x1c: {  	p1 =	slt.u32 s9, $0xF7A;
	s5 =	simm.s32 @!p2 $0x0  }
0x1d: {  	s5 =	simm.s32 @p1 $0x1;
	p0 =	seq.s32 s7, s2  }
0x1e: {  	s7 =	smul.u32 @!p0 $0xF7A, s2;
	p2 =	seq.s32 @!p0 s5, $0x0  }
0x1f: {  	s9 =	smul.u32 $0xF7A, s1;
	s8 =	simm.s32 @!p0 $0x1BF5;
	p2 =	por !p2, p0  }
0x20: {  	[sflag:s8] =	ssyncset.s32 @!p0 $0xFFFFF086;
	s6 =	sadd.s32 @!p0 s3, s7;
	s7 =	simm.s32 @!p0 $0x108  }
0x21: {  	s3 =	sadd.s32 s3, s9;
	s6 =	sadd.s32 @!p0 $0x88, s6;
	s7 =	simm.s32 @p2 $0x1082  }
0x22: {  	[simem:s7], [sflag:s8] =	dma.local @!p0 [hbm:s6], $0xF7A  }
0x23: {  	s9 =	sor.u32 $0xD0000000, s2;
	s6 =	simm.s32 $0x108;
	_ =	swait.ge @!p0 [sflag:s8], $0x0  }
0x24: {  	s3 =	sadd.s32 $0x88, s3;
	s6 =	simm.s32 @!p1 $0x1082;
	[sflag:s4] =	ssyncset.s32 $0xFFFFF086  }
0x25: {  	[simem:s6], [sflag:s4] =	dma.local [hbm:s3], $0xF7A  }
0x26: {  	[smem:$0x3F9F] =	sst s1;
	(tag) =	ssettag s2;
	_ =	strace s9  }
0x27: {  	s1 =	sld [smem:$0x3FAF]  }
0x28: {  	s2 =	sld [smem:$0x3FB0]  }
0x29: {  	s4 =	sld [smem:$0x3FB2]  }
0x2a: {  	p0 =	seq.s32 s5, $0x0;
	s5 =	sld [smem:$0x3FB3]  }
0x2b: {  	s6 =	sld [smem:$0x3FB4]  }
0x2c: {  	s7 =	sld [smem:$0x3FB5]  }
0x2d: {  	s3 =	simm.s32 $0x108;
	s8 =	sld [smem:$0x3FB6]  }
0x2e: {  	s3 =	simm.s32 @!p0 $0x1082;
	s9 =	sld [smem:$0x3FB7]  }
0x2f: {  	lr =	sadd.s32 s0, s3;
	s0 =	sld [smem:$0x3FAE]  }
0x30: {  	s3 =	sld [smem:$0x3FB1]  }
0x31: {  	[smem:$0x3FBA] =	sst s10  }
0x32: {  	s10 =	sld [smem:$0x3FB8];
	_ =	sdelay $0x3  }
0x33: {  	p0 =	seq.s32 s10, $0x1;
	s10 =	sld [smem:$0x3FBA];
	_ =	sdelay $0x3  }
0x34: {  	[smem:$0x3FBA] =	sst s10  }
0x35: {  	s10 =	sld [smem:$0x3FB9];
	_ =	sdelay $0x3  }
0x36: {  	p1 =	seq.s32 s10, $0x1;
	s10 =	sld [smem:$0x3FBA];
	_ =	sdelay $0x3  }
0x37: {  	[smem:$0x3FBA] =	sst s10  }
0x38: {  	s10 =	sld [smem:$0x3FBB]  }
0x39: {  	_ = 	snop;
	(pc) =	sbr.ind lr, $3  }
0x3a: {  	_ = 	snop  }
0x3b: {  	_ = 	snop  }
0x3c: {  	p2 =	seq.s32 s10, $0x1;
	s10 =	sld [smem:$0x3FBA]  }
0x3d: {  	_ =	shalt  }
0x3e: {  	_ =	shalt  }
0x3f: {  	_ =	shalt  }
0x40: {  	_ =	shalt  }
0x41: {  	_ =	shalt  }
0x42: {  	_ =	shalt  }
0x43: {  	_ =	shalt  }
0x44: {  	_ =	shalt  }
0x45: {  	_ =	shalt  }
0x46: {  	_ =	shalt  }
0x47: {  	_ =	shalt  }
0x48: {  	_ =	shalt  }
0x49: {  	_ =	shalt  }
0x4a: {  	_ =	shalt  }
0x4b: {  	_ =	shalt  }
0x4c: {  	_ =	shalt  }
0x4d: {  	_ =	shalt  }
0x4e: {  	_ =	shalt  }
0x4f: {  	_ =	shalt  }
0x50: {  	_ =	shalt  }
0x51: {  	_ =	shalt  }
0x52: {  	_ =	shalt  }
0x53: {  	_ =	shalt  }
0x54: {  	_ =	shalt  }
0x55: {  	_ =	shalt  }
0x56: {  	_ =	shalt  }
0x57: {  	_ =	shalt  }
0x58: {  	_ =	shalt  }
0x59: {  	_ =	shalt  }
0x5a: {  	_ =	shalt  }
0x5b: {  	_ =	shalt  }
0x5c: {  	_ =	shalt  }
0x5d: {  	_ =	shalt  }
0x5e: {  	_ =	shalt  }
0x5f: {  	_ =	shalt  }
0x60: {  	_ =	shalt  }
0x61: {  	_ =	shalt  }
0x62: {  	_ =	shalt  }
0x63: {  	_ =	shalt  }
0x64: {  	_ =	shalt  }
0x65: {  	_ =	shalt  }
0x66: {  	_ =	shalt  }
0x67: {  	_ =	shalt  }
0x68: {  	_ =	shalt  }
0x69: {  	_ =	shalt  }
0x6a: {  	_ =	shalt  }
0x6b: {  	_ =	shalt  }
0x6c: {  	_ =	shalt  }
0x6d: {  	_ =	shalt  }
0x6e: {  	_ =	shalt  }
0x6f: {  	_ =	shalt  }
0x70: {  	_ =	shalt  }
0x71: {  	_ =	shalt  }
0x72: {  	_ =	shalt  }
0x73: {  	_ =	shalt  }
0x74: {  	_ =	shalt  }
0x75: {  	_ =	shalt  }
0x76: {  	_ =	shalt  }
0x77: {  	_ =	shalt  }
0x78: {  	_ =	shalt  }
0x79: {  	_ =	shalt  }
0x7a: {  	_ =	shalt  }
0x7b: {  	_ =	shalt  }
0x7c: {  	_ =	shalt  }
0x7d: {  	_ =	shalt  }
0x7e: {  	_ =	shalt  }
0x7f: {  	_ =	shalt  }
0x80: {  	_ =	shalt  }
0x81: {  	_ =	shalt  }
0x82: {  	_ =	shalt  }
0x83: {  	_ =	shalt  }
0x84: {  	_ =	shalt  }
0x85: {  	_ =	shalt  }
0x86: {  	_ =	shalt  }
0x87: {  	_ =	shalt  }
.Lfunc_end0:
.L_simem_size_0:
called_computation_lowered:
.L_overlay_start_0:
0x88: {  	s2 =	sld [smem:$0x3FD9]  }
0x89: {  	s3 =	sld [smem:$0x3FFE];
	_ =	sdelay $0x1  }
0x8a: {  	s1 =	srdreg.scid  }
0x8b: {  	s0 =	sand.u32 $0x1, s1  }
0x8c: {  	s14 =	sshll.u32 s0, $0xA;
	s2 =	sadd.s32 s3, s2  }
0x8d: {  	s2 =	sadd.s32 s2, s14  }
0x8e: {  	[smem:$0x3FC6] =	sst s2  }
0x8f: {  	_ = 	snop  }
0x90: {  	s2 =	sld [smem:$0x3FD0];
	_ =	sdelay $0x2  }
0x91: {  	s4 =	simm.s32 $0xA;
	s5 =	simm.s32 $0x10;
	s15 =	sld [smem:$0x3FC8]  }
0x92: {  	[smem:s5], [sflag:s4] =	dma.local [hbm:s2], $0x1  }
0x93: {  	_ =	swait.eq [sflag:s4], $0x1  }
0x94: {  	[sflag:s4] =	ssyncset.done $0x0  }
0x95: {  	[sflag:s4] =	ssyncadd.s32 $0xFFFFFFFF  }
0x96: {  	s16 =	sld [smem:$0x11];
	(tm) =	ssettm $0x1  }
0x97: {  	s17 =	sld [smem:$0x3FFB];
	_ =	sdelay $0x3  }
0x98: {  	_ =	strace s17  }
0x99: {  	s4 =	sld [smem:$0x3FFC];
	_ =	sdelay $0x3  }
0x9a: {  	_ =	strace s4  }
0x9b: {  	s4 =	sld [smem:$0x3FFD];
	_ =	sdelay $0x3  }
0x9c: {  	_ =	strace s4  }
0x9d: {  	_ =	strace $0x8FFFFFFF  }
0x9e: {  	s18 =	sld [smem:$0x3FDB];
	_ =	sdelay $0x1  }
0x9f: {  	s19 =	simm.s32 $_scs_section_size  }
0xa0: {  	s6 =	simm.s32 $_size__tile_overlayer_lowered;
	s7 =	simm.s32 $_tile_overlayer_lowered  }
0xa1: {  	s22 =	simm.s32 $0x1BFF;
	s21 =	sshll.u32 s7, $0x1;
	s4 =	sadd.s32 s19, s18  }
0xa2: {  	s8 =	simm.s32 $0x0;
	s20 =	sshll.u32 s6, $0x1;
	s6 =	sadd.s32 s21, s4  }
0xa3: {  	[timem:s8], [sflag:s22] =	dma.local [hbm:s6], s20  }
0xa4: {  	_ =	swait.ge [sflag:s22], s20  }
0xa5: {  	s5 =	ssub.s32 $0x0, s20;
	[sflag:s22] =	ssyncset.done $0x0  }
0xa6: {  	[sflag:s22] =	ssyncadd.s32 s5;
	_ =	sdelay $0x1  }
0xa7: {  	s23 =	simm.s32 $0x1B8B  }
0xa8: {  	_ =	swait.ge [sflag:s23], $0x1  }
0xa9: {  	[sflag:s23] =	ssyncset.done $0x0  }
0xaa: {  	s25 =	simm.s32 $0x1B8E;
	s24 =	sld [smem:$0x3FFE];
	[sflag:s23] =	ssyncadd.s32 $0xFFFFFFFF  }
0xab: {  	s26 =	simm.s32 $execute0_lowered;
	[smem:$0x3FD2] =	sst s25  }
0xac: {  	s6 =	sshll.u32 s26, $0x1;
	_ =	strace $0x80000046;
	[dreg:$0x1] =	wrdreg $0xFFFFFFFF  }
0xad: {  	s28 =	simm.s32 $_size_execute0_lowered;
	s4 =	sadd.s32 s4, s6;
	[dreg:$0x0] =	wrdreg $0x0  }
0xae: {  	s6 =	sshll.u32 s28, $0x1;
	[dreg:$0x2] =	wrdreg s4  }
0xaf: {  	[dreg:$0x3] =	wrdreg s6  }
0xb0: {  	[dreg:$0x4] =	wrdreg $0xC0  }
0xb1: {  	_ =	task [dreg:s8], $0x5FFFF  }
0xb2: {  	[dreg:$0x1] =	wrdreg $0xFFFFFFFF  }
0xb3: {  	[dreg:$0x0] =	wrdreg $0x60  }
0xb4: {  	[dreg:$0x2] =	wrdreg s16  }
0xb5: {  	[dreg:$0x3] =	wrdreg s15  }
0xb6: {  	[dreg:$0x4] =	wrdreg s24  }
0xb7: {  	[dreg:$0x5] =	wrdreg $0x1B5800  }
0xb8: {  	[dreg:$0x6] =	wrdreg $0x9  }
0xb9: {  	_ =	task.clear_ibuf [dreg:s8], $0x7FFFF;
	_ =	strace $0x90000046  }
0xba: {  	s29 =	simm.s32 $0x9;
	_ =	strace $0x8000004A  }
0xbb: {  	_ =	swait.ge [sflag:s29], $0x1  }
0xbc: {  	[sflag:s29] =	ssyncadd.s32 $0xFFFFFFFF  }
0xbd: {  	_ =	strace $0x9000004A  }
0xbe: {  	_ =	sfence  }
0xbf: {  	s30 =	sld [smem:$0x0];
	_ =	sdelay $0x2  }
0xc0: {  	s31 =	sshll.u32 s1, $0xD;
	s1 =	sshrl.u32 s1, $0x2  }
0xc1: {  	s3 =	sand.u32 $0x4000, s31;
	s1 =	sadd.s32 s1, s30  }
0xc2: {  	s0 =	sor.u32 s3, s0;
	s1 =	sshll.u32 s1, $0x11  }
0xc3: {  	s0 =	sor.u32 s1, s0  }
0xc4: {  	s0 =	sadd.s32 $0x8F2B, s0  }
0xc5: {  	[sflag:s0] =	ssyncadd.remote.s32 $0x1  }
0xc6: {  	_ =	sfence.sel $0xFFFF  }
0xc7: {  	[dreg:$0x0] =	wrdreg $0xFFFFFFFF;
	(pc) =	sbr.abs _section_cstart, $3  }
0xc8: {  	[dreg:$0x1] =	wrdreg $0xFFFFFFFF  }
0xc9: {  	_ =	task.clear_ibuf [dreg:s8], $0x2FFFF;
	_ =	strace $0x9FFFFFFF  }
0xca: {  	(tm) =	ssettm $0x7FFFFFFF  }
0xcb: {  	_ =	shalt  }
tec
execute0_lowered:
.L_overlay_start_1:
0x0: {  	(tag) =	ssettag $0x1  }
0x1: {  	s0 =	rddreg [dreg:$0x1];
	s1 =	srdreg.scid  }
0x2: {  	s10 =	stileid.u32;
	s2 =	rddreg [dreg:$0x2]  }
0x3: {  	s5 =	rddreg [dreg:$0x3];
	s3 =	simm.s32 $0x0;
	s24 =	simm.s32 $0x4E00  }
0x4: {  	s29 =	simm.s32 $0x1;
	s30 =	simm.s32 $0x11280;
	s31 =	simm.s32 $0x13A80  }
0x5: {  	s28 =	simm.s32 $0x0;
	s1 =	sand.u32 $0x1, s1;
	s4 =	smul.u32 $0x280, s10  }
0x6: {  	s7 =	sshll.u32 s10, $0x1;
	[smem:$0x7FF] =	sst s3;
	s18 =	smul.u32 $0xA000, s10  }
0x7: {  	p0 =	slt.u32 s10, $0xC;
	s6 =	smul.u32 $0x7800, s1;
	s7 =	sor.u32 s1, s7  }
0x8: {  	v0 =	vlaneseq.u32;
	_ =	strace $0x80000047;
	s1 =	ssub.s32 $0x2, s1;
	s8 =	smul.u32 $0x9D, s7  }
0x9: {  	v0 =	vmul.u32 $0xFFFFFFFF, v0;
	s24 =	simm.s32 @!p0 $0x4E80;
	s9 =	smul.u32 $0x9C, s7;
	s7 =	sshll.u32 s7, $0x1  }
0xa: {  	s17 =	sshrl.u32 s1, $0x1;
	s20 =	sshrl.u32 s18, $0x2;
	s6 =	sadd.s32 s4, s6  }
0xb: {  	v0 =	vadd.s32 s24, v0;
	s24 =	simm.s32 $0x2;
	s1 =	ssub.s32 s1, s17;
	s6 =	sshrl.u32 s6, $0x3  }
0xc: {  	s26 =	smax.u32 s1, $0x1;
	s1 =	simm.s32 $0x3;
	s21 =	sadd.s32 s6, s2  }
0xd: {  	s6 =	sadd.s32 $0xFFFFE8, s8;
	s2 =	sadd.s32 s7, s2;
	s7 =	sadd.s32 s20, s5  }
0xe: {  	[dreg:$0xa] =	wrdreg s26;
	s6 =	smov.u32 @p0 s9;
	s19 =	sadd.s32 $0x2E00, s2  }
0xf: {  	s22 =	sadd.s32 $0x1000, s21;
	s23 =	sadd.s32 $0x1500, s21;
	[dreg:$0x6] =	wrdreg s19  }
0x10: {  	s25 =	sadd.s32 $0x1A00, s21;
	s6 =	sshll.u32 s6, $0x5;
	[dreg:$0x7] =	wrdreg s22  }
0x11: {  	s2 =	simm.s32 $0x16280;
	[dreg:$0x8] =	wrdreg s23;
	s6 =	sand.u32 $0x1FFFFFE0, s6  }
0x12: {  	[dreg:$0x9] =	wrdreg s25;
	s22 =	simm.s32 $0x1AE00;
	s0 =	sadd.s32 s0, s6  }
0x13: {  	s23 =	simm.s32 $0x1B080;
	s6 =	sadd.s32 s4, s5;
	[dreg:$0x5] =	wrdreg s0  }
0x14: {  	s8 =	sadd.s32 $0x2800, s6;
	s9 =	sadd.s32 $0x5000, s6;
	s10 =	sadd.s32 $0x7800, s6  }
0x15: {  	s11 =	sadd.s32 $0xA000, s6;
	s12 =	sadd.s32 $0xC800, s6;
	s13 =	sadd.s32 $0xF000, s6  }
0x16: {  	s14 =	sadd.s32 $0x11800, s6;
	s15 =	sadd.s32 $0x14000, s6;
	s16 =	sadd.s32 $0x16800, s6  }
0x17: {  	s17 =	sadd.s32 $0x19000, s6;
	s18 =	sadd.s32 $0x1B800, s6;
	s19 =	sadd.s32 $0x1E000, s6  }
0x18: {  	v1 =	vimm.f32 $0.0e+00;
	s20 =	sadd.s32 $0x20800, s6;
	s25 =	sadd.s32 $0x23000, s6;
	s26 =	sadd.s32 $0x25800, s6  }
.LBB2_1:
0x19: {  	s0 =	rddreg [dreg:$0x0]  }
0x1a: {  	[tilespmem:s3], [sflag:$0x1] =	stream.linear.gather [hbm4b:s0+s3], $0x7580, $0x38;
	[tilespmem:$0x1DD80] =	vst v63  }
0x1b: {  	s21 =	rddreg [dreg:$0x5];
	s4 =	simm.s32 $0x7580  }
0x1c: {  	[tilespmem:s4], [sflag:$0x1] =	stream.linear.gather [hbm4b:s21+s3], $0x9D00, $0x38;
	[tilespmem:$0x1DD80] =	vst v63  }
0x1d: {  	s0 =	simm.s32 $0x0;
	s4 =	simm.s32 $0x400  }
.LBB2_2:
0x1e: {  	p0 =	sne.s32 s4, $0x9C00;
	[tilespmem:s0+$0x16370] =	vst v1  }
0x1f: {  	[tilespmem:s0+$0x11280] =	vst v1  }
0x20: {  	[tilespmem:s0+$0x11290] =	vst v1  }
0x21: {  	[tilespmem:s0+$0x112A0] =	vst v1  }
0x22: {  	[tilespmem:s0+$0x112B0] =	vst v1  }
0x23: {  	[tilespmem:s0+$0x112C0] =	vst v1  }
0x24: {  	[tilespmem:s0+$0x112D0] =	vst v1  }
0x25: {  	[tilespmem:s0+$0x112E0] =	vst v1  }
0x26: {  	[tilespmem:s0+$0x112F0] =	vst v1  }
0x27: {  	[tilespmem:s0+$0x11300] =	vst v1  }
0x28: {  	[tilespmem:s0+$0x11310] =	vst v1  }
0x29: {  	[tilespmem:s0+$0x11320] =	vst v1  }
0x2a: {  	[tilespmem:s0+$0x11330] =	vst v1  }
0x2b: {  	[tilespmem:s0+$0x11340] =	vst v1  }
0x2c: {  	[tilespmem:s0+$0x11350] =	vst v1  }
0x2d: {  	[tilespmem:s0+$0x11360] =	vst v1  }
0x2e: {  	[tilespmem:s0+$0x11370] =	vst v1  }
0x2f: {  	[tilespmem:s0+$0x13A80] =	vst v1  }
0x30: {  	[tilespmem:s0+$0x13A90] =	vst v1  }
0x31: {  	[tilespmem:s0+$0x13AA0] =	vst v1  }
0x32: {  	[tilespmem:s0+$0x13AB0] =	vst v1  }
0x33: {  	[tilespmem:s0+$0x13AC0] =	vst v1  }
0x34: {  	[tilespmem:s0+$0x13AD0] =	vst v1  }
0x35: {  	[tilespmem:s0+$0x13AE0] =	vst v1  }
0x36: {  	[tilespmem:s0+$0x13AF0] =	vst v1  }
0x37: {  	[tilespmem:s0+$0x13B00] =	vst v1  }
0x38: {  	[tilespmem:s0+$0x13B10] =	vst v1  }
0x39: {  	[tilespmem:s0+$0x13B20] =	vst v1  }
0x3a: {  	[tilespmem:s0+$0x13B30] =	vst v1  }
0x3b: {  	[tilespmem:s0+$0x13B40] =	vst v1  }
0x3c: {  	[tilespmem:s0+$0x13B50] =	vst v1  }
0x3d: {  	[tilespmem:s0+$0x13B60] =	vst v1  }
0x3e: {  	[tilespmem:s0+$0x13B70] =	vst v1  }
0x3f: {  	[tilespmem:s0+$0x16280] =	vst v1  }
0x40: {  	[tilespmem:s0+$0x16290] =	vst v1  }
0x41: {  	[tilespmem:s0+$0x162A0] =	vst v1  }
0x42: {  	[tilespmem:s0+$0x162B0] =	vst v1  }
0x43: {  	[tilespmem:s0+$0x162C0] =	vst v1  }
0x44: {  	[tilespmem:s0+$0x162D0] =	vst v1  }
0x45: {  	[tilespmem:s0+$0x162E0] =	vst v1  }
0x46: {  	[tilespmem:s0+$0x162F0] =	vst v1  }
0x47: {  	[tilespmem:s0+$0x16300] =	vst v1  }
0x48: {  	[tilespmem:s0+$0x16310] =	vst v1  }
.Ltmp0:
0x49: {  	[tilespmem:s0+$0x16320] =	vst v1;
	(pc) =	sbr.rel @p0 .LBB2_2-.Ltmp0, $4  }
0x4a: {  	[tilespmem:s0+$0x16330] =	vst v1  }
0x4b: {  	[tilespmem:s0+$0x16340] =	vst v1  }
0x4c: {  	[tilespmem:s0+$0x16350] =	vst v1  }
0x4d: {  	[tilespmem:s0+$0x16360] =	vst v1;
	s0 =	sshra.s32 s4, $0x2;
	s4 =	sadd.s32 $0x400, s4  }
0x4e: {  	[tilespmem:s0+$0x16370] =	vst v1  }
0x4f: {  	[tilespmem:s0+$0x11280] =	vst v1  }
0x50: {  	[tilespmem:s0+$0x11290] =	vst v1  }
0x51: {  	[tilespmem:s0+$0x112A0] =	vst v1  }
0x52: {  	[tilespmem:s0+$0x112B0] =	vst v1  }
0x53: {  	[tilespmem:s0+$0x112C0] =	vst v1  }
0x54: {  	[tilespmem:s0+$0x112D0] =	vst v1  }
0x55: {  	[tilespmem:s0+$0x112E0] =	vst v1  }
0x56: {  	[tilespmem:s0+$0x112F0] =	vst v1  }
0x57: {  	[tilespmem:s0+$0x11300] =	vst v1  }
0x58: {  	[tilespmem:s0+$0x11310] =	vst v1  }
0x59: {  	[tilespmem:s0+$0x11320] =	vst v1  }
0x5a: {  	[tilespmem:s0+$0x11330] =	vst v1  }
0x5b: {  	[tilespmem:s0+$0x11340] =	vst v1  }
0x5c: {  	[tilespmem:s0+$0x11350] =	vst v1  }
0x5d: {  	[tilespmem:s0+$0x11360] =	vst v1  }
0x5e: {  	[tilespmem:s0+$0x11370] =	vst v1  }
0x5f: {  	[tilespmem:s0+$0x13A80] =	vst v1  }
0x60: {  	[tilespmem:s0+$0x13A90] =	vst v1  }
0x61: {  	[tilespmem:s0+$0x13AA0] =	vst v1  }
0x62: {  	[tilespmem:s0+$0x13AB0] =	vst v1  }
0x63: {  	[tilespmem:s0+$0x13AC0] =	vst v1  }
0x64: {  	[tilespmem:s0+$0x13AD0] =	vst v1  }
0x65: {  	[tilespmem:s0+$0x13AE0] =	vst v1  }
0x66: {  	[tilespmem:s0+$0x13AF0] =	vst v1  }
0x67: {  	[tilespmem:s0+$0x13B00] =	vst v1  }
0x68: {  	[tilespmem:s0+$0x13B10] =	vst v1  }
0x69: {  	[tilespmem:s0+$0x13B20] =	vst v1  }
0x6a: {  	[tilespmem:s0+$0x13B30] =	vst v1  }
0x6b: {  	[tilespmem:s0+$0x13B40] =	vst v1  }
0x6c: {  	[tilespmem:s0+$0x13B50] =	vst v1  }
0x6d: {  	[tilespmem:s0+$0x13B60] =	vst v1  }
0x6e: {  	[tilespmem:s0+$0x13B70] =	vst v1  }
0x6f: {  	[tilespmem:s0+$0x16280] =	vst v1  }
0x70: {  	[tilespmem:s0+$0x16290] =	vst v1  }
0x71: {  	[tilespmem:s0+$0x162A0] =	vst v1  }
0x72: {  	[tilespmem:s0+$0x162B0] =	vst v1  }
0x73: {  	[tilespmem:s0+$0x162C0] =	vst v1  }
0x74: {  	[tilespmem:s0+$0x162D0] =	vst v1  }
0x75: {  	[tilespmem:s0+$0x162E0] =	vst v1  }
0x76: {  	[tilespmem:s0+$0x162F0] =	vst v1  }
0x77: {  	[tilespmem:s0+$0x16300] =	vst v1  }
0x78: {  	[tilespmem:s0+$0x16310] =	vst v1  }
0x79: {  	[tilespmem:s0+$0x16320] =	vst v1  }
0x7a: {  	[tilespmem:s0+$0x16330] =	vst v1  }
0x7b: {  	[tilespmem:s0+$0x16340] =	vst v1  }
0x7c: {  	[tilespmem:s0+$0x16350] =	vst v1  }
0x7d: {  	[tilespmem:s0+$0x16360] =	vst v1  }
0x7e: {  	_ =	swait.ge [sflag:s29], $0x7580  }
0x7f: {  	[sflag:s29] =	ssyncset.done $0x0  }
0x80: {  	[sflag:s29] =	ssyncadd.s32 $0xFFFF8A80  }
0x81: {  	_ =	swait.ge [sflag:s29], $0x9D00  }
0x82: {  	[sflag:s29] =	ssyncset.done $0x0  }
0x83: {  	s0 =	simm.s32 $0xFFFFFFF8;
	[sflag:s29] =	ssyncadd.s32 $0xFFFF6300  }
0x84: {  	v10 =	vimm.f32 $0.0e+00;
	s4 =	simm.s32 $0x70;
	s5 =	simm.s32 $0x7600;
	_ =	strace $0x80000048  }
.LBB2_4:
0x85: {  	v12 =	vld [tilespmem:s5+$0xFFFFFF80]  }
0x86: {  	v13 =	vld [tilespmem:s5+$0x0];
	_ =	sdelay $0x3  }
0x87: {  	v2 =	vmul.u32 $0x3, v12  }
0x88: {  	v4 =	vmul.u32 $0x3, v13;
	_ =	sdelay $0x1  }
0x89: {  	v3 =	vadd.s32 $0x1, v2  }
0x8a: {  	v6 =	vadd.s32 $0x1, v4  }
0x8b: {  	v9 =	vld [tilespmem:s5+$0xFFFFFF90];
	v5 =	vadd.s32 $0x2, v2  }
0x8c: {  	v7 =	vadd.s32 $0x2, v4;
	v2 =	vld.idx.msk [tilespmem:v2+s3+$0x0], $0xffff  }
0x8d: {  	v4 =	vld.idx.msk [tilespmem:v4+s3+$0x0], $0xffff  }
0x8e: {  	v3 =	vld.idx.msk [tilespmem:v3+s3+$0x0], $0xffff  }
0x8f: {  	v6 =	vld.idx.msk [tilespmem:v6+s3+$0x0], $0xffff  }
0x90: {  	v5 =	vld.idx.msk [tilespmem:v5+s3+$0x0], $0xffff  }
0x91: {  	v7 =	vld.idx.msk [tilespmem:v7+s3+$0x0], $0xffff;
	_ =	sdelay $0x2  }
0x92: {  	v8 =	vsub.f32 v4, v2;
	v11 =	vsub.f32 v6, v3  }
0x93: {  	v55 =	vmul.u32 $0x3, v9;
	v4 =	vld [tilespmem:s5+$0x10]  }
0x94: {  	v7 =	vsub.f32 v7, v5;
	v2 =	vmul.f32 v8, v8;
	v3 =	vmul.f32 v11, v11  }
0x95: {  	v56 =	vadd.s32 $0x1, v55  }
0x96: {  	v14 =	vadd.s32 $0x2, v55;
	v2 =	vadd.f32 v3, v2;
	v3 =	vmul.f32 v7, v7;
	_ =	sdelay $0x1  }
0x97: {  	v17 =	vadd.f32 v3, v2;
	v2 =	vmul.u32 $0x3, v4;
	_ =	sdelay $0x1  }
0x98: {  	v18 =	vld.idx.msk [tilespmem:v56+s3+$0x0], $0xffff  }
0x99: {  	v14 =	vld.idx.msk [tilespmem:v14+s3+$0x0], $0xffff;
	v3 =	vshrl.u32 v17, $0x1;
	v15 =	vmul.f32 $5.000000000e-01, v17;
	v16 =	vadd.s32 $0x1, v2  }
0x9a: {  	v6 =	vld [tilespmem:s5+$0xFFFFFFA0];
	v20 =	vadd.s32 $0x2, v2;
	v3 =	vsub.s32 $0x5F3759DF, v3  }
0x9b: {  	v5 =	vld.idx.msk [tilespmem:v55+s3+$0x0], $0xffff;
	v19 =	vmul.f32 v3, v15  }
0x9c: {  	v21 =	vld.idx.msk [tilespmem:v2+s3+$0x0], $0xffff  }
0x9d: {  	v19 =	vmul.f32 v3, v19;
	v2 =	vld [tilespmem:s5+$0x20]  }
0x9e: {  	v16 =	vld.idx.msk [tilespmem:v16+s3+$0x0], $0xffff  }
0x9f: {  	v57 =	vmul.u32 $0x3, v6;
	v20 =	vld.idx.msk [tilespmem:v20+s3+$0x0], $0xffff;
	v19 =	vsub.f32 $1.500000000e+00, v19;
	_ =	sdelay $0x1  }
0xa0: {  	v22 =	vadd.s32 $0x1, v57;
	v3 =	vmul.f32 v3, v19  }
0xa1: {  	v19 =	vadd.s32 $0x2, v57;
	v21 =	vsub.f32 v21, v5;
	v58 =	vmul.u32 $0x3, v2  }
0xa2: {  	s21 =	sadd.s32 $0xFFFFFF90, s4;
	v15 =	vmul.f32 v3, v15;
	v18 =	vsub.f32 v16, v18  }
0xa3: {  	v29 =	vmov s21;
	v20 =	vsub.f32 v20, v14;
	v60 =	vmul.f32 v21, v21  }
0xa4: {  	v24 =	vld.idx.msk [tilespmem:v57+s3+$0x0], $0xffff;
	v26 =	vadd.s32 $0x2, v58;
	v59 =	vmul.f32 v15, v3;
	v61 =	vmul.f32 v18, v18  }
0xa5: {  	vm1 =	vge.u32 v29, v0;
	vm0 =	vlt.f32 v17, $1.000000000e+00;
	v22 =	vld.idx.msk [tilespmem:v22+s3+$0x0], $0xffff;
	v23 =	vadd.s32 $0x1, v58  }
0xa6: {  	s21 =	sadd.s32 $0xFFFFFFA0, s4;
	v62 =	vmul.f32 v20, v20;
	v19 =	vld.idx.msk [tilespmem:v19+s3+$0x0], $0xffff;
	v5 =	vsub.f32 $1.500000000e+00, v59;
	v14 =	vadd.f32 v61, v60  }
0xa7: {  	v54 =	vmov s21;
	vm5 =	veq.f32 v17, $0.0e+00;
	vm0 =	vmneg vm0;
	v63 =	vld.idx.msk [tilespmem:v58+s3+$0x0], $0xffff  }
0xa8: {  	vm0 =	vmor vm1, vm0;
	v25 =	vmul.f32 v5, v3;
	v5 =	vld [tilespmem:s5+$0xFFFFFFB0];
	v27 =	vadd.f32 v62, v14  }
0xa9: {  	vm6 =	vge.u32 v54, v0;
	vm1 =	vmor vm5, vm0;
	v26 =	vld.idx.msk [tilespmem:v26+s3+$0x0], $0xffff  }
0xaa: {  	v3 =	vld [tilespmem:s5+$0x30];
	v34 =	vmul.f32 v25, v17;
	v35 =	vshrl.u32 v27, $0x1;
	v28 =	vmul.f32 $5.000000000e-01, v27  }
0xab: {  	v23 =	vld.idx.msk [tilespmem:v23+s3+$0x0], $0xffff;
	v25 =	vsub.f32 $1.000000000e+00, v25;
	vm7 =	vlt.f32 v27, $1.000000000e+00;
	v31 =	vsub.s32 $0x5F3759DF, v35  }
0xac: {  	vm8 =	veq.f32 v27, $0.0e+00;
	v30 =	vsub.f32 $1.000000000e+00, v34;
	v36 =	vmul.f32 v31, v28  }
0xad: {  	v16 =	vsub.f32 v63, v24;
	v25 =	vsel vm1, $0x0, v25;
	vm1 =	vmneg vm7  }
0xae: {  	v32 =	vmul.u32 $0x3, v5;
	v14 =	vsub.f32 v26, v19;
	v26 =	vmul.f32 v25, v11  }
0xaf: {  	v39 =	vmul.u32 $0x3, v3;
	v35 =	vmul.f32 v25, v7;
	v37 =	vmul.f32 $5.000000000e-01, v30  }
0xb0: {  	v15 =	vsub.f32 v23, v22;
	v7 =	vld [tilespmem:s5+$0x40];
	v33 =	vmul.f32 v31, v36;
	v42 =	vmul.f32 v16, v16  }
0xb1: {  	v38 =	vadd.s32 $0x1, v32;
	v40 =	vadd.s32 $0x2, v32;
	v29 =	vmul.f32 v37, v30  }
0xb2: {  	v43 =	vmul.f32 v15, v15;
	v45 =	vadd.s32 $0x1, v39;
	v47 =	vmul.f32 v14, v14  }
0xb3: {  	v41 =	vsub.f32 $1.500000000e+00, v33;
	v51 =	vsel vm0, $0x0, v29;
	v29 =	vmul.f32 v25, v8;
	v8 =	vld [tilespmem:s5+$0xFFFFFFC0]  }
0xb4: {  	v49 =	vadd.s32 $0x2, v39;
	v37 =	vsub.f32 $0.0e+00, v26;
	v46 =	vadd.f32 v43, v42;
	v44 =	vld.idx.msk [tilespmem:v32+s3+$0x0], $0xffff  }
0xb5: {  	v30 =	vmul.f32 v31, v41;
	v56 =	vmul.u32 $0x3, v7;
	vm0 =	vmor vm6, vm1;
	v50 =	vld.idx.msk [tilespmem:v39+s3+$0x0], $0xffff  }
0xb6: {  	v33 =	vadd.f32 v47, v46;
	v39 =	vsub.f32 $0.0e+00, v35;
	vm1 =	vmor vm8, vm0;
	v24 =	vld.idx.msk [tilespmem:v38+s3+$0x0], $0xffff  }
0xb7: {  	v48 =	vmul.f32 v30, v28;
	v23 =	vld.idx.msk [tilespmem:v40+s3+$0x0], $0xffff;
	v36 =	vsub.f32 $0.0e+00, v29;
	v58 =	vadd.s32 $0x1, v56  }
0xb8: {  	s21 =	sadd.s32 $0xFFFFFFB0, s4;
	v32 =	vld.idx.msk [tilespmem:v45+s3+$0x0], $0xffff;
	v45 =	vadd.f32 v51, v10;
	v11 =	vshrl.u32 v33, $0x1;
	v34 =	vmul.f32 $5.000000000e-01, v33  }
0xb9: {  	v38 =	vld.idx.msk [tilespmem:v49+s3+$0x0], $0xffff;
	v51 =	vmov s21;
	v52 =	vmul.f32 v48, v30;
	v11 =	vsub.s32 $0x5F3759DF, v11  }
0xba: {  	v42 =	vadd.s32 $0x2, v56;
	vm9 =	vge.u32 v51, v0;
	v53 =	vmul.f32 v11, v34  }
0xbb: {  	v10 =	vld [tilespmem:s5+$0xFFFFFFD0];
	vm10 =	vlt.f32 v33, $1.000000000e+00;
	v40 =	vmul.u32 $0x3, v8;
	v22 =	vsub.f32 $1.500000000e+00, v52  }
0xbc: {  	vm11 =	veq.f32 v33, $0.0e+00;
	v28 =	vsub.f32 v50, v44;
	v25 =	vmul.f32 v11, v53  }
0xbd: {  	v57 =	vadd.s32 $0x1, v40;
	v30 =	vmul.f32 v22, v30;
	v22 =	vsub.f32 v32, v24  }
0xbe: {  	v23 =	vsub.f32 v38, v23;
	v31 =	vmul.f32 v28, v28;
	v55 =	vsub.f32 $1.500000000e+00, v25  }
0xbf: {  	v63 =	vld.idx.msk [tilespmem:v56+s3+$0x0], $0xffff;
	v60 =	vadd.s32 $0x2, v40;
	v41 =	vmul.f32 v30, v27;
	v32 =	vmul.f32 v22, v22  }
0xc0: {  	v17 =	vld.idx.msk [tilespmem:v58+s3+$0x0], $0xffff;
	v58 =	vmul.u32 $0x3, v10;
	v30 =	vsub.f32 $1.000000000e+00, v30;
	v11 =	vmul.f32 v11, v55  }
0xc1: {  	v59 =	vmul.f32 v23, v23;
	v40 =	vld.idx.msk [tilespmem:v40+s3+$0x0], $0xffff;
	v31 =	vadd.f32 v32, v31;
	v41 =	vsub.f32 $1.000000000e+00, v41  }
0xc2: {  	v42 =	vld.idx.msk [tilespmem:v42+s3+$0x0], $0xffff;
	v30 =	vsel vm1, $0x0, v30;
	vm1 =	vmneg vm10;
	v34 =	vmul.f32 v11, v34  }
0xc3: {  	v61 =	vld.idx.msk [tilespmem:v57+s3+$0x0], $0xffff;
	v46 =	vmul.f32 v30, v21;
	v31 =	vadd.f32 v59, v31;
	v62 =	vmul.f32 $5.000000000e-01, v41  }
0xc4: {  	v38 =	vld.idx.msk [tilespmem:v60+s3+$0x0], $0xffff;
	v24 =	vmul.f32 v30, v18;
	vm1 =	vmor vm9, vm1;
	v47 =	vmul.f32 v34, v11  }
0xc5: {  	[tilespmem:v12+s30+$0x0] =	vst.idx.add.f32.msk $0xffff, v29;
	v48 =	vshrl.u32 v31, $0x1;
	v43 =	vmul.f32 $5.000000000e-01, v31;
	v25 =	vmul.f32 v62, v41  }
0xc6: {  	[tilespmem:v9+s30+$0x0] =	vst.idx.add.f32.msk $0xffff, v46;
	v18 =	vsub.f32 v63, v40;
	v63 =	vadd.s32 $0x2, v58;
	v41 =	vsub.f32 $0.0e+00, v46  }
0xc7: {  	vm2 =	vlt.f32 v31, $1.000000000e+00;
	vm13 =	veq.f32 v31, $0.0e+00;
	[tilespmem:v9+s31+$0x0] =	vst.idx.add.f32.msk $0xffff, v24;
	v24 =	vsub.f32 $0.0e+00, v24  }
0xc8: {  	[tilespmem:v12+s31+$0x0] =	vst.idx.add.f32.msk $0xffff, v26;
	v34 =	vsub.s32 $0x5F3759DF, v48;
	v49 =	vsub.f32 $1.500000000e+00, v47;
	v17 =	vsub.f32 v17, v61  }
0xc9: {  	[tilespmem:v12+s2+$0x0] =	vst.idx.add.f32.msk $0xffff, v35;
	v19 =	vsub.f32 v42, v38;
	v61 =	vadd.s32 $0x1, v58;
	v44 =	vmul.f32 v34, v43  }
0xca: {  	v12 =	vld [tilespmem:s5+$0xFFFFFFE0];
	vm2 =	vmneg vm2;
	v53 =	vmul.f32 v18, v18;
	v32 =	vmul.f32 v17, v17  }
0xcb: {  	[tilespmem:v13+s30+$0x0] =	vst.idx.add.f32.msk $0xffff, v36;
	v47 =	vsel vm0, $0x0, v25;
	v50 =	vmul.f32 v49, v11;
	v11 =	vmul.f32 v34, v44  }
0xcc: {  	[tilespmem:v13+s31+$0x0] =	vst.idx.add.f32.msk $0xffff, v37;
	v25 =	vmul.f32 v30, v20;
	vm0 =	vmor vm11, vm1;
	v55 =	vadd.f32 v32, v53  }
0xcd: {  	[tilespmem:v13+s2+$0x0] =	vst.idx.add.f32.msk $0xffff, v39;
	v56 =	vmul.f32 v19, v19;
	v21 =	vsub.f32 $1.000000000e+00, v50;
	v11 =	vsub.f32 $1.500000000e+00, v11  }
0xce: {  	v45 =	vadd.f32 v47, v45;
	[tilespmem:v9+s2+$0x0] =	vst.idx.add.f32.msk $0xffff, v25;
	v25 =	vsub.f32 $0.0e+00, v25;
	v52 =	vmul.f32 v50, v33  }
0xcf: {  	v30 =	vadd.f32 v56, v55;
	v21 =	vsel vm0, $0x0, v21;
	v54 =	vmul.f32 v34, v11;
	v11 =	vld [tilespmem:s5+$0x50]  }
0xd0: {  	v13 =	vld [tilespmem:s5+$0x60];
	v27 =	vsub.f32 $1.000000000e+00, v52;
	v52 =	vmul.u32 $0x3, v12;
	v42 =	vmul.f32 v21, v16  }
0xd1: {  	v35 =	vmul.f32 v21, v15;
	v29 =	vshrl.u32 v30, $0x1;
	v60 =	vmul.f32 $5.000000000e-01, v30  }
0xd2: {  	v59 =	vmul.f32 $5.000000000e-01, v27;
	v57 =	vmul.f32 v54, v43;
	v29 =	vsub.s32 $0x5F3759DF, v29  }
0xd3: {  	v32 =	vld.idx.msk [tilespmem:v58+s3+$0x0], $0xffff;
	vm3 =	vlt.f32 v30, $1.000000000e+00;
	vm4 =	veq.f32 v30, $0.0e+00;
	v48 =	vmul.f32 v29, v60  }
0xd4: {  	v37 =	vld.idx.msk [tilespmem:v63+s3+$0x0], $0xffff;
	vm3 =	vmneg vm3;
	v26 =	vmul.f32 v57, v54;
	v62 =	vmul.u32 $0x3, v11  }
0xd5: {  	[tilespmem:v4+s30+$0x0] =	vst.idx.add.f32.msk $0xffff, v41;
	v27 =	vmul.f32 v59, v27;
	v59 =	vmul.u32 $0x3, v13;
	v50 =	vmul.f32 v29, v48  }
0xd6: {  	v20 =	vld.idx.msk [tilespmem:v61+s3+$0x0], $0xffff;
	v57 =	vadd.s32 $0x1, v52;
	v26 =	vsub.f32 $1.500000000e+00, v26;
	v49 =	vadd.s32 $0x1, v62  }
0xd7: {  	s21 =	sadd.s32 $0xFFFFFFC0, s4;
	[tilespmem:v4+s31+$0x0] =	vst.idx.add.f32.msk $0xffff, v24;
	v48 =	vadd.s32 $0x2, v52;
	v51 =	vadd.s32 $0x2, v62;
	v55 =	vsub.f32 $1.500000000e+00, v50  }
0xd8: {  	v15 =	vld [tilespmem:s5+$0xFFFFFFF0];
	v27 =	vsel vm1, $0x0, v27;
	v53 =	vmul.f32 v26, v54;
	v54 =	vmov s21  }
0xd9: {  	v33 =	vld.idx.msk [tilespmem:v52+s3+$0x0], $0xffff;
	v50 =	vadd.s32 $0x1, v59;
	vm12 =	vge.u32 v54, v0;
	v29 =	vmul.f32 v29, v55  }
0xda: {  	v27 =	vadd.f32 v27, v45;
	v56 =	vmul.f32 v53, v31;
	vm0 =	vmor vm12, vm2;
	v36 =	vld.idx.msk [tilespmem:v62+s3+$0x0], $0xffff  }
0xdb: {  	v60 =	vmul.f32 v29, v60;
	v62 =	vsub.f32 $1.000000000e+00, v53;
	vm2 =	vmor vm13, vm0;
	v34 =	vld.idx.msk [tilespmem:v49+s3+$0x0], $0xffff  }
0xdc: {  	v58 =	vsub.f32 $1.000000000e+00, v56;
	v39 =	vld.idx.msk [tilespmem:v51+s3+$0x0], $0xffff;
	v49 =	vmul.f32 v21, v14;
	v51 =	vadd.s32 $0x2, v59  }
0xdd: {  	s21 =	sadd.s32 $0xFFFFFFD0, s4;
	v14 =	vld [tilespmem:s5+$0x70];
	v56 =	vmul.u32 $0x3, v15;
	v63 =	vmul.f32 v60, v29;
	v52 =	vsel vm2, $0x0, v62  }
0xde: {  	v55 =	vld.idx.msk [tilespmem:v50+s3+$0x0], $0xffff;
	v62 =	vmov s21;
	v61 =	vmul.f32 $5.000000000e-01, v58;
	v40 =	vmul.f32 v52, v28  }
0xdf: {  	v47 =	vmul.f32 v52, v22;
	vm14 =	vge.u32 v62, v0;
	v26 =	vsub.f32 v36, v32;
	v32 =	vld.idx.msk [tilespmem:v57+s3+$0x0], $0xffff  }
0xe0: {  	v46 =	vadd.s32 $0x1, v56;
	v31 =	vsub.f32 $1.500000000e+00, v63;
	vm2 =	vmor vm14, vm3;
	v36 =	vld.idx.msk [tilespmem:v48+s3+$0x0], $0xffff  }
0xe1: {  	v16 =	vmul.f32 v61, v58;
	vm3 =	vmor vm4, vm2;
	[tilespmem:v5+s30+$0x0] =	vst.idx.add.f32.msk $0xffff, v40;
	v45 =	vsub.f32 $0.0e+00, v40  }
0xe2: {  	v20 =	vsub.f32 v34, v20;
	v21 =	vsub.f32 v39, v37;
	v39 =	vld.idx.msk [tilespmem:v59+s3+$0x0], $0xffff;
	v31 =	vmul.f32 v31, v29  }
0xe3: {  	v59 =	vld.idx.msk [tilespmem:v51+s3+$0x0], $0xffff;
	v60 =	vmul.u32 $0x3, v14;
	v34 =	vmul.f32 v52, v23;
	v53 =	vmul.f32 v26, v26  }
0xe4: {  	[tilespmem:v5+s31+$0x0] =	vst.idx.add.f32.msk $0xffff, v47;
	v47 =	vsub.f32 $0.0e+00, v47;
	v54 =	vmul.f32 v20, v20;
	v61 =	vmul.f32 v31, v30  }
0xe5: {  	[tilespmem:v4+s2+$0x0] =	vst.idx.add.f32.msk $0xffff, v25;
	v58 =	vmul.f32 v21, v21;
	v38 =	vadd.s32 $0x2, v60;
	v44 =	vsub.f32 $1.000000000e+00, v31  }
0xe6: {  	[tilespmem:v5+s2+$0x0] =	vst.idx.add.f32.msk $0xffff, v34;
	v57 =	vadd.f32 v54, v53;
	v63 =	vsub.f32 $1.000000000e+00, v61;
	v54 =	vadd.s32 $0x1, v60  }
0xe7: {  	v23 =	vsub.f32 v55, v32;
	v55 =	vld.idx.msk [tilespmem:v56+s3+$0x0], $0xffff;
	v56 =	vadd.s32 $0x2, v56;
	v24 =	vsel vm3, $0x0, v44  }
0xe8: {  	v46 =	vld.idx.msk [tilespmem:v46+s3+$0x0], $0xffff;
	v28 =	vsub.f32 v39, v33;
	v22 =	vsub.f32 v59, v36;
	v18 =	vmul.f32 v24, v18  }
0xe9: {  	v17 =	vmul.f32 v24, v17;
	v19 =	vmul.f32 v24, v19;
	v29 =	vadd.f32 v58, v57;
	v59 =	vld.idx.msk [tilespmem:v60+s3+$0x0], $0xffff  }
0xea: {  	v34 =	vsub.f32 $0.0e+00, v34;
	v58 =	vmul.f32 v23, v23;
	v57 =	vmul.f32 v28, v28;
	v43 =	vld.idx.msk [tilespmem:v38+s3+$0x0], $0xffff  }
0xeb: {  	v60 =	vmul.f32 $5.000000000e-01, v63;
	v9 =	vshrl.u32 v29, $0x1;
	v32 =	vmul.f32 $5.000000000e-01, v29;
	v51 =	vld.idx.msk [tilespmem:v54+s3+$0x0], $0xffff  }
0xec: {  	v62 =	vmul.f32 v22, v22;
	[tilespmem:v8+s30+$0x0] =	vst.idx.add.f32.msk $0xffff, v18;
	v61 =	vsub.s32 $0x5F3759DF, v9;
	v37 =	vadd.f32 v58, v57  }
0xed: {  	v39 =	vsub.f32 $0.0e+00, v49;
	v18 =	vsub.f32 $0.0e+00, v18;
	v36 =	vld.idx.msk [tilespmem:v56+s3+$0x0], $0xffff;
	v9 =	vmul.f32 v61, v32  }
0xee: {  	[tilespmem:v6+s30+$0x0] =	vst.idx.add.f32.msk $0xffff, v42;
	v41 =	vmul.f32 v60, v63;
	vm8 =	vlt.f32 v29, $1.000000000e+00;
	v30 =	vadd.f32 v62, v37  }
0xef: {  	[tilespmem:v6+s31+$0x0] =	vst.idx.add.f32.msk $0xffff, v35;
	vm10 =	veq.f32 v29, $0.0e+00;
	v54 =	vsub.f32 $0.0e+00, v42;
	v63 =	vmul.f32 v61, v9  }
0xf0: {  	[tilespmem:v6+s2+$0x0] =	vst.idx.add.f32.msk $0xffff, v49;
	v9 =	vsub.f32 v59, v55;
	v52 =	vshrl.u32 v30, $0x1;
	v4 =	vsub.f32 v51, v46  }
0xf1: {  	[tilespmem:v8+s31+$0x0] =	vst.idx.add.f32.msk $0xffff, v17;
	v53 =	vmul.f32 $5.000000000e-01, v30;
	v50 =	vsub.f32 $1.500000000e+00, v63;
	v25 =	vsub.s32 $0x5F3759DF, v52  }
0xf2: {  	v33 =	vsub.f32 v43, v36;
	v56 =	vmul.f32 v9, v9;
	v57 =	vmul.f32 v4, v4  }
0xf3: {  	v58 =	vsub.f32 $0.0e+00, v35;
	[tilespmem:v8+s2+$0x0] =	vst.idx.add.f32.msk $0xffff, v19;
	v55 =	vmul.f32 v25, v53;
	v31 =	vmul.f32 v61, v50  }
0xf4: {  	vm3 =	vmneg vm8;
	[tilespmem:v2+s30+$0x0] =	vst.idx.add.f32.msk $0xffff, v54;
	v60 =	vmul.f32 v33, v33;
	v36 =	vadd.f32 v57, v56  }
0xf5: {  	s21 =	sadd.s32 $0xFFFFFFE0, s4;
	v8 =	vsub.f32 $0.0e+00, v17;
	[tilespmem:v2+s31+$0x0] =	vst.idx.add.f32.msk $0xffff, v58;
	v59 =	vmul.f32 v25, v55;
	v61 =	vmul.f32 v31, v32  }
0xf6: {  	v58 =	vmov s4;
	[tilespmem:v2+s2+$0x0] =	vst.idx.add.f32.msk $0xffff, v39;
	v2 =	vmov s21;
	v63 =	vadd.f32 v60, v36  }
0xf7: {  	vm11 =	vlt.f32 v30, $1.000000000e+00;
	v62 =	vsub.f32 $1.500000000e+00, v59;
	v24 =	vmul.f32 v61, v31  }
0xf8: {  	vm12 =	veq.f32 v30, $0.0e+00;
	v42 =	vshrl.u32 v63, $0x1;
	v43 =	vmul.f32 $5.000000000e-01, v63  }
0xf9: {  	v25 =	vmul.f32 v25, v62;
	v24 =	vsub.f32 $1.500000000e+00, v24;
	v32 =	vsub.s32 $0x5F3759DF, v42  }
0xfa: {  	s21 =	sadd.s32 $0xFFFFFFF0, s4;
	vm13 =	vge.u32 v58, v0;
	vm15 =	vge.u32 v2, v0;
	v2 =	vmul.f32 v32, v43  }
0xfb: {  	v49 =	vmov s21;
	v44 =	vmul.f32 v25, v53;
	v46 =	vmul.f32 v24, v31  }
0xfc: {  	[tilespmem:v3+s30+$0x0] =	vst.idx.add.f32.msk $0xffff, v45;
	v52 =	vsub.f32 $0.0e+00, v19;
	vm9 =	vge.u32 v49, v0;
	v2 =	vmul.f32 v32, v2  }
0xfd: {  	[tilespmem:v3+s31+$0x0] =	vst.idx.add.f32.msk $0xffff, v47;
	vm1 =	vmor vm15, vm3;
	v48 =	vmul.f32 v44, v25;
	v50 =	vsub.f32 $1.000000000e+00, v46  }
0xfe: {  	[tilespmem:v3+s2+$0x0] =	vst.idx.add.f32.msk $0xffff, v34;
	vm3 =	vmor vm10, vm1;
	vm14 =	vlt.f32 v63, $1.000000000e+00;
	v2 =	vsub.f32 $1.500000000e+00, v2  }
0xff: {  	[tilespmem:v7+s30+$0x0] =	vst.idx.add.f32.msk $0xffff, v18;
	v5 =	vmul.f32 v46, v29;
	v31 =	vsub.f32 $1.500000000e+00, v48;
	v51 =	vsel vm3, $0x0, v50  }
0x100: {  	[tilespmem:v7+s31+$0x0] =	vst.idx.add.f32.msk $0xffff, v8;
	vm15 =	veq.f32 v63, $0.0e+00;
	v53 =	vmul.f32 v51, v26;
	v2 =	vmul.f32 v32, v2  }
0x101: {  	[tilespmem:v7+s2+$0x0] =	vst.idx.add.f32.msk $0xffff, v52;
	vm3 =	vmneg vm11;
	v3 =	vmul.f32 v31, v25;
	v54 =	vmul.f32 v51, v20  }
0x102: {  	vm3 =	vmor vm9, vm3;
	v17 =	vmul.f32 v51, v21;
	[tilespmem:v10+s30+$0x0] =	vst.idx.add.f32.msk $0xffff, v53;
	v55 =	vmul.f32 v2, v43  }
0x103: {  	vm4 =	vmor vm12, vm3;
	v8 =	vsub.f32 $1.000000000e+00, v3;
	v19 =	vsub.f32 $0.0e+00, v53;
	[tilespmem:v10+s31+$0x0] =	vst.idx.add.f32.msk $0xffff, v54  }
0x104: {  	v3 =	vmul.f32 v3, v30;
	v7 =	vsub.f32 $0.0e+00, v54;
	[tilespmem:v10+s2+$0x0] =	vst.idx.add.f32.msk $0xffff, v17;
	v18 =	vmul.f32 v55, v2  }
0x105: {  	v5 =	vsub.f32 $1.000000000e+00, v5;
	v8 =	vsel vm4, $0x0, v8;
	v10 =	vsub.f32 $0.0e+00, v17;
	[tilespmem:v11+s30+$0x0] =	vst.idx.add.f32.msk $0xffff, v19  }
0x106: {  	v3 =	vsub.f32 $1.000000000e+00, v3;
	v56 =	vmul.f32 v8, v28;
	[tilespmem:v11+s31+$0x0] =	vst.idx.add.f32.msk $0xffff, v7;
	v18 =	vsub.f32 $1.500000000e+00, v18  }
0x107: {  	v57 =	vmul.f32 v8, v23;
	v59 =	vmul.f32 v8, v22;
	v8 =	vsel vm0, $0x0, v16;
	[tilespmem:v11+s2+$0x0] =	vst.idx.add.f32.msk $0xffff, v10  }
0x108: {  	v8 =	vadd.f32 v8, v27;
	v61 =	vmul.f32 $5.000000000e-01, v3;
	[tilespmem:v12+s30+$0x0] =	vst.idx.add.f32.msk $0xffff, v56;
	v2 =	vmul.f32 v18, v2  }
0x109: {  	v10 =	vsel vm2, $0x0, v41;
	vm2 =	vmneg vm14;
	v11 =	vsub.f32 $0.0e+00, v56;
	[tilespmem:v12+s31+$0x0] =	vst.idx.add.f32.msk $0xffff, v57  }
0x10a: {  	vm0 =	vmor vm13, vm2;
	[tilespmem:v12+s2+$0x0] =	vst.idx.add.f32.msk $0xffff, v59;
	v6 =	vmul.f32 v2, v63;
	v2 =	vsub.f32 $1.000000000e+00, v2  }
0x10b: {  	v60 =	vsub.f32 $0.0e+00, v57;
	vm2 =	vmor vm15, vm0;
	[tilespmem:v13+s30+$0x0] =	vst.idx.add.f32.msk $0xffff, v11;
	v11 =	vmul.f32 $5.000000000e-01, v5  }
0x10c: {  	v7 =	vsub.f32 $0.0e+00, v59;
	v8 =	vadd.f32 v10, v8;
	v2 =	vsel vm2, $0x0, v2  }
0x10d: {  	[tilespmem:v13+s31+$0x0] =	vst.idx.add.f32.msk $0xffff, v60;
	v5 =	vmul.f32 v11, v5;
	v6 =	vsub.f32 $1.000000000e+00, v6;
	v62 =	vmul.f32 v2, v9  }
0x10e: {  	s0 =	sadd.s32 $0x8, s0;
	v3 =	vmul.f32 v61, v3;
	[tilespmem:v13+s2+$0x0] =	vst.idx.add.f32.msk $0xffff, v7;
	v4 =	vmul.f32 v2, v4  }
0x10f: {  	p0 =	slt.u32 s0, $0x4E0;
	v5 =	vsel vm1, $0x0, v5;
	v2 =	vmul.f32 v2, v33;
	v9 =	vmul.f32 $5.000000000e-01, v6;
	[tilespmem:v15+s30+$0x0] =	vst.idx.add.f32.msk $0xffff, v62  }
.Ltmp1:
0x110: {  	v5 =	vadd.f32 v5, v8;
	v7 =	vsub.f32 $0.0e+00, v62;
	[tilespmem:v15+s31+$0x0] =	vst.idx.add.f32.msk $0xffff, v4;
	(pc) =	sbr.rel @p0 .LBB2_4-.Ltmp1, $4  }
0x111: {  	v3 =	vsel vm3, $0x0, v3;
	v6 =	vmul.f32 v9, v6;
	v4 =	vsub.f32 $0.0e+00, v4;
	[tilespmem:v15+s2+$0x0] =	vst.idx.add.f32.msk $0xffff, v2  }
0x112: {  	v3 =	vadd.f32 v3, v5;
	v2 =	vsub.f32 $0.0e+00, v2;
	[tilespmem:v14+s30+$0x0] =	vst.idx.add.f32.msk $0xffff, v7  }
0x113: {  	v63 =	vsel vm0, $0x0, v6;
	[tilespmem:v14+s31+$0x0] =	vst.idx.add.f32.msk $0xffff, v4  }
0x114: {  	s5 =	sadd.s32 $0x100, s5;
	s4 =	sadd.s32 $0x80, s4;
	v10 =	vadd.f32 v63, v3;
	[tilespmem:v14+s2+$0x0] =	vst.idx.add.f32.msk $0xffff, v2  }
0x115: {  	_ =	strace $0x90000048  }
0x116: {  	s4 =	simm.s32 $0x0;
	s5 =	simm.s32 $0x18A80;
	[tilespmem:$0x18A80] =	vst v10;
	s0 =	rddreg [dreg:$0x6]  }
0x117: {  	[hbm4b:s0+s4] =	stream.linear.scatter [tilespmem:s5], [sflag:$0x3], $0x10, $0x38;
	[tilespmem:$0x1DD80] =	vst v63  }
0x118: {  	_ =	swait.ge [sflag:s1], $0x10  }
0x119: {  	[sflag:s1] =	ssyncset.done $0x0  }
0x11a: {  	[sflag:s1] =	ssyncadd.s32 $0xFFFFFFF0  }
0x11b: {  	_ =	strace $0x80000049  }
0x11c: {  	[spmem:s7] =	stream.linear.scatter [tilespmem:s30], [sflag:$0x3], $0x2800, $0x200038;
	[tilespmem:$0x1DD80] =	vst v63  }
0x11d: {  	_ =	swait.ge [sflag:s1], $0x2800  }
0x11e: {  	[sflag:s1] =	ssyncset.done $0x0  }
0x11f: {  	[sflag:s1] =	ssyncadd.s32 $0xFFFFD800  }
0x120: {  	s21 =	simm.s32 $0x18D80;
	[bflag:$0x0] =	sbarrier.arrive $0xFFFF  }
0x121: {  	[tilespmem:s21], [sflag:$0x2] =	stream.linear.gather [spmem:s8], $0x280, $0x200038;
	[tilespmem:$0x1DD80] =	vst v63  }
0x122: {  	s5 =	simm.s32 $0x19000  }
0x123: {  	[tilespmem:s5], [sflag:$0x2] =	stream.linear.gather [spmem:s9], $0x280, $0x200038;
	[tilespmem:$0x1DD80] =	vst v63  }
0x124: {  	s5 =	simm.s32 $0x19280  }
0x125: {  	[tilespmem:s5], [sflag:$0x2] =	stream.linear.gather [spmem:s10], $0x280, $0x200038;
	[tilespmem:$0x1DD80] =	vst v63  }
0x126: {  	s5 =	simm.s32 $0x19500  }
0x127: {  	[tilespmem:s5], [sflag:$0x2] =	stream.linear.gather [spmem:s11], $0x280, $0x200038;
	[tilespmem:$0x1DD80] =	vst v63  }
0x128: {  	s5 =	simm.s32 $0x19780  }
0x129: {  	[tilespmem:s5], [sflag:$0x2] =	stream.linear.gather [spmem:s12], $0x280, $0x200038;
	[tilespmem:$0x1DD80] =	vst v63  }
0x12a: {  	s5 =	simm.s32 $0x19A00  }
0x12b: {  	[tilespmem:s5], [sflag:$0x2] =	stream.linear.gather [spmem:s13], $0x280, $0x200038;
	[tilespmem:$0x1DD80] =	vst v63  }
0x12c: {  	s5 =	simm.s32 $0x19C80  }
0x12d: {  	[tilespmem:s5], [sflag:$0x2] =	stream.linear.gather [spmem:s14], $0x280, $0x200038;
	[tilespmem:$0x1DD80] =	vst v63  }
0x12e: {  	s5 =	simm.s32 $0x19F00  }
0x12f: {  	[tilespmem:s5], [sflag:$0x2] =	stream.linear.gather [spmem:s15], $0x280, $0x200038;
	[tilespmem:$0x1DD80] =	vst v63  }
0x130: {  	s5 =	simm.s32 $0x1A180  }
0x131: {  	[tilespmem:s5], [sflag:$0x2] =	stream.linear.gather [spmem:s16], $0x280, $0x200038;
	[tilespmem:$0x1DD80] =	vst v63  }
0x132: {  	s5 =	simm.s32 $0x1A400  }
0x133: {  	[tilespmem:s5], [sflag:$0x2] =	stream.linear.gather [spmem:s17], $0x280, $0x200038;
	[tilespmem:$0x1DD80] =	vst v63  }
0x134: {  	s5 =	simm.s32 $0x1A680  }
0x135: {  	[tilespmem:s5], [sflag:$0x2] =	stream.linear.gather [spmem:s18], $0x280, $0x200038;
	[tilespmem:$0x1DD80] =	vst v63  }
0x136: {  	s5 =	simm.s32 $0x1A900  }
0x137: {  	[tilespmem:s5], [sflag:$0x2] =	stream.linear.gather [spmem:s19], $0x280, $0x200038;
	[tilespmem:$0x1DD80] =	vst v63  }
0x138: {  	s5 =	simm.s32 $0x1AB80  }
0x139: {  	[tilespmem:s5], [sflag:$0x2] =	stream.linear.gather [spmem:s20], $0x280, $0x200038;
	[tilespmem:$0x1DD80] =	vst v63  }
0x13a: {  	_ = 	snop  }
0x13b: {  	[tilespmem:s22], [sflag:$0x2] =	stream.linear.gather [spmem:s25], $0x280, $0x200038;
	[tilespmem:$0x1DD80] =	vst v63  }
0x13c: {  	_ = 	snop  }
0x13d: {  	[tilespmem:s23], [sflag:$0x2] =	stream.linear.gather [spmem:s26], $0x280, $0x200038;
	[tilespmem:$0x1DD80] =	vst v63  }
0x13e: {  	s0 =	simm.s32 $0x1B300  }
0x13f: {  	[tilespmem:s0], [sflag:$0x3] =	stream.linear.gather [spmem:s6], $0x280, $0x200038;
	[tilespmem:$0x1DD80] =	vst v63  }
0x140: {  	_ =	swait.ge [sflag:s1], $0x280  }
0x141: {  	[sflag:s1] =	ssyncset.done $0x0  }
0x142: {  	[sflag:s1] =	ssyncadd.s32 $0xFFFFFD80  }
0x143: {  	_ =	swait.ge [sflag:s24], $0x280  }
0x144: {  	[sflag:s24] =	ssyncset.done $0x0  }
0x145: {  	[sflag:s24] =	ssyncadd.s32 $0xFFFFFD80  }
0x146: {  	_ =	swait.ge [sflag:s24], $0x280  }
0x147: {  	[sflag:s24] =	ssyncset.done $0x0  }
0x148: {  	[sflag:s24] =	ssyncadd.s32 $0xFFFFFD80  }
0x149: {  	_ =	swait.ge [sflag:s24], $0x280  }
0x14a: {  	[sflag:s24] =	ssyncset.done $0x0  }
0x14b: {  	[sflag:s24] =	ssyncadd.s32 $0xFFFFFD80  }
0x14c: {  	_ =	swait.ge [sflag:s24], $0x280  }
0x14d: {  	[sflag:s24] =	ssyncset.done $0x0  }
0x14e: {  	[sflag:s24] =	ssyncadd.s32 $0xFFFFFD80  }
0x14f: {  	_ =	swait.ge [sflag:s24], $0x280  }
0x150: {  	[sflag:s24] =	ssyncset.done $0x0  }
0x151: {  	[sflag:s24] =	ssyncadd.s32 $0xFFFFFD80  }
0x152: {  	_ =	swait.ge [sflag:s24], $0x280  }
0x153: {  	[sflag:s24] =	ssyncset.done $0x0  }
0x154: {  	[sflag:s24] =	ssyncadd.s32 $0xFFFFFD80  }
0x155: {  	_ =	swait.ge [sflag:s24], $0x280  }
0x156: {  	[sflag:s24] =	ssyncset.done $0x0  }
0x157: {  	[sflag:s24] =	ssyncadd.s32 $0xFFFFFD80  }
0x158: {  	_ =	swait.ge [sflag:s24], $0x280  }
0x159: {  	[sflag:s24] =	ssyncset.done $0x0  }
0x15a: {  	[sflag:s24] =	ssyncadd.s32 $0xFFFFFD80  }
0x15b: {  	_ =	swait.ge [sflag:s24], $0x280  }
0x15c: {  	[sflag:s24] =	ssyncset.done $0x0  }
0x15d: {  	[sflag:s24] =	ssyncadd.s32 $0xFFFFFD80  }
0x15e: {  	_ =	swait.ge [sflag:s24], $0x280  }
0x15f: {  	[sflag:s24] =	ssyncset.done $0x0  }
0x160: {  	[sflag:s24] =	ssyncadd.s32 $0xFFFFFD80  }
0x161: {  	_ =	swait.ge [sflag:s24], $0x280  }
0x162: {  	[sflag:s24] =	ssyncset.done $0x0  }
0x163: {  	[sflag:s24] =	ssyncadd.s32 $0xFFFFFD80  }
0x164: {  	_ =	swait.ge [sflag:s24], $0x280  }
0x165: {  	[sflag:s24] =	ssyncset.done $0x0  }
0x166: {  	[sflag:s24] =	ssyncadd.s32 $0xFFFFFD80  }
0x167: {  	_ =	swait.ge [sflag:s24], $0x280  }
0x168: {  	[sflag:s24] =	ssyncset.done $0x0  }
0x169: {  	[sflag:s24] =	ssyncadd.s32 $0xFFFFFD80  }
0x16a: {  	_ =	swait.ge [sflag:s24], $0x280  }
0x16b: {  	[sflag:s24] =	ssyncset.done $0x0  }
0x16c: {  	[sflag:s24] =	ssyncadd.s32 $0xFFFFFD80  }
0x16d: {  	_ =	swait.ge [sflag:s24], $0x280  }
0x16e: {  	[sflag:s24] =	ssyncset.done $0x0  }
0x16f: {  	s4 =	sand.u32 $0x3F0, s4;
	[sflag:s24] =	ssyncadd.s32 $0xFFFFFD80  }
0x170: {  	s5 =	simm.s32 $0x10;
	v2 =	vld [tilespmem:s4+$0x18D80]  }
.LBB2_6:
0x171: {  	p0 =	sne.s32 s5, $0x270;
	v3 =	vld [tilespmem:s0+$0x0];
	_ =	sdelay $0x1  }
0x172: {  	v4 =	vld [tilespmem:s4+$0x19000];
	_ =	sdelay $0x1  }
0x173: {  	v5 =	vld [tilespmem:s4+$0x19280]  }
0x174: {  	v2 =	vadd.f32 v2, v3  }
0x175: {  	v3 =	vld [tilespmem:s4+$0x19500]  }
0x176: {  	v2 =	vadd.f32 v4, v2  }
0x177: {  	v4 =	vld [tilespmem:s4+$0x19780]  }
0x178: {  	v2 =	vadd.f32 v5, v2  }
0x179: {  	v5 =	vld [tilespmem:s4+$0x19A00]  }
0x17a: {  	v2 =	vadd.f32 v3, v2  }
0x17b: {  	v3 =	vld [tilespmem:s4+$0x19C80]  }
0x17c: {  	v2 =	vadd.f32 v4, v2  }
0x17d: {  	v4 =	vld [tilespmem:s4+$0x19F00]  }
0x17e: {  	v2 =	vadd.f32 v5, v2  }
0x17f: {  	v5 =	vld [tilespmem:s4+$0x1A180]  }
0x180: {  	v2 =	vadd.f32 v3, v2  }
0x181: {  	v3 =	vld [tilespmem:s4+$0x1A400]  }
0x182: {  	v2 =	vadd.f32 v4, v2  }
0x183: {  	v4 =	vld [tilespmem:s4+$0x1A680]  }
0x184: {  	v2 =	vadd.f32 v5, v2  }
0x185: {  	v5 =	vld [tilespmem:s4+$0x1A900]  }
0x186: {  	v2 =	vadd.f32 v3, v2  }
0x187: {  	v3 =	vld [tilespmem:s4+$0x1AB80]  }
0x188: {  	v2 =	vadd.f32 v4, v2  }
0x189: {  	v4 =	vld [tilespmem:s4+$0x1AE00]  }
0x18a: {  	v2 =	vadd.f32 v5, v2  }
0x18b: {  	v5 =	vld [tilespmem:s4+$0x1B080]  }
0x18c: {  	v2 =	vadd.f32 v3, v2;
	_ =	sdelay $0x1  }
0x18d: {  	v2 =	vadd.f32 v4, v2  }
.Ltmp2:
0x18e: {  	(pc) =	sbr.rel @p0 .LBB2_6-.Ltmp2, $3  }
0x18f: {  	v2 =	vadd.f32 v5, v2;
	_ =	sdelay $0x1  }
0x190: {  	s4 =	sand.u32 $0x3F0, s5;
	[tilespmem:s0+$0x0] =	vst v2  }
0x191: {  	s5 =	sadd.s32 $0x10, s5;
	s0 =	sadd.s32 $0x10, s0;
	v2 =	vld [tilespmem:s4+$0x18D80]  }
0x192: {  	v3 =	vld [tilespmem:s0+$0x0];
	_ =	sdelay $0x1  }
0x193: {  	v4 =	vld [tilespmem:s4+$0x19000];
	_ =	sdelay $0x1  }
0x194: {  	v5 =	vld [tilespmem:s4+$0x19280]  }
0x195: {  	v2 =	vadd.f32 v2, v3  }
0x196: {  	v3 =	vld [tilespmem:s4+$0x19500]  }
0x197: {  	v2 =	vadd.f32 v4, v2  }
0x198: {  	v56 =	vld [tilespmem:s4+$0x19780]  }
0x199: {  	v2 =	vadd.f32 v5, v2  }
0x19a: {  	v57 =	vld [tilespmem:s4+$0x19A00]  }
0x19b: {  	v2 =	vadd.f32 v3, v2  }
0x19c: {  	v3 =	vld [tilespmem:s4+$0x19C80]  }
0x19d: {  	v2 =	vadd.f32 v56, v2  }
0x19e: {  	v58 =	vld [tilespmem:s4+$0x19F00]  }
0x19f: {  	v2 =	vadd.f32 v57, v2  }
0x1a0: {  	v59 =	vld [tilespmem:s4+$0x1A180]  }
0x1a1: {  	v2 =	vadd.f32 v3, v2  }
0x1a2: {  	v3 =	vld [tilespmem:s4+$0x1A400]  }
0x1a3: {  	v2 =	vadd.f32 v58, v2  }
0x1a4: {  	v60 =	vld [tilespmem:s4+$0x1A680]  }
0x1a5: {  	v2 =	vadd.f32 v59, v2  }
0x1a6: {  	v61 =	vld [tilespmem:s4+$0x1A900]  }
0x1a7: {  	v2 =	vadd.f32 v3, v2  }
0x1a8: {  	v3 =	vld [tilespmem:s4+$0x1AB80]  }
0x1a9: {  	v2 =	vadd.f32 v60, v2  }
0x1aa: {  	v62 =	vld [tilespmem:s4+$0x1AE00]  }
0x1ab: {  	v2 =	vadd.f32 v61, v2  }
0x1ac: {  	v63 =	vld [tilespmem:s4+$0x1B080]  }
0x1ad: {  	v2 =	vadd.f32 v3, v2;
	_ =	sdelay $0x1  }
0x1ae: {  	v2 =	vadd.f32 v62, v2;
	_ =	sdelay $0x1  }
0x1af: {  	v2 =	vadd.f32 v63, v2;
	_ =	sdelay $0x1  }
0x1b0: {  	s5 =	rddreg [dreg:$0x7];
	s4 =	simm.s32 $0x0;
	[tilespmem:s0+$0x0] =	vst v2;
	s0 =	simm.s32 $0x1B300  }
0x1b1: {  	[hbm4b:s5+s4] =	stream.linear.scatter [tilespmem:s0], [sflag:$0x3], $0x280, $0x200038;
	[tilespmem:$0x1DD80] =	vst v63  }
0x1b2: {  	_ =	swait.ge [sflag:s1], $0x280  }
0x1b3: {  	[sflag:s1] =	ssyncset.done $0x0  }
0x1b4: {  	[sflag:s1] =	ssyncadd.s32 $0xFFFFFD80  }
0x1b5: {  	[bflag:$0x0] =	sbarrier.arrive $0xFFFF  }
0x1b6: {  	[spmem:s7] =	stream.linear.scatter [tilespmem:s31], [sflag:$0x3], $0x2800, $0x200038;
	[tilespmem:$0x1DD80] =	vst v63  }
0x1b7: {  	_ =	swait.ge [sflag:s1], $0x2800  }
0x1b8: {  	[sflag:s1] =	ssyncset.done $0x0  }
0x1b9: {  	[sflag:s1] =	ssyncadd.s32 $0xFFFFD800  }
0x1ba: {  	[bflag:$0x0] =	sbarrier.arrive $0xFFFF  }
0x1bb: {  	[tilespmem:s21], [sflag:$0x2] =	stream.linear.gather [spmem:s8], $0x280, $0x200038;
	[tilespmem:$0x1DD80] =	vst v63  }
0x1bc: {  	s5 =	simm.s32 $0x19000  }
0x1bd: {  	[tilespmem:s5], [sflag:$0x2] =	stream.linear.gather [spmem:s9], $0x280, $0x200038;
	[tilespmem:$0x1DD80] =	vst v63  }
0x1be: {  	s5 =	simm.s32 $0x19280  }
0x1bf: {  	[tilespmem:s5], [sflag:$0x2] =	stream.linear.gather [spmem:s10], $0x280, $0x200038;
	[tilespmem:$0x1DD80] =	vst v63  }
0x1c0: {  	s5 =	simm.s32 $0x19500  }
0x1c1: {  	[tilespmem:s5], [sflag:$0x2] =	stream.linear.gather [spmem:s11], $0x280, $0x200038;
	[tilespmem:$0x1DD80] =	vst v63  }
0x1c2: {  	s5 =	simm.s32 $0x19780  }
0x1c3: {  	[tilespmem:s5], [sflag:$0x2] =	stream.linear.gather [spmem:s12], $0x280, $0x200038;
	[tilespmem:$0x1DD80] =	vst v63  }
0x1c4: {  	s5 =	simm.s32 $0x19A00  }
0x1c5: {  	[tilespmem:s5], [sflag:$0x2] =	stream.linear.gather [spmem:s13], $0x280, $0x200038;
	[tilespmem:$0x1DD80] =	vst v63  }
0x1c6: {  	s5 =	simm.s32 $0x19C80  }
0x1c7: {  	[tilespmem:s5], [sflag:$0x2] =	stream.linear.gather [spmem:s14], $0x280, $0x200038;
	[tilespmem:$0x1DD80] =	vst v63  }
0x1c8: {  	s5 =	simm.s32 $0x19F00  }
0x1c9: {  	[tilespmem:s5], [sflag:$0x2] =	stream.linear.gather [spmem:s15], $0x280, $0x200038;
	[tilespmem:$0x1DD80] =	vst v63  }
0x1ca: {  	s5 =	simm.s32 $0x1A180  }
0x1cb: {  	[tilespmem:s5], [sflag:$0x2] =	stream.linear.gather [spmem:s16], $0x280, $0x200038;
	[tilespmem:$0x1DD80] =	vst v63  }
0x1cc: {  	s5 =	simm.s32 $0x1A400  }
0x1cd: {  	[tilespmem:s5], [sflag:$0x2] =	stream.linear.gather [spmem:s17], $0x280, $0x200038;
	[tilespmem:$0x1DD80] =	vst v63  }
0x1ce: {  	s5 =	simm.s32 $0x1A680  }
0x1cf: {  	[tilespmem:s5], [sflag:$0x2] =	stream.linear.gather [spmem:s18], $0x280, $0x200038;
	[tilespmem:$0x1DD80] =	vst v63  }
0x1d0: {  	s5 =	simm.s32 $0x1A900  }
0x1d1: {  	[tilespmem:s5], [sflag:$0x2] =	stream.linear.gather [spmem:s19], $0x280, $0x200038;
	[tilespmem:$0x1DD80] =	vst v63  }
0x1d2: {  	s5 =	simm.s32 $0x1AB80  }
0x1d3: {  	[tilespmem:s5], [sflag:$0x2] =	stream.linear.gather [spmem:s20], $0x280, $0x200038;
	[tilespmem:$0x1DD80] =	vst v63  }
0x1d4: {  	_ = 	snop  }
0x1d5: {  	[tilespmem:s22], [sflag:$0x2] =	stream.linear.gather [spmem:s25], $0x280, $0x200038;
	[tilespmem:$0x1DD80] =	vst v63  }
0x1d6: {  	_ = 	snop  }
0x1d7: {  	[tilespmem:s23], [sflag:$0x2] =	stream.linear.gather [spmem:s26], $0x280, $0x200038;
	[tilespmem:$0x1DD80] =	vst v63  }
0x1d8: {  	_ = 	snop  }
0x1d9: {  	[tilespmem:s0], [sflag:$0x3] =	stream.linear.gather [spmem:s6], $0x280, $0x200038;
	[tilespmem:$0x1DD80] =	vst v63  }
0x1da: {  	_ =	swait.ge [sflag:s1], $0x280  }
0x1db: {  	[sflag:s1] =	ssyncset.done $0x0  }
0x1dc: {  	[sflag:s1] =	ssyncadd.s32 $0xFFFFFD80  }
0x1dd: {  	_ =	swait.ge [sflag:s24], $0x280  }
0x1de: {  	[sflag:s24] =	ssyncset.done $0x0  }
0x1df: {  	[sflag:s24] =	ssyncadd.s32 $0xFFFFFD80  }
0x1e0: {  	_ =	swait.ge [sflag:s24], $0x280  }
0x1e1: {  	[sflag:s24] =	ssyncset.done $0x0  }
0x1e2: {  	[sflag:s24] =	ssyncadd.s32 $0xFFFFFD80  }
0x1e3: {  	_ =	swait.ge [sflag:s24], $0x280  }
0x1e4: {  	[sflag:s24] =	ssyncset.done $0x0  }
0x1e5: {  	[sflag:s24] =	ssyncadd.s32 $0xFFFFFD80  }
0x1e6: {  	_ =	swait.ge [sflag:s24], $0x280  }
0x1e7: {  	[sflag:s24] =	ssyncset.done $0x0  }
0x1e8: {  	[sflag:s24] =	ssyncadd.s32 $0xFFFFFD80  }
0x1e9: {  	_ =	swait.ge [sflag:s24], $0x280  }
0x1ea: {  	[sflag:s24] =	ssyncset.done $0x0  }
0x1eb: {  	[sflag:s24] =	ssyncadd.s32 $0xFFFFFD80  }
0x1ec: {  	_ =	swait.ge [sflag:s24], $0x280  }
0x1ed: {  	[sflag:s24] =	ssyncset.done $0x0  }
0x1ee: {  	[sflag:s24] =	ssyncadd.s32 $0xFFFFFD80  }
0x1ef: {  	_ =	swait.ge [sflag:s24], $0x280  }
0x1f0: {  	[sflag:s24] =	ssyncset.done $0x0  }
0x1f1: {  	[sflag:s24] =	ssyncadd.s32 $0xFFFFFD80  }
0x1f2: {  	_ =	swait.ge [sflag:s24], $0x280  }
0x1f3: {  	[sflag:s24] =	ssyncset.done $0x0  }
0x1f4: {  	[sflag:s24] =	ssyncadd.s32 $0xFFFFFD80  }
0x1f5: {  	_ =	swait.ge [sflag:s24], $0x280  }
0x1f6: {  	[sflag:s24] =	ssyncset.done $0x0  }
0x1f7: {  	[sflag:s24] =	ssyncadd.s32 $0xFFFFFD80  }
0x1f8: {  	_ =	swait.ge [sflag:s24], $0x280  }
0x1f9: {  	[sflag:s24] =	ssyncset.done $0x0  }
0x1fa: {  	[sflag:s24] =	ssyncadd.s32 $0xFFFFFD80  }
0x1fb: {  	_ =	swait.ge [sflag:s24], $0x280  }
0x1fc: {  	[sflag:s24] =	ssyncset.done $0x0  }
0x1fd: {  	[sflag:s24] =	ssyncadd.s32 $0xFFFFFD80  }
0x1fe: {  	_ =	swait.ge [sflag:s24], $0x280  }
0x1ff: {  	[sflag:s24] =	ssyncset.done $0x0  }
0x200: {  	[sflag:s24] =	ssyncadd.s32 $0xFFFFFD80  }
0x201: {  	_ =	swait.ge [sflag:s24], $0x280  }
0x202: {  	[sflag:s24] =	ssyncset.done $0x0  }
0x203: {  	[sflag:s24] =	ssyncadd.s32 $0xFFFFFD80  }
0x204: {  	_ =	swait.ge [sflag:s24], $0x280  }
0x205: {  	[sflag:s24] =	ssyncset.done $0x0  }
0x206: {  	[sflag:s24] =	ssyncadd.s32 $0xFFFFFD80  }
0x207: {  	_ =	swait.ge [sflag:s24], $0x280  }
0x208: {  	[sflag:s24] =	ssyncset.done $0x0  }
0x209: {  	s4 =	sand.u32 $0x3F0, s4;
	[sflag:s24] =	ssyncadd.s32 $0xFFFFFD80  }
0x20a: {  	s5 =	simm.s32 $0x10;
	v2 =	vld [tilespmem:s4+$0x18D80]  }
.LBB2_8:
0x20b: {  	p0 =	sne.s32 s5, $0x270;
	v3 =	vld [tilespmem:s0+$0x0];
	_ =	sdelay $0x1  }
0x20c: {  	v4 =	vld [tilespmem:s4+$0x19000];
	_ =	sdelay $0x1  }
0x20d: {  	v5 =	vld [tilespmem:s4+$0x19280]  }
0x20e: {  	v2 =	vadd.f32 v2, v3  }
0x20f: {  	v3 =	vld [tilespmem:s4+$0x19500]  }
0x210: {  	v2 =	vadd.f32 v4, v2  }
0x211: {  	v4 =	vld [tilespmem:s4+$0x19780]  }
0x212: {  	v2 =	vadd.f32 v5, v2  }
0x213: {  	v5 =	vld [tilespmem:s4+$0x19A00]  }
0x214: {  	v2 =	vadd.f32 v3, v2  }
0x215: {  	v3 =	vld [tilespmem:s4+$0x19C80]  }
0x216: {  	v2 =	vadd.f32 v4, v2  }
0x217: {  	v4 =	vld [tilespmem:s4+$0x19F00]  }
0x218: {  	v2 =	vadd.f32 v5, v2  }
0x219: {  	v5 =	vld [tilespmem:s4+$0x1A180]  }
0x21a: {  	v2 =	vadd.f32 v3, v2  }
0x21b: {  	v3 =	vld [tilespmem:s4+$0x1A400]  }
0x21c: {  	v2 =	vadd.f32 v4, v2  }
0x21d: {  	v4 =	vld [tilespmem:s4+$0x1A680]  }
0x21e: {  	v2 =	vadd.f32 v5, v2  }
0x21f: {  	v5 =	vld [tilespmem:s4+$0x1A900]  }
0x220: {  	v2 =	vadd.f32 v3, v2  }
0x221: {  	v3 =	vld [tilespmem:s4+$0x1AB80]  }
0x222: {  	v2 =	vadd.f32 v4, v2  }
0x223: {  	v4 =	vld [tilespmem:s4+$0x1AE00]  }
0x224: {  	v2 =	vadd.f32 v5, v2  }
0x225: {  	v5 =	vld [tilespmem:s4+$0x1B080]  }
0x226: {  	v2 =	vadd.f32 v3, v2;
	_ =	sdelay $0x1  }
0x227: {  	v2 =	vadd.f32 v4, v2  }
.Ltmp3:
0x228: {  	(pc) =	sbr.rel @p0 .LBB2_8-.Ltmp3, $3  }
0x229: {  	v2 =	vadd.f32 v5, v2;
	_ =	sdelay $0x1  }
0x22a: {  	s4 =	sand.u32 $0x3F0, s5;
	[tilespmem:s0+$0x0] =	vst v2  }
0x22b: {  	s5 =	sadd.s32 $0x10, s5;
	s0 =	sadd.s32 $0x10, s0;
	v2 =	vld [tilespmem:s4+$0x18D80]  }
0x22c: {  	v3 =	vld [tilespmem:s0+$0x0];
	_ =	sdelay $0x1  }
0x22d: {  	v4 =	vld [tilespmem:s4+$0x19000];
	_ =	sdelay $0x1  }
0x22e: {  	v5 =	vld [tilespmem:s4+$0x19280]  }
0x22f: {  	v2 =	vadd.f32 v2, v3  }
0x230: {  	v3 =	vld [tilespmem:s4+$0x19500]  }
0x231: {  	v2 =	vadd.f32 v4, v2  }
0x232: {  	v56 =	vld [tilespmem:s4+$0x19780]  }
0x233: {  	v2 =	vadd.f32 v5, v2  }
0x234: {  	v57 =	vld [tilespmem:s4+$0x19A00]  }
0x235: {  	v2 =	vadd.f32 v3, v2  }
0x236: {  	v3 =	vld [tilespmem:s4+$0x19C80]  }
0x237: {  	v2 =	vadd.f32 v56, v2  }
0x238: {  	v58 =	vld [tilespmem:s4+$0x19F00]  }
0x239: {  	v2 =	vadd.f32 v57, v2  }
0x23a: {  	v59 =	vld [tilespmem:s4+$0x1A180]  }
0x23b: {  	v2 =	vadd.f32 v3, v2  }
0x23c: {  	v3 =	vld [tilespmem:s4+$0x1A400]  }
0x23d: {  	v2 =	vadd.f32 v58, v2  }
0x23e: {  	v60 =	vld [tilespmem:s4+$0x1A680]  }
0x23f: {  	v2 =	vadd.f32 v59, v2  }
0x240: {  	v61 =	vld [tilespmem:s4+$0x1A900]  }
0x241: {  	v2 =	vadd.f32 v3, v2  }
0x242: {  	v3 =	vld [tilespmem:s4+$0x1AB80]  }
0x243: {  	v2 =	vadd.f32 v60, v2  }
0x244: {  	v62 =	vld [tilespmem:s4+$0x1AE00]  }
0x245: {  	v2 =	vadd.f32 v61, v2  }
0x246: {  	v63 =	vld [tilespmem:s4+$0x1B080]  }
0x247: {  	v2 =	vadd.f32 v3, v2;
	_ =	sdelay $0x1  }
0x248: {  	v2 =	vadd.f32 v62, v2;
	_ =	sdelay $0x1  }
0x249: {  	v2 =	vadd.f32 v63, v2;
	_ =	sdelay $0x1  }
0x24a: {  	s5 =	rddreg [dreg:$0x8];
	s4 =	simm.s32 $0x0;
	[tilespmem:s0+$0x0] =	vst v2;
	s0 =	simm.s32 $0x1B300  }
0x24b: {  	[hbm4b:s5+s4] =	stream.linear.scatter [tilespmem:s0], [sflag:$0x3], $0x280, $0x200038;
	[tilespmem:$0x1DD80] =	vst v63  }
0x24c: {  	_ =	swait.ge [sflag:s1], $0x280  }
0x24d: {  	[sflag:s1] =	ssyncset.done $0x0  }
0x24e: {  	[sflag:s1] =	ssyncadd.s32 $0xFFFFFD80  }
0x24f: {  	[bflag:$0x0] =	sbarrier.arrive $0xFFFF  }
0x250: {  	[spmem:s7] =	stream.linear.scatter [tilespmem:s2], [sflag:$0x3], $0x2800, $0x200038;
	[tilespmem:$0x1DD80] =	vst v63  }
0x251: {  	_ =	swait.ge [sflag:s1], $0x2800  }
0x252: {  	[sflag:s1] =	ssyncset.done $0x0  }
0x253: {  	[sflag:s1] =	ssyncadd.s32 $0xFFFFD800  }
0x254: {  	[bflag:$0x0] =	sbarrier.arrive $0xFFFF  }
0x255: {  	[tilespmem:s21], [sflag:$0x2] =	stream.linear.gather [spmem:s8], $0x280, $0x200038;
	[tilespmem:$0x1DD80] =	vst v63  }
0x256: {  	s21 =	simm.s32 $0x19000  }
0x257: {  	[tilespmem:s21], [sflag:$0x2] =	stream.linear.gather [spmem:s9], $0x280, $0x200038;
	[tilespmem:$0x1DD80] =	vst v63  }
0x258: {  	s21 =	simm.s32 $0x19280  }
0x259: {  	[tilespmem:s21], [sflag:$0x2] =	stream.linear.gather [spmem:s10], $0x280, $0x200038;
	[tilespmem:$0x1DD80] =	vst v63  }
0x25a: {  	s21 =	simm.s32 $0x19500  }
0x25b: {  	[tilespmem:s21], [sflag:$0x2] =	stream.linear.gather [spmem:s11], $0x280, $0x200038;
	[tilespmem:$0x1DD80] =	vst v63  }
0x25c: {  	s21 =	simm.s32 $0x19780  }
0x25d: {  	[tilespmem:s21], [sflag:$0x2] =	stream.linear.gather [spmem:s12], $0x280, $0x200038;
	[tilespmem:$0x1DD80] =	vst v63  }
0x25e: {  	s21 =	simm.s32 $0x19A00  }
0x25f: {  	[tilespmem:s21], [sflag:$0x2] =	stream.linear.gather [spmem:s13], $0x280, $0x200038;
	[tilespmem:$0x1DD80] =	vst v63  }
0x260: {  	s21 =	simm.s32 $0x19C80  }
0x261: {  	[tilespmem:s21], [sflag:$0x2] =	stream.linear.gather [spmem:s14], $0x280, $0x200038;
	[tilespmem:$0x1DD80] =	vst v63  }
0x262: {  	s21 =	simm.s32 $0x19F00  }
0x263: {  	[tilespmem:s21], [sflag:$0x2] =	stream.linear.gather [spmem:s15], $0x280, $0x200038;
	[tilespmem:$0x1DD80] =	vst v63  }
0x264: {  	s21 =	simm.s32 $0x1A180  }
0x265: {  	[tilespmem:s21], [sflag:$0x2] =	stream.linear.gather [spmem:s16], $0x280, $0x200038;
	[tilespmem:$0x1DD80] =	vst v63  }
0x266: {  	s21 =	simm.s32 $0x1A400  }
0x267: {  	[tilespmem:s21], [sflag:$0x2] =	stream.linear.gather [spmem:s17], $0x280, $0x200038;
	[tilespmem:$0x1DD80] =	vst v63  }
0x268: {  	s21 =	simm.s32 $0x1A680  }
0x269: {  	[tilespmem:s21], [sflag:$0x2] =	stream.linear.gather [spmem:s18], $0x280, $0x200038;
	[tilespmem:$0x1DD80] =	vst v63  }
0x26a: {  	s21 =	simm.s32 $0x1A900  }
0x26b: {  	[tilespmem:s21], [sflag:$0x2] =	stream.linear.gather [spmem:s19], $0x280, $0x200038;
	[tilespmem:$0x1DD80] =	vst v63  }
0x26c: {  	s21 =	simm.s32 $0x1AB80  }
0x26d: {  	[tilespmem:s21], [sflag:$0x2] =	stream.linear.gather [spmem:s20], $0x280, $0x200038;
	[tilespmem:$0x1DD80] =	vst v63  }
0x26e: {  	_ = 	snop  }
0x26f: {  	[tilespmem:s22], [sflag:$0x2] =	stream.linear.gather [spmem:s25], $0x280, $0x200038;
	[tilespmem:$0x1DD80] =	vst v63  }
0x270: {  	_ = 	snop  }
0x271: {  	[tilespmem:s23], [sflag:$0x2] =	stream.linear.gather [spmem:s26], $0x280, $0x200038;
	[tilespmem:$0x1DD80] =	vst v63  }
0x272: {  	_ = 	snop  }
0x273: {  	[tilespmem:s0], [sflag:$0x3] =	stream.linear.gather [spmem:s6], $0x280, $0x200038;
	[tilespmem:$0x1DD80] =	vst v63  }
0x274: {  	_ =	swait.ge [sflag:s1], $0x280  }
0x275: {  	[sflag:s1] =	ssyncset.done $0x0  }
0x276: {  	[sflag:s1] =	ssyncadd.s32 $0xFFFFFD80  }
0x277: {  	_ =	swait.ge [sflag:s24], $0x280  }
0x278: {  	[sflag:s24] =	ssyncset.done $0x0  }
0x279: {  	[sflag:s24] =	ssyncadd.s32 $0xFFFFFD80  }
0x27a: {  	_ =	swait.ge [sflag:s24], $0x280  }
0x27b: {  	[sflag:s24] =	ssyncset.done $0x0  }
0x27c: {  	[sflag:s24] =	ssyncadd.s32 $0xFFFFFD80  }
0x27d: {  	_ =	swait.ge [sflag:s24], $0x280  }
0x27e: {  	[sflag:s24] =	ssyncset.done $0x0  }
0x27f: {  	[sflag:s24] =	ssyncadd.s32 $0xFFFFFD80  }
0x280: {  	_ =	swait.ge [sflag:s24], $0x280  }
0x281: {  	[sflag:s24] =	ssyncset.done $0x0  }
0x282: {  	[sflag:s24] =	ssyncadd.s32 $0xFFFFFD80  }
0x283: {  	_ =	swait.ge [sflag:s24], $0x280  }
0x284: {  	[sflag:s24] =	ssyncset.done $0x0  }
0x285: {  	[sflag:s24] =	ssyncadd.s32 $0xFFFFFD80  }
0x286: {  	_ =	swait.ge [sflag:s24], $0x280  }
0x287: {  	[sflag:s24] =	ssyncset.done $0x0  }
0x288: {  	[sflag:s24] =	ssyncadd.s32 $0xFFFFFD80  }
0x289: {  	_ =	swait.ge [sflag:s24], $0x280  }
0x28a: {  	[sflag:s24] =	ssyncset.done $0x0  }
0x28b: {  	[sflag:s24] =	ssyncadd.s32 $0xFFFFFD80  }
0x28c: {  	_ =	swait.ge [sflag:s24], $0x280  }
0x28d: {  	[sflag:s24] =	ssyncset.done $0x0  }
0x28e: {  	[sflag:s24] =	ssyncadd.s32 $0xFFFFFD80  }
0x28f: {  	_ =	swait.ge [sflag:s24], $0x280  }
0x290: {  	[sflag:s24] =	ssyncset.done $0x0  }
0x291: {  	[sflag:s24] =	ssyncadd.s32 $0xFFFFFD80  }
0x292: {  	_ =	swait.ge [sflag:s24], $0x280  }
0x293: {  	[sflag:s24] =	ssyncset.done $0x0  }
0x294: {  	[sflag:s24] =	ssyncadd.s32 $0xFFFFFD80  }
0x295: {  	_ =	swait.ge [sflag:s24], $0x280  }
0x296: {  	[sflag:s24] =	ssyncset.done $0x0  }
0x297: {  	[sflag:s24] =	ssyncadd.s32 $0xFFFFFD80  }
0x298: {  	_ =	swait.ge [sflag:s24], $0x280  }
0x299: {  	[sflag:s24] =	ssyncset.done $0x0  }
0x29a: {  	[sflag:s24] =	ssyncadd.s32 $0xFFFFFD80  }
0x29b: {  	_ =	swait.ge [sflag:s24], $0x280  }
0x29c: {  	[sflag:s24] =	ssyncset.done $0x0  }
0x29d: {  	[sflag:s24] =	ssyncadd.s32 $0xFFFFFD80  }
0x29e: {  	_ =	swait.ge [sflag:s24], $0x280  }
0x29f: {  	[sflag:s24] =	ssyncset.done $0x0  }
0x2a0: {  	[sflag:s24] =	ssyncadd.s32 $0xFFFFFD80  }
0x2a1: {  	_ =	swait.ge [sflag:s24], $0x280  }
0x2a2: {  	[sflag:s24] =	ssyncset.done $0x0  }
0x2a3: {  	s4 =	sand.u32 $0x3F0, s4;
	[sflag:s24] =	ssyncadd.s32 $0xFFFFFD80  }
0x2a4: {  	s5 =	simm.s32 $0x10;
	v2 =	vld [tilespmem:s4+$0x18D80]  }
.LBB2_10:
0x2a5: {  	p0 =	sne.s32 s5, $0x270;
	v3 =	vld [tilespmem:s0+$0x0];
	_ =	sdelay $0x1  }
0x2a6: {  	v4 =	vld [tilespmem:s4+$0x19000];
	_ =	sdelay $0x1  }
0x2a7: {  	v5 =	vld [tilespmem:s4+$0x19280]  }
0x2a8: {  	v2 =	vadd.f32 v2, v3  }
0x2a9: {  	v3 =	vld [tilespmem:s4+$0x19500]  }
0x2aa: {  	v2 =	vadd.f32 v4, v2  }
0x2ab: {  	v4 =	vld [tilespmem:s4+$0x19780]  }
0x2ac: {  	v2 =	vadd.f32 v5, v2  }
0x2ad: {  	v5 =	vld [tilespmem:s4+$0x19A00]  }
0x2ae: {  	v2 =	vadd.f32 v3, v2  }
0x2af: {  	v3 =	vld [tilespmem:s4+$0x19C80]  }
0x2b0: {  	v2 =	vadd.f32 v4, v2  }
0x2b1: {  	v4 =	vld [tilespmem:s4+$0x19F00]  }
0x2b2: {  	v2 =	vadd.f32 v5, v2  }
0x2b3: {  	v5 =	vld [tilespmem:s4+$0x1A180]  }
0x2b4: {  	v2 =	vadd.f32 v3, v2  }
0x2b5: {  	v3 =	vld [tilespmem:s4+$0x1A400]  }
0x2b6: {  	v2 =	vadd.f32 v4, v2  }
0x2b7: {  	v4 =	vld [tilespmem:s4+$0x1A680]  }
0x2b8: {  	v2 =	vadd.f32 v5, v2  }
0x2b9: {  	v5 =	vld [tilespmem:s4+$0x1A900]  }
0x2ba: {  	v2 =	vadd.f32 v3, v2  }
0x2bb: {  	v3 =	vld [tilespmem:s4+$0x1AB80]  }
0x2bc: {  	v2 =	vadd.f32 v4, v2  }
0x2bd: {  	v4 =	vld [tilespmem:s4+$0x1AE00]  }
0x2be: {  	v2 =	vadd.f32 v5, v2  }
0x2bf: {  	v5 =	vld [tilespmem:s4+$0x1B080]  }
0x2c0: {  	v2 =	vadd.f32 v3, v2;
	_ =	sdelay $0x1  }
0x2c1: {  	v2 =	vadd.f32 v4, v2  }
.Ltmp4:
0x2c2: {  	(pc) =	sbr.rel @p0 .LBB2_10-.Ltmp4, $3  }
0x2c3: {  	v2 =	vadd.f32 v5, v2;
	_ =	sdelay $0x1  }
0x2c4: {  	s4 =	sand.u32 $0x3F0, s5;
	[tilespmem:s0+$0x0] =	vst v2  }
0x2c5: {  	s5 =	sadd.s32 $0x10, s5;
	s0 =	sadd.s32 $0x10, s0;
	v2 =	vld [tilespmem:s4+$0x18D80]  }
0x2c6: {  	v3 =	vld [tilespmem:s0+$0x0];
	_ =	sdelay $0x1  }
0x2c7: {  	v4 =	vld [tilespmem:s4+$0x19000];
	_ =	sdelay $0x1  }
0x2c8: {  	v5 =	vld [tilespmem:s4+$0x19280]  }
0x2c9: {  	v2 =	vadd.f32 v2, v3  }
0x2ca: {  	v3 =	vld [tilespmem:s4+$0x19500]  }
0x2cb: {  	v2 =	vadd.f32 v4, v2  }
0x2cc: {  	v56 =	vld [tilespmem:s4+$0x19780]  }
0x2cd: {  	v2 =	vadd.f32 v5, v2  }
0x2ce: {  	v57 =	vld [tilespmem:s4+$0x19A00]  }
0x2cf: {  	v2 =	vadd.f32 v3, v2  }
0x2d0: {  	v3 =	vld [tilespmem:s4+$0x19C80]  }
0x2d1: {  	v2 =	vadd.f32 v56, v2  }
0x2d2: {  	v58 =	vld [tilespmem:s4+$0x19F00]  }
0x2d3: {  	v2 =	vadd.f32 v57, v2  }
0x2d4: {  	v59 =	vld [tilespmem:s4+$0x1A180]  }
0x2d5: {  	v2 =	vadd.f32 v3, v2  }
0x2d6: {  	v3 =	vld [tilespmem:s4+$0x1A400]  }
0x2d7: {  	v2 =	vadd.f32 v58, v2  }
0x2d8: {  	v60 =	vld [tilespmem:s4+$0x1A680]  }
0x2d9: {  	v2 =	vadd.f32 v59, v2  }
0x2da: {  	v61 =	vld [tilespmem:s4+$0x1A900]  }
0x2db: {  	v2 =	vadd.f32 v3, v2  }
0x2dc: {  	v3 =	vld [tilespmem:s4+$0x1AB80]  }
0x2dd: {  	v2 =	vadd.f32 v60, v2  }
0x2de: {  	v62 =	vld [tilespmem:s4+$0x1AE00]  }
0x2df: {  	v2 =	vadd.f32 v61, v2  }
0x2e0: {  	v63 =	vld [tilespmem:s4+$0x1B080]  }
0x2e1: {  	v2 =	vadd.f32 v3, v2;
	_ =	sdelay $0x1  }
0x2e2: {  	v2 =	vadd.f32 v62, v2;
	_ =	sdelay $0x1  }
0x2e3: {  	v2 =	vadd.f32 v63, v2;
	_ =	sdelay $0x1  }
0x2e4: {  	s5 =	simm.s32 $0x1B300;
	s4 =	rddreg [dreg:$0x9];
	[tilespmem:s0+$0x0] =	vst v2  }
0x2e5: {  	[hbm4b:s4+s3] =	stream.linear.scatter [tilespmem:s5], [sflag:$0x3], $0x280, $0x200038;
	[tilespmem:$0x1DD80] =	vst v63  }
0x2e6: {  	_ =	swait.ge [sflag:s1], $0x280  }
0x2e7: {  	[sflag:s1] =	ssyncset.done $0x0  }
0x2e8: {  	[sflag:s1] =	ssyncadd.s32 $0xFFFFFD80  }
0x2e9: {  	[bflag:$0x0] =	sbarrier.arrive $0xFFFF  }
0x2ea: {  	s28 =	sadd.s32 $0x1, s28;
	s21 =	rddreg [dreg:$0xa]  }
0x2eb: {  	p0 =	sne.s32 s28, s21  }
.Ltmp5:
0x2ec: {  	_ = 	snop;
	(pc) =	sbr.rel @p0 .LBB2_1-.Ltmp5, $2  }
0x2ed: {  	_ =	sdelay $0x2  }
0x2ee: {  	_ =	strace $0x90000049  }
0x2ef: {  	_ =	sfence.sel $0x180000  }
0x2f0: {  	[bflag:$0x0] =	sbarrier.arrive $0xFFFF  }
0x2f1: {  	_ =	strace $0x90000047  }
0x2f2: {  	s0 =	stileid.u32;
	[bflag:$0x2] =	sbarrier.arrive $0xFFFF  }
0x2f3: {  	p0 =	sne.s32 s0, $0x0;
	s0 =	rddreg [dreg:$0x4]  }
0x2f4: {  	s0 =	sadd.s32 @!p0 $0x100000, s0  }
0x2f5: {  	[sflag:s0] =	ssyncadd.tile.s32 @!p0 $0x1;
	_ =	shalt  }
.Lfunc_end2:
_tile_overlayer_lowered:
.L_overlay_start_2:
0x2f6: {  	(tag) =	ssettag $0x2  }
0x2f7: {  	s0 =	rddreg [dreg:$0x0];
	s2 =	stileid.u32  }
0x2f8: {  	s1 =	rddreg [dreg:$0x1];
	p0 =	sne.s32 s2, $0x0  }
0x2f9: {  	s3 =	rddreg [dreg:$0x2];
	[bflag:$0x3] =	sbarrier.arrive $0xFFFF;
	s2 =	simm.s32 @!p0 $0x1C03  }
0x2fa: {  	[timem:s3], [sflag:s2] =	dma.local @!p0 [hbm:s0], s1  }
0x2fb: {  	s0 =	simm.s32 @!p0 $0x3  }
0x2fc: {  	_ =	swait.ge @!p0 [sflag:s0], s1  }
0x2fd: {  	s1 =	ssub.s32 @!p0 $0x0, s1;
	[sflag:s0] =	ssyncset.done @!p0 $0x0  }
0x2fe: {  	[sflag:s0] =	ssyncadd.s32 @!p0 s1  }
0x2ff: {  	[bflag:$0x3] =	sbarrier.arrive $0xFFFF  }
0x300: {  	_ =	shalt  }

</sc_bundles>
